<compile_context>
chip_gen: v7x
topology: tpu7x:2x2x1
jax: 0.10.2.dev20260603
libtpu: 0.0.44.dev20260713+nightly
codegen_flags: <defaults>
</compile_context>

<pallas_src>
import functools

import jax
import jax.numpy as jnp
from jax import lax
from jax.experimental import pallas as pl
from jax.experimental.pallas import tpu as pltpu
from jax.experimental.pallas import tpu_sc as plsc

_N = 10000
_D = 128
_E = 320000
_E_TAR = 8192

_NC = 2
_NS = 16
_NG = 3

_N_PAD = 10240
_CHUNK = 128
_NCHUNK = 79
_EPT = _NCHUNK * _CHUNK
_E_PAD = _NC * _NS * _EPT
_TROWS = _N_PAD // _NS

_GCHUNK = 64
_E_ALL = 2 * _E_TAR


def _prep_body(x_ref, deg_ref, x3_ref, degrev_ref):
    x = x_ref[...]
    deg = deg_ref[...]
    x3_ref[0] = x
    x3_ref[1] = x * lax.rsqrt(deg)
    x3_ref[2] = x * jnp.sqrt(deg)
    degrev_ref[...] = jnp.reciprocal(deg)


_prep = pl.pallas_call(
    _prep_body,
    out_shape=[
        jax.ShapeDtypeStruct((_NG, _N_PAD, _D), jnp.float32),
        jax.ShapeDtypeStruct((_N_PAD, 1), jnp.float32),
    ],
)


def _make_spmm():
    mesh = plsc.VectorSubcoreMesh(core_axis_name="c", subcore_axis_name="s")

    scratch = [
        pltpu.VMEM((_CHUNK,), jnp.int32),
        pltpu.VMEM((_CHUNK,), jnp.int32),
        pltpu.VMEM((_CHUNK, _D), jnp.float32),
        pltpu.VMEM((64, _D), jnp.float32),
        pltpu.VMEM_SHARED((_N_PAD, _D), jnp.float32),
        pltpu.SemaphoreType.DMA,
    ]

    def body(src, col, row, out, colv, rowv, gbuf, zbuf, acc, sem):
        cid = lax.axis_index("c")
        sid = lax.axis_index("s")
        ebase = (cid * _NS + sid) * _EPT
        zero = jnp.zeros((16,), jnp.float32)

        def zrow(r, carry):
            for v in range(_D // 16):
                zbuf[r, pl.ds(v * 16, 16)] = zero
            return carry

        lax.fori_loop(0, 64, zrow, 0)
        tb = sid * _TROWS

        for g in range(_NG):
            def zpiece(i, carry):
                pltpu.sync_copy(zbuf, acc.at[pl.ds(tb + i * 64, 64)])
                return carry

            lax.fori_loop(0, _TROWS // 64, zpiece, 0)
            plsc.subcore_barrier()

            def chunk(c, carry):
                b = ebase + c * _CHUNK
                pltpu.sync_copy(col.at[pl.ds(b, _CHUNK)], colv)
                pltpu.sync_copy(row.at[pl.ds(b, _CHUNK)], rowv)
                pltpu.async_copy(src.at[g].at[colv], gbuf, sem).wait()
                pltpu.sync_copy(gbuf, acc.at[rowv], add=True)
                return carry

            lax.fori_loop(0, _NCHUNK, chunk, 0)
            plsc.subcore_barrier()

            pltpu.sync_copy(acc.at[pl.ds(tb, _TROWS)],
                            out.at[g, cid, pl.ds(tb, _TROWS)])
            plsc.subcore_barrier()


    return functools.partial(
        pl.kernel,
        mesh=mesh,
        out_type=jax.ShapeDtypeStruct((_NG, _NC, _N_PAD, _D), jnp.float32),
        scratch_types=scratch,
    )(body)


_spmm = _make_spmm()


def _combine_body(p_ref, degrev_ref, sub_ref, out_ref, *, subtract):
    dr = degrev_ref[...]
    for g in range(_NG):
        h = (p_ref[g, 0] + p_ref[g, 1]) * dr
        if subtract:
            h = h - sub_ref[g]
        out_ref[g] = h


def _make_combine(subtract: bool):
    bn = 1024
    grid = (_N_PAD // bn,)
    return pl.pallas_call(
        functools.partial(_combine_body, subtract=subtract),
        grid=grid,
        in_specs=[
            pl.BlockSpec((_NG, _NC, bn, _D), lambda i: (0, 0, i, 0)),
            pl.BlockSpec((bn, 1), lambda i: (i, 0)),
            pl.BlockSpec((_NG, bn, _D), lambda i: (0, i, 0)),
        ],
        out_specs=pl.BlockSpec((_NG, bn, _D), lambda i: (0, i, 0)),
        out_shape=jax.ShapeDtypeStruct((_NG, _N_PAD, _D), jnp.float32),
    )


_combine = _make_combine(False)
_combine_sub = _make_combine(True)


def _make_edge_gather():
    mesh = plsc.VectorSubcoreMesh(core_axis_name="c", subcore_axis_name="s")

    scratch = [
        pltpu.VMEM((_GCHUNK,), jnp.int32),
    ] + [
        pltpu.VMEM((_GCHUNK, _D), jnp.float32) for _ in range(9)
    ] + [
        pltpu.SemaphoreType.DMA,
    ]

    def body(x3, h1, h2, eidx, out, ev, *rest):
        gbufs = rest[:9]
        sem = rest[9]
        cid = lax.axis_index("c")
        sid = lax.axis_index("s")
        wid = sid * _NC + cid
        per_w = _E_ALL // (_NC * _NS)

        def chunk(c, carry):
            b = wid * per_w + c * _GCHUNK
            pltpu.sync_copy(eidx.at[pl.ds(b, _GCHUNK)], ev)
            for a in range(9):
                src = (x3, h1, h2)[a // 3]
                pltpu.make_async_copy(src.at[a % 3].at[ev], gbufs[a],
                                      sem).start()
            for a in range(9):
                src = (x3, h1, h2)[a // 3]
                pltpu.make_async_copy(src.at[a % 3].at[ev], gbufs[a],
                                      sem).wait()
            for a in range(9):
                pltpu.sync_copy(
                    gbufs[a], out.at[pl.ds(b, _GCHUNK), pl.ds(a * _D, _D)])
            return carry

        lax.fori_loop(0, per_w // _GCHUNK, chunk, 0)

    return functools.partial(
        pl.kernel,
        mesh=mesh,
        out_type=jax.ShapeDtypeStruct((_E_ALL, 9 * _D), jnp.float32),
        scratch_types=scratch,
    )(body)


_edge_gather = _make_edge_gather()


def kernel(x, edge, adj_index, deg):
    x_pad = jnp.pad(x, ((0, _N_PAD - _N), (0, 0)))
    deg_pad = jnp.pad(deg, ((0, _N_PAD - _N), (0, 0)), constant_values=1.0)
    padidx = _N + (jnp.arange(_E_PAD - _E, dtype=jnp.int32) % (_N_PAD - _N))
    row = jnp.concatenate([adj_index[0], padidx])
    col = jnp.concatenate([adj_index[1], padidx])

    x3, degrev = _prep(x_pad, deg_pad)
    zero_sub = jnp.zeros((_NG, _N_PAD, _D), jnp.float32)
    h1 = _combine(_spmm(x3, col, row), degrev, zero_sub)
    h2 = _combine_sub(_spmm(h1, col, row), degrev, x3)

    g = _edge_gather(x3, h1, h2, edge.reshape(_E_ALL))
    out = g.reshape(_E_ALL, 9, _D).transpose(0, 2, 1)
    return out.reshape(2, _E_TAR, _D, 9)

# --- scband reference (transcript-rebuilt; emitter-appended) ---
"""Pipeline reference for scband-node-feat-61512521613940 (READ-ONLY COPY).

The authoritative reference and input builder live on the scoring server;
editing this copy changes nothing except your own understanding.
"""

import jax, jax.numpy as jnp
import numpy as np

HOP = 2
N = 10000
D = 128
E_ADJ = 320000
E_TAR = 8192


def setup_inputs(seed: int = 0) -> dict:
    key = jax.random.key(seed)
    k1, k2, k3, k4 = jax.random.split(key, 4)
    x = jax.random.normal(k1, (N, D), dtype=jnp.float32)
    edge = jax.random.randint(k2, (2, E_TAR), 0, N, dtype=jnp.int32)
    adj_index = jax.random.randint(k3, (2, E_ADJ), 0, N, dtype=jnp.int32)
    # degree must be strictly positive (reciprocal / rsqrt / sqrt applied)
    deg = jax.random.uniform(k4, (N, 1), minval=1.0, maxval=8.0, dtype=jnp.float32)
    return {"x": x, "edge": edge, "adj_index": adj_index, "deg": deg}


def reference(x, edge, adj_index, deg):
    n, d = x.shape
    degrev = jnp.reciprocal(deg)
    xc = jnp.concatenate([x, x * jax.lax.rsqrt(deg), x * jnp.sqrt(deg)], axis=1)
    row = adj_index[0]
    col = adj_index[1]

    def spmm(v):
        # adj_t @ v for COO adjacency: gather source rows, scatter-add to dst
        return jax.ops.segment_sum(jnp.take(v, col, axis=0), row, num_segments=n)

    xs = [xc, degrev * spmm(xc)]
    for _ in range(2, HOP + 1):
        xs.append(degrev * spmm(xs[-1]) - xs[-2])
    out = jnp.concatenate(xs, axis=1)
    # unflatten(1, (-1, D)).transpose(1, 2)
    out = out.reshape(n, -1, d).transpose(0, 2, 1)
    return out[edge]

if __name__ == "__main__":
    import jax
    _d = setup_inputs()
    print(jax.jit(kernel)(*tuple(_d.values())))

</pallas_src>

<mosaic_0001>
#map = affine_map<(d0, d1) -> (0, 0, 0)>
#map1 = affine_map<(d0, d1) -> (0)>
#map2 = affine_map<(d0, d1) -> (0, 0)>
module attributes {stable_mosaic.version = 14 : i64} {
  func.func @body(%arg0: i32, %arg1: i32, %arg2: memref<3x10240x128xf32, #tpu.memory_space<hbm>>, %arg3: memref<3x10240x128xf32, #tpu.memory_space<hbm>>, %arg4: memref<3x10240x128xf32, #tpu.memory_space<hbm>>, %arg5: memref<16384xi32, #tpu.memory_space<hbm>>, %arg6: memref<16384x1152xf32, #tpu.memory_space<hbm>>, %arg7: memref<64xi32, #tpu.memory_space<vmem>>, %arg8: memref<64x128xf32, #tpu.memory_space<vmem>>, %arg9: memref<64x128xf32, #tpu.memory_space<vmem>>, %arg10: memref<64x128xf32, #tpu.memory_space<vmem>>, %arg11: memref<64x128xf32, #tpu.memory_space<vmem>>, %arg12: memref<64x128xf32, #tpu.memory_space<vmem>>, %arg13: memref<64x128xf32, #tpu.memory_space<vmem>>, %arg14: memref<64x128xf32, #tpu.memory_space<vmem>>, %arg15: memref<64x128xf32, #tpu.memory_space<vmem>>, %arg16: memref<64x128xf32, #tpu.memory_space<vmem>>, %arg17: memref<!tpu.dma_semaphore, #tpu.memory_space<semaphore_mem>>) attributes {dimension_semantics = [#tpu.dimension_semantics<core_parallel>, #tpu.dimension_semantics<subcore_parallel>], iteration_bounds = array<i64: 2, 16>, scalar_prefetch = 0 : i64, scratch_operands = 11 : i64, tpu.core_type = #tpu.core_type<sc_vector_subcore>, window_params = [{transform_indices = #map}, {transform_indices = #map}, {transform_indices = #map}, {transform_indices = #map1}, {transform_indices = #map2}]} {
    %mul3A = arith.constant 2 : i32
    %mul3A_0 = arith.muli %arg1, %mul3A : i32
    %add3A = arith.addi %mul3A_0, %arg0 : i32
    %scan3A = arith.constant 0 : i32
    %scan3A_1 = arith.constant 0 : i32
    %scan3A_2 = arith.constant 8 : i32
    %scan3A_3 = arith.addi %scan3A_1, %scan3A_2 : i32
    %scan3A_4 = arith.constant 1 : i32
    scf.for %scan3A_6 = %scan3A_1 to %scan3A_3 step %scan3A_4  : i32 {
      %mul3A_7 = arith.constant 512 : i32
      %mul3A_8 = arith.muli %add3A, %mul3A_7 : i32
      %mul3A_9 = arith.constant 64 : i32
      %mul3A_10 = arith.muli %scan3A_6, %mul3A_9 : i32
      %add3A_11 = arith.addi %mul3A_8, %mul3A_10 : i32
      "tpu.region"() ({
        %run_scoped3A = tpu.sem_alloc : memref<!tpu.dma_semaphore, #tpu.memory_space<semaphore_mem>>
        %dma_start3A_154 = tpu.memref_slice %arg5[%add3A_11] : memref<16384xi32, #tpu.memory_space<hbm>> -> memref<64xi32, #tpu.memory_space<hbm>>
        %dma_start3A_155 = tpu.memref_slice %arg5[%add3A_11] : memref<16384xi32, #tpu.memory_space<hbm>> -> memref<64xi32, #tpu.memory_space<hbm>>
        tpu.enqueue_dma source(%dma_start3A_155 : memref<64xi32, #tpu.memory_space<hbm>>) target(%arg7 : memref<64xi32, #tpu.memory_space<vmem>>) target_semaphore(%run_scoped3A : memref<!tpu.dma_semaphore, #tpu.memory_space<semaphore_mem>>)
        %dma_wait3A_156 = tpu.memref_slice %arg5[%add3A_11] : memref<16384xi32, #tpu.memory_space<hbm>> -> memref<64xi32, #tpu.memory_space<hbm>>
        %dma_wait3A_157 = tpu.memref_slice %arg5[%add3A_11] : memref<16384xi32, #tpu.memory_space<hbm>> -> memref<64xi32, #tpu.memory_space<hbm>>
        tpu.wait_dma2 semaphore(%run_scoped3A : memref<!tpu.dma_semaphore, #tpu.memory_space<semaphore_mem>>) src(%dma_wait3A_157 : memref<64xi32, #tpu.memory_space<hbm>>) dst(%arg7 : memref<64xi32, #tpu.memory_space<vmem>>)
        tpu.yield
      }) : () -> ()
      %dma_start3A = arith.constant 0 : i32
      %dma_start3A_12 = arith.constant 0 : i32
      %dma_start3A_13 = arith.constant 0 : i32
      %dma_start3A_14 = tpu.memref_slice %arg2[%dma_start3A, %dma_start3A_12, %dma_start3A_13] : memref<3x10240x128xf32, #tpu.memory_space<hbm>> -> memref<1x10240x128xf32, #tpu.memory_space<hbm>>
      %dma_start3A_15 = tpu.memref_squeeze %dma_start3A_14 : memref<1x10240x128xf32, #tpu.memory_space<hbm>> -> memref<10240x128xf32, #tpu.memory_space<hbm>>
      %dma_start3A_16 = arith.constant 0 : i32
      %dma_start3A_17 = arith.constant 0 : i32
      %dma_start3A_18 = tpu.memref_slice %dma_start3A_15[%dma_start3A_16, %dma_start3A_17] : memref<10240x128xf32, #tpu.memory_space<hbm>> -> memref<10240x128xf32, #tpu.memory_space<hbm>>
      tpu.enqueue_indirect_dma source(%dma_start3A_18 : memref<10240x128xf32, #tpu.memory_space<hbm>>) target(%arg8 : memref<64x128xf32, #tpu.memory_space<vmem>>) offsets(%arg7 : memref<64xi32, #tpu.memory_space<vmem>>) semaphore(%arg17 : memref<!tpu.dma_semaphore, #tpu.memory_space<semaphore_mem>>)
      %dma_start3A_19 = arith.constant 1 : i32
      %dma_start3A_20 = arith.constant 0 : i32
      %dma_start3A_21 = arith.constant 0 : i32
      %dma_start3A_22 = tpu.memref_slice %arg2[%dma_start3A_19, %dma_start3A_20, %dma_start3A_21] : memref<3x10240x128xf32, #tpu.memory_space<hbm>> -> memref<1x10240x128xf32, #tpu.memory_space<hbm>>
      %dma_start3A_23 = tpu.memref_squeeze %dma_start3A_22 : memref<1x10240x128xf32, #tpu.memory_space<hbm>> -> memref<10240x128xf32, #tpu.memory_space<hbm>>
      %dma_start3A_24 = arith.constant 0 : i32
      %dma_start3A_25 = arith.constant 0 : i32
      %dma_start3A_26 = tpu.memref_slice %dma_start3A_23[%dma_start3A_24, %dma_start3A_25] : memref<10240x128xf32, #tpu.memory_space<hbm>> -> memref<10240x128xf32, #tpu.memory_space<hbm>>
      tpu.enqueue_indirect_dma source(%dma_start3A_26 : memref<10240x128xf32, #tpu.memory_space<hbm>>) target(%arg9 : memref<64x128xf32, #tpu.memory_space<vmem>>) offsets(%arg7 : memref<64xi32, #tpu.memory_space<vmem>>) semaphore(%arg17 : memref<!tpu.dma_semaphore, #tpu.memory_space<semaphore_mem>>)
      %dma_start3A_27 = arith.constant 2 : i32
      %dma_start3A_28 = arith.constant 0 : i32
      %dma_start3A_29 = arith.constant 0 : i32
      %dma_start3A_30 = tpu.memref_slice %arg2[%dma_start3A_27, %dma_start3A_28, %dma_start3A_29] : memref<3x10240x128xf32, #tpu.memory_space<hbm>> -> memref<1x10240x128xf32, #tpu.memory_space<hbm>>
      %dma_start3A_31 = tpu.memref_squeeze %dma_start3A_30 : memref<1x10240x128xf32, #tpu.memory_space<hbm>> -> memref<10240x128xf32, #tpu.memory_space<hbm>>
      %dma_start3A_32 = arith.constant 0 : i32
      %dma_start3A_33 = arith.constant 0 : i32
      %dma_start3A_34 = tpu.memref_slice %dma_start3A_31[%dma_start3A_32, %dma_start3A_33] : memref<10240x128xf32, #tpu.memory_space<hbm>> -> memref<10240x128xf32, #tpu.memory_space<hbm>>
      tpu.enqueue_indirect_dma source(%dma_start3A_34 : memref<10240x128xf32, #tpu.memory_space<hbm>>) target(%arg10 : memref<64x128xf32, #tpu.memory_space<vmem>>) offsets(%arg7 : memref<64xi32, #tpu.memory_space<vmem>>) semaphore(%arg17 : memref<!tpu.dma_semaphore, #tpu.memory_space<semaphore_mem>>)
      %dma_start3A_35 = arith.constant 0 : i32
      %dma_start3A_36 = arith.constant 0 : i32
      %dma_start3A_37 = arith.constant 0 : i32
      %dma_start3A_38 = tpu.memref_slice %arg3[%dma_start3A_35, %dma_start3A_36, %dma_start3A_37] : memref<3x10240x128xf32, #tpu.memory_space<hbm>> -> memref<1x10240x128xf32, #tpu.memory_space<hbm>>
      %dma_start3A_39 = tpu.memref_squeeze %dma_start3A_38 : memref<1x10240x128xf32, #tpu.memory_space<hbm>> -> memref<10240x128xf32, #tpu.memory_space<hbm>>
      %dma_start3A_40 = arith.constant 0 : i32
      %dma_start3A_41 = arith.constant 0 : i32
      %dma_start3A_42 = tpu.memref_slice %dma_start3A_39[%dma_start3A_40, %dma_start3A_41] : memref<10240x128xf32, #tpu.memory_space<hbm>> -> memref<10240x128xf32, #tpu.memory_space<hbm>>
      tpu.enqueue_indirect_dma source(%dma_start3A_42 : memref<10240x128xf32, #tpu.memory_space<hbm>>) target(%arg11 : memref<64x128xf32, #tpu.memory_space<vmem>>) offsets(%arg7 : memref<64xi32, #tpu.memory_space<vmem>>) semaphore(%arg17 : memref<!tpu.dma_semaphore, #tpu.memory_space<semaphore_mem>>)
      %dma_start3A_43 = arith.constant 1 : i32
      %dma_start3A_44 = arith.constant 0 : i32
      %dma_start3A_45 = arith.constant 0 : i32
      %dma_start3A_46 = tpu.memref_slice %arg3[%dma_start3A_43, %dma_start3A_44, %dma_start3A_45] : memref<3x10240x128xf32, #tpu.memory_space<hbm>> -> memref<1x10240x128xf32, #tpu.memory_space<hbm>>
      %dma_start3A_47 = tpu.memref_squeeze %dma_start3A_46 : memref<1x10240x128xf32, #tpu.memory_space<hbm>> -> memref<10240x128xf32, #tpu.memory_space<hbm>>
      %dma_start3A_48 = arith.constant 0 : i32
      %dma_start3A_49 = arith.constant 0 : i32
      %dma_start3A_50 = tpu.memref_slice %dma_start3A_47[%dma_start3A_48, %dma_start3A_49] : memref<10240x128xf32, #tpu.memory_space<hbm>> -> memref<10240x128xf32, #tpu.memory_space<hbm>>
      tpu.enqueue_indirect_dma source(%dma_start3A_50 : memref<10240x128xf32, #tpu.memory_space<hbm>>) target(%arg12 : memref<64x128xf32, #tpu.memory_space<vmem>>) offsets(%arg7 : memref<64xi32, #tpu.memory_space<vmem>>) semaphore(%arg17 : memref<!tpu.dma_semaphore, #tpu.memory_space<semaphore_mem>>)
      %dma_start3A_51 = arith.constant 2 : i32
      %dma_start3A_52 = arith.constant 0 : i32
      %dma_start3A_53 = arith.constant 0 : i32
      %dma_start3A_54 = tpu.memref_slice %arg3[%dma_start3A_51, %dma_start3A_52, %dma_start3A_53] : memref<3x10240x128xf32, #tpu.memory_space<hbm>> -> memref<1x10240x128xf32, #tpu.memory_space<hbm>>
      %dma_start3A_55 = tpu.memref_squeeze %dma_start3A_54 : memref<1x10240x128xf32, #tpu.memory_space<hbm>> -> memref<10240x128xf32, #tpu.memory_space<hbm>>
      %dma_start3A_56 = arith.constant 0 : i32
      %dma_start3A_57 = arith.constant 0 : i32
      %dma_start3A_58 = tpu.memref_slice %dma_start3A_55[%dma_start3A_56, %dma_start3A_57] : memref<10240x128xf32, #tpu.memory_space<hbm>> -> memref<10240x128xf32, #tpu.memory_space<hbm>>
      tpu.enqueue_indirect_dma source(%dma_start3A_58 : memref<10240x128xf32, #tpu.memory_space<hbm>>) target(%arg13 : memref<64x128xf32, #tpu.memory_space<vmem>>) offsets(%arg7 : memref<64xi32, #tpu.memory_space<vmem>>) semaphore(%arg17 : memref<!tpu.dma_semaphore, #tpu.memory_space<semaphore_mem>>)
      %dma_start3A_59 = arith.constant 0 : i32
      %dma_start3A_60 = arith.constant 0 : i32
      %dma_start3A_61 = arith.constant 0 : i32
      %dma_start3A_62 = tpu.memref_slice %arg4[%dma_start3A_59, %dma_start3A_60, %dma_start3A_61] : memref<3x10240x128xf32, #tpu.memory_space<hbm>> -> memref<1x10240x128xf32, #tpu.memory_space<hbm>>
      %dma_start3A_63 = tpu.memref_squeeze %dma_start3A_62 : memref<1x10240x128xf32, #tpu.memory_space<hbm>> -> memref<10240x128xf32, #tpu.memory_space<hbm>>
      %dma_start3A_64 = arith.constant 0 : i32
      %dma_start3A_65 = arith.constant 0 : i32
      %dma_start3A_66 = tpu.memref_slice %dma_start3A_63[%dma_start3A_64, %dma_start3A_65] : memref<10240x128xf32, #tpu.memory_space<hbm>> -> memref<10240x128xf32, #tpu.memory_space<hbm>>
      tpu.enqueue_indirect_dma source(%dma_start3A_66 : memref<10240x128xf32, #tpu.memory_space<hbm>>) target(%arg14 : memref<64x128xf32, #tpu.memory_space<vmem>>) offsets(%arg7 : memref<64xi32, #tpu.memory_space<vmem>>) semaphore(%arg17 : memref<!tpu.dma_semaphore, #tpu.memory_space<semaphore_mem>>)
      %dma_start3A_67 = arith.constant 1 : i32
      %dma_start3A_68 = arith.constant 0 : i32
      %dma_start3A_69 = arith.constant 0 : i32
      %dma_start3A_70 = tpu.memref_slice %arg4[%dma_start3A_67, %dma_start3A_68, %dma_start3A_69] : memref<3x10240x128xf32, #tpu.memory_space<hbm>> -> memref<1x10240x128xf32, #tpu.memory_space<hbm>>
      %dma_start3A_71 = tpu.memref_squeeze %dma_start3A_70 : memref<1x10240x128xf32, #tpu.memory_space<hbm>> -> memref<10240x128xf32, #tpu.memory_space<hbm>>
      %dma_start3A_72 = arith.constant 0 : i32
      %dma_start3A_73 = arith.constant 0 : i32
      %dma_start3A_74 = tpu.memref_slice %dma_start3A_71[%dma_start3A_72, %dma_start3A_73] : memref<10240x128xf32, #tpu.memory_space<hbm>> -> memref<10240x128xf32, #tpu.memory_space<hbm>>
      tpu.enqueue_indirect_dma source(%dma_start3A_74 : memref<10240x128xf32, #tpu.memory_space<hbm>>) target(%arg15 : memref<64x128xf32, #tpu.memory_space<vmem>>) offsets(%arg7 : memref<64xi32, #tpu.memory_space<vmem>>) semaphore(%arg17 : memref<!tpu.dma_semaphore, #tpu.memory_space<semaphore_mem>>)
      %dma_start3A_75 = arith.constant 2 : i32
      %dma_start3A_76 = arith.constant 0 : i32
      %dma_start3A_77 = arith.constant 0 : i32
      %dma_start3A_78 = tpu.memref_slice %arg4[%dma_start3A_75, %dma_start3A_76, %dma_start3A_77] : memref<3x10240x128xf32, #tpu.memory_space<hbm>> -> memref<1x10240x128xf32, #tpu.memory_space<hbm>>
      %dma_start3A_79 = tpu.memref_squeeze %dma_start3A_78 : memref<1x10240x128xf32, #tpu.memory_space<hbm>> -> memref<10240x128xf32, #tpu.memory_space<hbm>>
      %dma_start3A_80 = arith.constant 0 : i32
      %dma_start3A_81 = arith.constant 0 : i32
      %dma_start3A_82 = tpu.memref_slice %dma_start3A_79[%dma_start3A_80, %dma_start3A_81] : memref<10240x128xf32, #tpu.memory_space<hbm>> -> memref<10240x128xf32, #tpu.memory_space<hbm>>
      tpu.enqueue_indirect_dma source(%dma_start3A_82 : memref<10240x128xf32, #tpu.memory_space<hbm>>) target(%arg16 : memref<64x128xf32, #tpu.memory_space<vmem>>) offsets(%arg7 : memref<64xi32, #tpu.memory_space<vmem>>) semaphore(%arg17 : memref<!tpu.dma_semaphore, #tpu.memory_space<semaphore_mem>>)
      %dma_wait3A = arith.constant 0 : i32
      %dma_wait3A_83 = arith.constant 0 : i32
      %dma_wait3A_84 = arith.constant 0 : i32
      %dma_wait3A_85 = tpu.memref_slice %arg2[%dma_wait3A, %dma_wait3A_83, %dma_wait3A_84] : memref<3x10240x128xf32, #tpu.memory_space<hbm>> -> memref<1x10240x128xf32, #tpu.memory_space<hbm>>
      %dma_wait3A_86 = tpu.memref_squeeze %dma_wait3A_85 : memref<1x10240x128xf32, #tpu.memory_space<hbm>> -> memref<10240x128xf32, #tpu.memory_space<hbm>>
      %dma_wait3A_87 = arith.constant 0 : i32
      %dma_wait3A_88 = arith.constant 0 : i32
      %dma_wait3A_89 = tpu.memref_slice %dma_wait3A_86[%dma_wait3A_87, %dma_wait3A_88] : memref<10240x128xf32, #tpu.memory_space<hbm>> -> memref<10240x128xf32, #tpu.memory_space<hbm>>
      tpu.wait_indirect_dma semaphore(%arg17 : memref<!tpu.dma_semaphore, #tpu.memory_space<semaphore_mem>>) src(%dma_wait3A_89 : memref<10240x128xf32, #tpu.memory_space<hbm>>) dst(%arg8 : memref<64x128xf32, #tpu.memory_space<vmem>>)
      %dma_wait3A_90 = arith.constant 1 : i32
      %dma_wait3A_91 = arith.constant 0 : i32
      %dma_wait3A_92 = arith.constant 0 : i32
      %dma_wait3A_93 = tpu.memref_slice %arg2[%dma_wait3A_90, %dma_wait3A_91, %dma_wait3A_92] : memref<3x10240x128xf32, #tpu.memory_space<hbm>> -> memref<1x10240x128xf32, #tpu.memory_space<hbm>>
      %dma_wait3A_94 = tpu.memref_squeeze %dma_wait3A_93 : memref<1x10240x128xf32, #tpu.memory_space<hbm>> -> memref<10240x128xf32, #tpu.memory_space<hbm>>
      %dma_wait3A_95 = arith.constant 0 : i32
      %dma_wait3A_96 = arith.constant 0 : i32
      %dma_wait3A_97 = tpu.memref_slice %dma_wait3A_94[%dma_wait3A_95, %dma_wait3A_96] : memref<10240x128xf32, #tpu.memory_space<hbm>> -> memref<10240x128xf32, #tpu.memory_space<hbm>>
      tpu.wait_indirect_dma semaphore(%arg17 : memref<!tpu.dma_semaphore, #tpu.memory_space<semaphore_mem>>) src(%dma_wait3A_97 : memref<10240x128xf32, #tpu.memory_space<hbm>>) dst(%arg9 : memref<64x128xf32, #tpu.memory_space<vmem>>)
      %dma_wait3A_98 = arith.constant 2 : i32
      %dma_wait3A_99 = arith.constant 0 : i32
      %dma_wait3A_100 = arith.constant 0 : i32
      %dma_wait3A_101 = tpu.memref_slice %arg2[%dma_wait3A_98, %dma_wait3A_99, %dma_wait3A_100] : memref<3x10240x128xf32, #tpu.memory_space<hbm>> -> memref<1x10240x128xf32, #tpu.memory_space<hbm>>
      %dma_wait3A_102 = tpu.memref_squeeze %dma_wait3A_101 : memref<1x10240x128xf32, #tpu.memory_space<hbm>> -> memref<10240x128xf32, #tpu.memory_space<hbm>>
      %dma_wait3A_103 = arith.constant 0 : i32
      %dma_wait3A_104 = arith.constant 0 : i32
      %dma_wait3A_105 = tpu.memref_slice %dma_wait3A_102[%dma_wait3A_103, %dma_wait3A_104] : memref<10240x128xf32, #tpu.memory_space<hbm>> -> memref<10240x128xf32, #tpu.memory_space<hbm>>
      tpu.wait_indirect_dma semaphore(%arg17 : memref<!tpu.dma_semaphore, #tpu.memory_space<semaphore_mem>>) src(%dma_wait3A_105 : memref<10240x128xf32, #tpu.memory_space<hbm>>) dst(%arg10 : memref<64x128xf32, #tpu.memory_space<vmem>>)
      %dma_wait3A_106 = arith.constant 0 : i32
      %dma_wait3A_107 = arith.constant 0 : i32
      %dma_wait3A_108 = arith.constant 0 : i32
      %dma_wait3A_109 = tpu.memref_slice %arg3[%dma_wait3A_106, %dma_wait3A_107, %dma_wait3A_108] : memref<3x10240x128xf32, #tpu.memory_space<hbm>> -> memref<1x10240x128xf32, #tpu.memory_space<hbm>>
      %dma_wait3A_110 = tpu.memref_squeeze %dma_wait3A_109 : memref<1x10240x128xf32, #tpu.memory_space<hbm>> -> memref<10240x128xf32, #tpu.memory_space<hbm>>
      %dma_wait3A_111 = arith.constant 0 : i32
      %dma_wait3A_112 = arith.constant 0 : i32
      %dma_wait3A_113 = tpu.memref_slice %dma_wait3A_110[%dma_wait3A_111, %dma_wait3A_112] : memref<10240x128xf32, #tpu.memory_space<hbm>> -> memref<10240x128xf32, #tpu.memory_space<hbm>>
      tpu.wait_indirect_dma semaphore(%arg17 : memref<!tpu.dma_semaphore, #tpu.memory_space<semaphore_mem>>) src(%dma_wait3A_113 : memref<10240x128xf32, #tpu.memory_space<hbm>>) dst(%arg11 : memref<64x128xf32, #tpu.memory_space<vmem>>)
      %dma_wait3A_114 = arith.constant 1 : i32
      %dma_wait3A_115 = arith.constant 0 : i32
      %dma_wait3A_116 = arith.constant 0 : i32
      %dma_wait3A_117 = tpu.memref_slice %arg3[%dma_wait3A_114, %dma_wait3A_115, %dma_wait3A_116] : memref<3x10240x128xf32, #tpu.memory_space<hbm>> -> memref<1x10240x128xf32, #tpu.memory_space<hbm>>
      %dma_wait3A_118 = tpu.memref_squeeze %dma_wait3A_117 : memref<1x10240x128xf32, #tpu.memory_space<hbm>> -> memref<10240x128xf32, #tpu.memory_space<hbm>>
      %dma_wait3A_119 = arith.constant 0 : i32
      %dma_wait3A_120 = arith.constant 0 : i32
      %dma_wait3A_121 = tpu.memref_slice %dma_wait3A_118[%dma_wait3A_119, %dma_wait3A_120] : memref<10240x128xf32, #tpu.memory_space<hbm>> -> memref<10240x128xf32, #tpu.memory_space<hbm>>
      tpu.wait_indirect_dma semaphore(%arg17 : memref<!tpu.dma_semaphore, #tpu.memory_space<semaphore_mem>>) src(%dma_wait3A_121 : memref<10240x128xf32, #tpu.memory_space<hbm>>) dst(%arg12 : memref<64x128xf32, #tpu.memory_space<vmem>>)
      %dma_wait3A_122 = arith.constant 2 : i32
      %dma_wait3A_123 = arith.constant 0 : i32
      %dma_wait3A_124 = arith.constant 0 : i32
      %dma_wait3A_125 = tpu.memref_slice %arg3[%dma_wait3A_122, %dma_wait3A_123, %dma_wait3A_124] : memref<3x10240x128xf32, #tpu.memory_space<hbm>> -> memref<1x10240x128xf32, #tpu.memory_space<hbm>>
      %dma_wait3A_126 = tpu.memref_squeeze %dma_wait3A_125 : memref<1x10240x128xf32, #tpu.memory_space<hbm>> -> memref<10240x128xf32, #tpu.memory_space<hbm>>
      %dma_wait3A_127 = arith.constant 0 : i32
      %dma_wait3A_128 = arith.constant 0 : i32
      %dma_wait3A_129 = tpu.memref_slice %dma_wait3A_126[%dma_wait3A_127, %dma_wait3A_128] : memref<10240x128xf32, #tpu.memory_space<hbm>> -> memref<10240x128xf32, #tpu.memory_space<hbm>>
      tpu.wait_indirect_dma semaphore(%arg17 : memref<!tpu.dma_semaphore, #tpu.memory_space<semaphore_mem>>) src(%dma_wait3A_129 : memref<10240x128xf32, #tpu.memory_space<hbm>>) dst(%arg13 : memref<64x128xf32, #tpu.memory_space<vmem>>)
      %dma_wait3A_130 = arith.constant 0 : i32
      %dma_wait3A_131 = arith.constant 0 : i32
      %dma_wait3A_132 = arith.constant 0 : i32
      %dma_wait3A_133 = tpu.memref_slice %arg4[%dma_wait3A_130, %dma_wait3A_131, %dma_wait3A_132] : memref<3x10240x128xf32, #tpu.memory_space<hbm>> -> memref<1x10240x128xf32, #tpu.memory_space<hbm>>
      %dma_wait3A_134 = tpu.memref_squeeze %dma_wait3A_133 : memref<1x10240x128xf32, #tpu.memory_space<hbm>> -> memref<10240x128xf32, #tpu.memory_space<hbm>>
      %dma_wait3A_135 = arith.constant 0 : i32
      %dma_wait3A_136 = arith.constant 0 : i32
      %dma_wait3A_137 = tpu.memref_slice %dma_wait3A_134[%dma_wait3A_135, %dma_wait3A_136] : memref<10240x128xf32, #tpu.memory_space<hbm>> -> memref<10240x128xf32, #tpu.memory_space<hbm>>
      tpu.wait_indirect_dma semaphore(%arg17 : memref<!tpu.dma_semaphore, #tpu.memory_space<semaphore_mem>>) src(%dma_wait3A_137 : memref<10240x128xf32, #tpu.memory_space<hbm>>) dst(%arg14 : memref<64x128xf32, #tpu.memory_space<vmem>>)
      %dma_wait3A_138 = arith.constant 1 : i32
      %dma_wait3A_139 = arith.constant 0 : i32
      %dma_wait3A_140 = arith.constant 0 : i32
      %dma_wait3A_141 = tpu.memref_slice %arg4[%dma_wait3A_138, %dma_wait3A_139, %dma_wait3A_140] : memref<3x10240x128xf32, #tpu.memory_space<hbm>> -> memref<1x10240x128xf32, #tpu.memory_space<hbm>>
      %dma_wait3A_142 = tpu.memref_squeeze %dma_wait3A_141 : memref<1x10240x128xf32, #tpu.memory_space<hbm>> -> memref<10240x128xf32, #tpu.memory_space<hbm>>
      %dma_wait3A_143 = arith.constant 0 : i32
      %dma_wait3A_144 = arith.constant 0 : i32
      %dma_wait3A_145 = tpu.memref_slice %dma_wait3A_142[%dma_wait3A_143, %dma_wait3A_144] : memref<10240x128xf32, #tpu.memory_space<hbm>> -> memref<10240x128xf32, #tpu.memory_space<hbm>>
      tpu.wait_indirect_dma semaphore(%arg17 : memref<!tpu.dma_semaphore, #tpu.memory_space<semaphore_mem>>) src(%dma_wait3A_145 : memref<10240x128xf32, #tpu.memory_space<hbm>>) dst(%arg15 : memref<64x128xf32, #tpu.memory_space<vmem>>)
      %dma_wait3A_146 = arith.constant 2 : i32
      %dma_wait3A_147 = arith.constant 0 : i32
      %dma_wait3A_148 = arith.constant 0 : i32
      %dma_wait3A_149 = tpu.memref_slice %arg4[%dma_wait3A_146, %dma_wait3A_147, %dma_wait3A_148] : memref<3x10240x128xf32, #tpu.memory_space<hbm>> -> memref<1x10240x128xf32, #tpu.memory_space<hbm>>
      %dma_wait3A_150 = tpu.memref_squeeze %dma_wait3A_149 : memref<1x10240x128xf32, #tpu.memory_space<hbm>> -> memref<10240x128xf32, #tpu.memory_space<hbm>>
      %dma_wait3A_151 = arith.constant 0 : i32
      %dma_wait3A_152 = arith.constant 0 : i32
      %dma_wait3A_153 = tpu.memref_slice %dma_wait3A_150[%dma_wait3A_151, %dma_wait3A_152] : memref<10240x128xf32, #tpu.memory_space<hbm>> -> memref<10240x128xf32, #tpu.memory_space<hbm>>
      tpu.wait_indirect_dma semaphore(%arg17 : memref<!tpu.dma_semaphore, #tpu.memory_space<semaphore_mem>>) src(%dma_wait3A_153 : memref<10240x128xf32, #tpu.memory_space<hbm>>) dst(%arg16 : memref<64x128xf32, #tpu.memory_space<vmem>>)
      "tpu.region"() ({
        %run_scoped3A = tpu.sem_alloc : memref<!tpu.dma_semaphore, #tpu.memory_space<semaphore_mem>>
        %dma_start3A_154 = arith.constant 0 : i32
        %dma_start3A_155 = tpu.memref_slice %arg6[%add3A_11, %dma_start3A_154] : memref<16384x1152xf32, #tpu.memory_space<hbm>> -> memref<64x128xf32, #tpu.memory_space<hbm>>
        %dma_start3A_156 = arith.constant 0 : i32
        %dma_start3A_157 = tpu.memref_slice %arg6[%add3A_11, %dma_start3A_156] : memref<16384x1152xf32, #tpu.memory_space<hbm>> -> memref<64x128xf32, #tpu.memory_space<hbm>>
        tpu.enqueue_dma source(%arg8 : memref<64x128xf32, #tpu.memory_space<vmem>>) target(%dma_start3A_157 : memref<64x128xf32, #tpu.memory_space<hbm>>) target_semaphore(%run_scoped3A : memref<!tpu.dma_semaphore, #tpu.memory_space<semaphore_mem>>)
        %dma_wait3A_158 = arith.constant 0 : i32
        %dma_wait3A_159 = tpu.memref_slice %arg6[%add3A_11, %dma_wait3A_158] : memref<16384x1152xf32, #tpu.memory_space<hbm>> -> memref<64x128xf32, #tpu.memory_space<hbm>>
        %dma_wait3A_160 = arith.constant 0 : i32
        %dma_wait3A_161 = tpu.memref_slice %arg6[%add3A_11, %dma_wait3A_160] : memref<16384x1152xf32, #tpu.memory_space<hbm>> -> memref<64x128xf32, #tpu.memory_space<hbm>>
        tpu.wait_dma2 semaphore(%run_scoped3A : memref<!tpu.dma_semaphore, #tpu.memory_space<semaphore_mem>>) src(%arg8 : memref<64x128xf32, #tpu.memory_space<vmem>>) dst(%dma_wait3A_161 : memref<64x128xf32, #tpu.memory_space<hbm>>)
        tpu.yield
      }) : () -> ()
      "tpu.region"() ({
        %run_scoped3A = tpu.sem_alloc : memref<!tpu.dma_semaphore, #tpu.memory_space<semaphore_mem>>
        %dma_start3A_154 = arith.constant 128 : i32
        %dma_start3A_155 = tpu.memref_slice %arg6[%add3A_11, %dma_start3A_154] : memref<16384x1152xf32, #tpu.memory_space<hbm>> -> memref<64x128xf32, #tpu.memory_space<hbm>>
        %dma_start3A_156 = arith.constant 128 : i32
        %dma_start3A_157 = tpu.memref_slice %arg6[%add3A_11, %dma_start3A_156] : memref<16384x1152xf32, #tpu.memory_space<hbm>> -> memref<64x128xf32, #tpu.memory_space<hbm>>
        tpu.enqueue_dma source(%arg9 : memref<64x128xf32, #tpu.memory_space<vmem>>) target(%dma_start3A_157 : memref<64x128xf32, #tpu.memory_space<hbm>>) target_semaphore(%run_scoped3A : memref<!tpu.dma_semaphore, #tpu.memory_space<semaphore_mem>>)
        %dma_wait3A_158 = arith.constant 128 : i32
        %dma_wait3A_159 = tpu.memref_slice %arg6[%add3A_11, %dma_wait3A_158] : memref<16384x1152xf32, #tpu.memory_space<hbm>> -> memref<64x128xf32, #tpu.memory_space<hbm>>
        %dma_wait3A_160 = arith.constant 128 : i32
        %dma_wait3A_161 = tpu.memref_slice %arg6[%add3A_11, %dma_wait3A_160] : memref<16384x1152xf32, #tpu.memory_space<hbm>> -> memref<64x128xf32, #tpu.memory_space<hbm>>
        tpu.wait_dma2 semaphore(%run_scoped3A : memref<!tpu.dma_semaphore, #tpu.memory_space<semaphore_mem>>) src(%arg9 : memref<64x128xf32, #tpu.memory_space<vmem>>) dst(%dma_wait3A_161 : memref<64x128xf32, #tpu.memory_space<hbm>>)
        tpu.yield
      }) : () -> ()
      "tpu.region"() ({
        %run_scoped3A = tpu.sem_alloc : memref<!tpu.dma_semaphore, #tpu.memory_space<semaphore_mem>>
        %dma_start3A_154 = arith.constant 256 : i32
        %dma_start3A_155 = tpu.memref_slice %arg6[%add3A_11, %dma_start3A_154] : memref<16384x1152xf32, #tpu.memory_space<hbm>> -> memref<64x128xf32, #tpu.memory_space<hbm>>
        %dma_start3A_156 = arith.constant 256 : i32
        %dma_start3A_157 = tpu.memref_slice %arg6[%add3A_11, %dma_start3A_156] : memref<16384x1152xf32, #tpu.memory_space<hbm>> -> memref<64x128xf32, #tpu.memory_space<hbm>>
        tpu.enqueue_dma source(%arg10 : memref<64x128xf32, #tpu.memory_space<vmem>>) target(%dma_start3A_157 : memref<64x128xf32, #tpu.memory_space<hbm>>) target_semaphore(%run_scoped3A : memref<!tpu.dma_semaphore, #tpu.memory_space<semaphore_mem>>)
        %dma_wait3A_158 = arith.constant 256 : i32
        %dma_wait3A_159 = tpu.memref_slice %arg6[%add3A_11, %dma_wait3A_158] : memref<16384x1152xf32, #tpu.memory_space<hbm>> -> memref<64x128xf32, #tpu.memory_space<hbm>>
        %dma_wait3A_160 = arith.constant 256 : i32
        %dma_wait3A_161 = tpu.memref_slice %arg6[%add3A_11, %dma_wait3A_160] : memref<16384x1152xf32, #tpu.memory_space<hbm>> -> memref<64x128xf32, #tpu.memory_space<hbm>>
        tpu.wait_dma2 semaphore(%run_scoped3A : memref<!tpu.dma_semaphore, #tpu.memory_space<semaphore_mem>>) src(%arg10 : memref<64x128xf32, #tpu.memory_space<vmem>>) dst(%dma_wait3A_161 : memref<64x128xf32, #tpu.memory_space<hbm>>)
        tpu.yield
      }) : () -> ()
      "tpu.region"() ({
        %run_scoped3A = tpu.sem_alloc : memref<!tpu.dma_semaphore, #tpu.memory_space<semaphore_mem>>
        %dma_start3A_154 = arith.constant 384 : i32
        %dma_start3A_155 = tpu.memref_slice %arg6[%add3A_11, %dma_start3A_154] : memref<16384x1152xf32, #tpu.memory_space<hbm>> -> memref<64x128xf32, #tpu.memory_space<hbm>>
        %dma_start3A_156 = arith.constant 384 : i32
        %dma_start3A_157 = tpu.memref_slice %arg6[%add3A_11, %dma_start3A_156] : memref<16384x1152xf32, #tpu.memory_space<hbm>> -> memref<64x128xf32, #tpu.memory_space<hbm>>
        tpu.enqueue_dma source(%arg11 : memref<64x128xf32, #tpu.memory_space<vmem>>) target(%dma_start3A_157 : memref<64x128xf32, #tpu.memory_space<hbm>>) target_semaphore(%run_scoped3A : memref<!tpu.dma_semaphore, #tpu.memory_space<semaphore_mem>>)
        %dma_wait3A_158 = arith.constant 384 : i32
        %dma_wait3A_159 = tpu.memref_slice %arg6[%add3A_11, %dma_wait3A_158] : memref<16384x1152xf32, #tpu.memory_space<hbm>> -> memref<64x128xf32, #tpu.memory_space<hbm>>
        %dma_wait3A_160 = arith.constant 384 : i32
        %dma_wait3A_161 = tpu.memref_slice %arg6[%add3A_11, %dma_wait3A_160] : memref<16384x1152xf32, #tpu.memory_space<hbm>> -> memref<64x128xf32, #tpu.memory_space<hbm>>
        tpu.wait_dma2 semaphore(%run_scoped3A : memref<!tpu.dma_semaphore, #tpu.memory_space<semaphore_mem>>) src(%arg11 : memref<64x128xf32, #tpu.memory_space<vmem>>) dst(%dma_wait3A_161 : memref<64x128xf32, #tpu.memory_space<hbm>>)
        tpu.yield
      }) : () -> ()
      "tpu.region"() ({
        %run_scoped3A = tpu.sem_alloc : memref<!tpu.dma_semaphore, #tpu.memory_space<semaphore_mem>>
        %dma_start3A_154 = arith.constant 512 : i32
        %dma_start3A_155 = tpu.memref_slice %arg6[%add3A_11, %dma_start3A_154] : memref<16384x1152xf32, #tpu.memory_space<hbm>> -> memref<64x128xf32, #tpu.memory_space<hbm>>
        %dma_start3A_156 = arith.constant 512 : i32
        %dma_start3A_157 = tpu.memref_slice %arg6[%add3A_11, %dma_start3A_156] : memref<16384x1152xf32, #tpu.memory_space<hbm>> -> memref<64x128xf32, #tpu.memory_space<hbm>>
        tpu.enqueue_dma source(%arg12 : memref<64x128xf32, #tpu.memory_space<vmem>>) target(%dma_start3A_157 : memref<64x128xf32, #tpu.memory_space<hbm>>) target_semaphore(%run_scoped3A : memref<!tpu.dma_semaphore, #tpu.memory_space<semaphore_mem>>)
        %dma_wait3A_158 = arith.constant 512 : i32
        %dma_wait3A_159 = tpu.memref_slice %arg6[%add3A_11, %dma_wait3A_158] : memref<16384x1152xf32, #tpu.memory_space<hbm>> -> memref<64x128xf32, #tpu.memory_space<hbm>>
        %dma_wait3A_160 = arith.constant 512 : i32
        %dma_wait3A_161 = tpu.memref_slice %arg6[%add3A_11, %dma_wait3A_160] : memref<16384x1152xf32, #tpu.memory_space<hbm>> -> memref<64x128xf32, #tpu.memory_space<hbm>>
        tpu.wait_dma2 semaphore(%run_scoped3A : memref<!tpu.dma_semaphore, #tpu.memory_space<semaphore_mem>>) src(%arg12 : memref<64x128xf32, #tpu.memory_space<vmem>>) dst(%dma_wait3A_161 : memref<64x128xf32, #tpu.memory_space<hbm>>)
        tpu.yield
      }) : () -> ()
      "tpu.region"() ({
        %run_scoped3A = tpu.sem_alloc : memref<!tpu.dma_semaphore, #tpu.memory_space<semaphore_mem>>
        %dma_start3A_154 = arith.constant 640 : i32
        %dma_start3A_155 = tpu.memref_slice %arg6[%add3A_11, %dma_start3A_154] : memref<16384x1152xf32, #tpu.memory_space<hbm>> -> memref<64x128xf32, #tpu.memory_space<hbm>>
        %dma_start3A_156 = arith.constant 640 : i32
        %dma_start3A_157 = tpu.memref_slice %arg6[%add3A_11, %dma_start3A_156] : memref<16384x1152xf32, #tpu.memory_space<hbm>> -> memref<64x128xf32, #tpu.memory_space<hbm>>
        tpu.enqueue_dma source(%arg13 : memref<64x128xf32, #tpu.memory_space<vmem>>) target(%dma_start3A_157 : memref<64x128xf32, #tpu.memory_space<hbm>>) target_semaphore(%run_scoped3A : memref<!tpu.dma_semaphore, #tpu.memory_space<semaphore_mem>>)
        %dma_wait3A_158 = arith.constant 640 : i32
        %dma_wait3A_159 = tpu.memref_slice %arg6[%add3A_11, %dma_wait3A_158] : memref<16384x1152xf32, #tpu.memory_space<hbm>> -> memref<64x128xf32, #tpu.memory_space<hbm>>
        %dma_wait3A_160 = arith.constant 640 : i32
        %dma_wait3A_161 = tpu.memref_slice %arg6[%add3A_11, %dma_wait3A_160] : memref<16384x1152xf32, #tpu.memory_space<hbm>> -> memref<64x128xf32, #tpu.memory_space<hbm>>
        tpu.wait_dma2 semaphore(%run_scoped3A : memref<!tpu.dma_semaphore, #tpu.memory_space<semaphore_mem>>) src(%arg13 : memref<64x128xf32, #tpu.memory_space<vmem>>) dst(%dma_wait3A_161 : memref<64x128xf32, #tpu.memory_space<hbm>>)
        tpu.yield
      }) : () -> ()
      "tpu.region"() ({
        %run_scoped3A = tpu.sem_alloc : memref<!tpu.dma_semaphore, #tpu.memory_space<semaphore_mem>>
        %dma_start3A_154 = arith.constant 768 : i32
        %dma_start3A_155 = tpu.memref_slice %arg6[%add3A_11, %dma_start3A_154] : memref<16384x1152xf32, #tpu.memory_space<hbm>> -> memref<64x128xf32, #tpu.memory_space<hbm>>
        %dma_start3A_156 = arith.constant 768 : i32
        %dma_start3A_157 = tpu.memref_slice %arg6[%add3A_11, %dma_start3A_156] : memref<16384x1152xf32, #tpu.memory_space<hbm>> -> memref<64x128xf32, #tpu.memory_space<hbm>>
        tpu.enqueue_dma source(%arg14 : memref<64x128xf32, #tpu.memory_space<vmem>>) target(%dma_start3A_157 : memref<64x128xf32, #tpu.memory_space<hbm>>) target_semaphore(%run_scoped3A : memref<!tpu.dma_semaphore, #tpu.memory_space<semaphore_mem>>)
        %dma_wait3A_158 = arith.constant 768 : i32
        %dma_wait3A_159 = tpu.memref_slice %arg6[%add3A_11, %dma_wait3A_158] : memref<16384x1152xf32, #tpu.memory_space<hbm>> -> memref<64x128xf32, #tpu.memory_space<hbm>>
        %dma_wait3A_160 = arith.constant 768 : i32
        %dma_wait3A_161 = tpu.memref_slice %arg6[%add3A_11, %dma_wait3A_160] : memref<16384x1152xf32, #tpu.memory_space<hbm>> -> memref<64x128xf32, #tpu.memory_space<hbm>>
        tpu.wait_dma2 semaphore(%run_scoped3A : memref<!tpu.dma_semaphore, #tpu.memory_space<semaphore_mem>>) src(%arg14 : memref<64x128xf32, #tpu.memory_space<vmem>>) dst(%dma_wait3A_161 : memref<64x128xf32, #tpu.memory_space<hbm>>)
        tpu.yield
      }) : () -> ()
      "tpu.region"() ({
        %run_scoped3A = tpu.sem_alloc : memref<!tpu.dma_semaphore, #tpu.memory_space<semaphore_mem>>
        %dma_start3A_154 = arith.constant 896 : i32
        %dma_start3A_155 = tpu.memref_slice %arg6[%add3A_11, %dma_start3A_154] : memref<16384x1152xf32, #tpu.memory_space<hbm>> -> memref<64x128xf32, #tpu.memory_space<hbm>>
        %dma_start3A_156 = arith.constant 896 : i32
        %dma_start3A_157 = tpu.memref_slice %arg6[%add3A_11, %dma_start3A_156] : memref<16384x1152xf32, #tpu.memory_space<hbm>> -> memref<64x128xf32, #tpu.memory_space<hbm>>
        tpu.enqueue_dma source(%arg15 : memref<64x128xf32, #tpu.memory_space<vmem>>) target(%dma_start3A_157 : memref<64x128xf32, #tpu.memory_space<hbm>>) target_semaphore(%run_scoped3A : memref<!tpu.dma_semaphore, #tpu.memory_space<semaphore_mem>>)
        %dma_wait3A_158 = arith.constant 896 : i32
        %dma_wait3A_159 = tpu.memref_slice %arg6[%add3A_11, %dma_wait3A_158] : memref<16384x1152xf32, #tpu.memory_space<hbm>> -> memref<64x128xf32, #tpu.memory_space<hbm>>
        %dma_wait3A_160 = arith.constant 896 : i32
        %dma_wait3A_161 = tpu.memref_slice %arg6[%add3A_11, %dma_wait3A_160] : memref<16384x1152xf32, #tpu.memory_space<hbm>> -> memref<64x128xf32, #tpu.memory_space<hbm>>
        tpu.wait_dma2 semaphore(%run_scoped3A : memref<!tpu.dma_semaphore, #tpu.memory_space<semaphore_mem>>) src(%arg15 : memref<64x128xf32, #tpu.memory_space<vmem>>) dst(%dma_wait3A_161 : memref<64x128xf32, #tpu.memory_space<hbm>>)
        tpu.yield
      }) : () -> ()
      "tpu.region"() ({
        %run_scoped3A = tpu.sem_alloc : memref<!tpu.dma_semaphore, #tpu.memory_space<semaphore_mem>>
        %dma_start3A_154 = arith.constant 1024 : i32
        %dma_start3A_155 = tpu.memref_slice %arg6[%add3A_11, %dma_start3A_154] : memref<16384x1152xf32, #tpu.memory_space<hbm>> -> memref<64x128xf32, #tpu.memory_space<hbm>>
        %dma_start3A_156 = arith.constant 1024 : i32
        %dma_start3A_157 = tpu.memref_slice %arg6[%add3A_11, %dma_start3A_156] : memref<16384x1152xf32, #tpu.memory_space<hbm>> -> memref<64x128xf32, #tpu.memory_space<hbm>>
        tpu.enqueue_dma source(%arg16 : memref<64x128xf32, #tpu.memory_space<vmem>>) target(%dma_start3A_157 : memref<64x128xf32, #tpu.memory_space<hbm>>) target_semaphore(%run_scoped3A : memref<!tpu.dma_semaphore, #tpu.memory_space<semaphore_mem>>)
        %dma_wait3A_158 = arith.constant 1024 : i32
        %dma_wait3A_159 = tpu.memref_slice %arg6[%add3A_11, %dma_wait3A_158] : memref<16384x1152xf32, #tpu.memory_space<hbm>> -> memref<64x128xf32, #tpu.memory_space<hbm>>
        %dma_wait3A_160 = arith.constant 1024 : i32
        %dma_wait3A_161 = tpu.memref_slice %arg6[%add3A_11, %dma_wait3A_160] : memref<16384x1152xf32, #tpu.memory_space<hbm>> -> memref<64x128xf32, #tpu.memory_space<hbm>>
        tpu.wait_dma2 semaphore(%run_scoped3A : memref<!tpu.dma_semaphore, #tpu.memory_space<semaphore_mem>>) src(%arg16 : memref<64x128xf32, #tpu.memory_space<vmem>>) dst(%dma_wait3A_161 : memref<64x128xf32, #tpu.memory_space<hbm>>)
        tpu.yield
      }) : () -> ()
    }
    %scan3A_5 = arith.constant 8 : i32
    return
  }
}

#map = affine_map<(d0, d1) -> (0, 0, 0)>
#map1 = affine_map<(d0, d1) -> (0)>
#map2 = affine_map<(d0, d1) -> (0, 0, 0, 0)>
module attributes {stable_mosaic.version = 14 : i64} {
  func.func @body(%arg0: i32, %arg1: i32, %arg2: memref<3x10240x128xf32, #tpu.memory_space<hbm>>, %arg3: memref<323584xi32, #tpu.memory_space<hbm>>, %arg4: memref<323584xi32, #tpu.memory_space<hbm>>, %arg5: memref<3x2x10240x128xf32, #tpu.memory_space<hbm>>, %arg6: memref<128xi32, #tpu.memory_space<vmem>>, %arg7: memref<128xi32, #tpu.memory_space<vmem>>, %arg8: memref<128x128xf32, #tpu.memory_space<vmem>>, %arg9: memref<64x128xf32, #tpu.memory_space<vmem>>, %arg10: memref<10240x128xf32, #tpu.memory_space<vmem_shared>>, %arg11: memref<!tpu.dma_semaphore, #tpu.memory_space<semaphore_mem>>) attributes {dimension_semantics = [#tpu.dimension_semantics<core_parallel>, #tpu.dimension_semantics<subcore_parallel>], iteration_bounds = array<i64: 2, 16>, scalar_prefetch = 0 : i64, scratch_operands = 6 : i64, tpu.core_type = #tpu.core_type<sc_vector_subcore>, window_params = [{transform_indices = #map}, {transform_indices = #map1}, {transform_indices = #map1}, {transform_indices = #map2}]} {
    %mul3A = arith.constant 16 : i32
    %mul3A_0 = arith.muli %arg0, %mul3A : i32
    %add3A = arith.addi %mul3A_0, %arg1 : i32
    %mul3A_1 = arith.constant 10112 : i32
    %mul3A_2 = arith.muli %add3A, %mul3A_1 : i32
    %broadcast_in_dim3A = arith.constant 0.000000e+00 : f32
    %broadcast_in_dim3A_3 = vector.broadcast %broadcast_in_dim3A : f32 to vector<16xf32>
    %scan3A = arith.constant 0 : i32
    %scan3A_4 = arith.constant 0 : i32
    %scan3A_5 = arith.constant 64 : i32
    %scan3A_6 = arith.addi %scan3A_4, %scan3A_5 : i32
    %scan3A_7 = arith.constant 1 : i32
    scf.for %scan3A_57 = %scan3A_4 to %scan3A_6 step %scan3A_7  : i32 {
      %swap3A = arith.index_cast %scan3A_57 : i32 to index
      %swap3A_58 = arith.constant 0 : index
      %swap3A_59 = tpu.vector_load %arg9[%swap3A, %swap3A_58] {strides = array<i32>} : memref<64x128xf32, #tpu.memory_space<vmem>>, vector<1x16xf32>,
      %swap3A_60 = vector.shape_cast %swap3A_59 : vector<1x16xf32> to vector<16xf32>
      %swap3A_61 = vector.shape_cast %broadcast_in_dim3A_3 : vector<16xf32> to vector<1x16xf32>
      tpu.vector_store %arg9[%swap3A, %swap3A_58], %swap3A_61 {strides = array<i32>} : memref<64x128xf32, #tpu.memory_space<vmem>>, vector<1x16xf32>,
      %swap3A_62 = arith.index_cast %scan3A_57 : i32 to index
      %swap3A_63 = arith.constant 16 : index
      %swap3A_64 = tpu.vector_load %arg9[%swap3A_62, %swap3A_63] {strides = array<i32>} : memref<64x128xf32, #tpu.memory_space<vmem>>, vector<1x16xf32>,
      %swap3A_65 = vector.shape_cast %swap3A_64 : vector<1x16xf32> to vector<16xf32>
      %swap3A_66 = vector.shape_cast %broadcast_in_dim3A_3 : vector<16xf32> to vector<1x16xf32>
      tpu.vector_store %arg9[%swap3A_62, %swap3A_63], %swap3A_66 {strides = array<i32>} : memref<64x128xf32, #tpu.memory_space<vmem>>, vector<1x16xf32>,
      %swap3A_67 = arith.index_cast %scan3A_57 : i32 to index
      %swap3A_68 = arith.constant 32 : index
      %swap3A_69 = tpu.vector_load %arg9[%swap3A_67, %swap3A_68] {strides = array<i32>} : memref<64x128xf32, #tpu.memory_space<vmem>>, vector<1x16xf32>,
      %swap3A_70 = vector.shape_cast %swap3A_69 : vector<1x16xf32> to vector<16xf32>
      %swap3A_71 = vector.shape_cast %broadcast_in_dim3A_3 : vector<16xf32> to vector<1x16xf32>
      tpu.vector_store %arg9[%swap3A_67, %swap3A_68], %swap3A_71 {strides = array<i32>} : memref<64x128xf32, #tpu.memory_space<vmem>>, vector<1x16xf32>,
      %swap3A_72 = arith.index_cast %scan3A_57 : i32 to index
      %swap3A_73 = arith.constant 48 : index
      %swap3A_74 = tpu.vector_load %arg9[%swap3A_72, %swap3A_73] {strides = array<i32>} : memref<64x128xf32, #tpu.memory_space<vmem>>, vector<1x16xf32>,
      %swap3A_75 = vector.shape_cast %swap3A_74 : vector<1x16xf32> to vector<16xf32>
      %swap3A_76 = vector.shape_cast %broadcast_in_dim3A_3 : vector<16xf32> to vector<1x16xf32>
      tpu.vector_store %arg9[%swap3A_72, %swap3A_73], %swap3A_76 {strides = array<i32>} : memref<64x128xf32, #tpu.memory_space<vmem>>, vector<1x16xf32>,
      %swap3A_77 = arith.index_cast %scan3A_57 : i32 to index
      %swap3A_78 = arith.constant 64 : index
      %swap3A_79 = tpu.vector_load %arg9[%swap3A_77, %swap3A_78] {strides = array<i32>} : memref<64x128xf32, #tpu.memory_space<vmem>>, vector<1x16xf32>,
      %swap3A_80 = vector.shape_cast %swap3A_79 : vector<1x16xf32> to vector<16xf32>
      %swap3A_81 = vector.shape_cast %broadcast_in_dim3A_3 : vector<16xf32> to vector<1x16xf32>
      tpu.vector_store %arg9[%swap3A_77, %swap3A_78], %swap3A_81 {strides = array<i32>} : memref<64x128xf32, #tpu.memory_space<vmem>>, vector<1x16xf32>,
      %swap3A_82 = arith.index_cast %scan3A_57 : i32 to index
      %swap3A_83 = arith.constant 80 : index
      %swap3A_84 = tpu.vector_load %arg9[%swap3A_82, %swap3A_83] {strides = array<i32>} : memref<64x128xf32, #tpu.memory_space<vmem>>, vector<1x16xf32>,
      %swap3A_85 = vector.shape_cast %swap3A_84 : vector<1x16xf32> to vector<16xf32>
      %swap3A_86 = vector.shape_cast %broadcast_in_dim3A_3 : vector<16xf32> to vector<1x16xf32>
      tpu.vector_store %arg9[%swap3A_82, %swap3A_83], %swap3A_86 {strides = array<i32>} : memref<64x128xf32, #tpu.memory_space<vmem>>, vector<1x16xf32>,
      %swap3A_87 = arith.index_cast %scan3A_57 : i32 to index
      %swap3A_88 = arith.constant 96 : index
      %swap3A_89 = tpu.vector_load %arg9[%swap3A_87, %swap3A_88] {strides = array<i32>} : memref<64x128xf32, #tpu.memory_space<vmem>>, vector<1x16xf32>,
      %swap3A_90 = vector.shape_cast %swap3A_89 : vector<1x16xf32> to vector<16xf32>
      %swap3A_91 = vector.shape_cast %broadcast_in_dim3A_3 : vector<16xf32> to vector<1x16xf32>
      tpu.vector_store %arg9[%swap3A_87, %swap3A_88], %swap3A_91 {strides = array<i32>} : memref<64x128xf32, #tpu.memory_space<vmem>>, vector<1x16xf32>,
      %swap3A_92 = arith.index_cast %scan3A_57 : i32 to index
      %swap3A_93 = arith.constant 112 : index
      %swap3A_94 = tpu.vector_load %arg9[%swap3A_92, %swap3A_93] {strides = array<i32>} : memref<64x128xf32, #tpu.memory_space<vmem>>, vector<1x16xf32>,
      %swap3A_95 = vector.shape_cast %swap3A_94 : vector<1x16xf32> to vector<16xf32>
      %swap3A_96 = vector.shape_cast %broadcast_in_dim3A_3 : vector<16xf32> to vector<1x16xf32>
      tpu.vector_store %arg9[%swap3A_92, %swap3A_93], %swap3A_96 {strides = array<i32>} : memref<64x128xf32, #tpu.memory_space<vmem>>, vector<1x16xf32>,
    }
    %scan3A_8 = arith.constant 64 : i32
    %mul3A_9 = arith.constant 640 : i32
    %mul3A_10 = arith.muli %arg1, %mul3A_9 : i32
    %scan3A_11 = arith.constant 0 : i32
    %scan3A_12 = arith.constant 0 : i32
    %scan3A_13 = arith.constant 10 : i32
    %scan3A_14 = arith.addi %scan3A_12, %scan3A_13 : i32
    %scan3A_15 = arith.constant 1 : i32
    scf.for %scan3A_57 = %scan3A_12 to %scan3A_14 step %scan3A_15  : i32 {
      %mul3A_58 = arith.constant 64 : i32
      %mul3A_59 = arith.muli %scan3A_57, %mul3A_58 : i32
      %add3A_60 = arith.addi %mul3A_10, %mul3A_59 : i32
      "tpu.region"() ({
        %run_scoped3A_61 = tpu.sem_alloc : memref<!tpu.dma_semaphore, #tpu.memory_space<semaphore_mem>>
        %dma_start3A = arith.constant 0 : i32
        %dma_start3A_62 = tpu.memref_slice %arg10[%add3A_60, %dma_start3A] : memref<10240x128xf32, #tpu.memory_space<vmem_shared>> -> memref<64x128xf32, #tpu.memory_space<vmem_shared>>
        %dma_start3A_63 = arith.constant 0 : i32
        %dma_start3A_64 = tpu.memref_slice %arg10[%add3A_60, %dma_start3A_63] : memref<10240x128xf32, #tpu.memory_space<vmem_shared>> -> memref<64x128xf32, #tpu.memory_space<vmem_shared>>
        tpu.enqueue_dma source(%arg9 : memref<64x128xf32, #tpu.memory_space<vmem>>) target(%dma_start3A_64 : memref<64x128xf32, #tpu.memory_space<vmem_shared>>) target_semaphore(%run_scoped3A_61 : memref<!tpu.dma_semaphore, #tpu.memory_space<semaphore_mem>>)
        %dma_wait3A = arith.constant 0 : i32
        %dma_wait3A_65 = tpu.memref_slice %arg10[%add3A_60, %dma_wait3A] : memref<10240x128xf32, #tpu.memory_space<vmem_shared>> -> memref<64x128xf32, #tpu.memory_space<vmem_shared>>
        %dma_wait3A_66 = arith.constant 0 : i32
        %dma_wait3A_67 = tpu.memref_slice %arg10[%add3A_60, %dma_wait3A_66] : memref<10240x128xf32, #tpu.memory_space<vmem_shared>> -> memref<64x128xf32, #tpu.memory_space<vmem_shared>>
        tpu.wait_dma2 semaphore(%run_scoped3A_61 : memref<!tpu.dma_semaphore, #tpu.memory_space<semaphore_mem>>) src(%arg9 : memref<64x128xf32, #tpu.memory_space<vmem>>) dst(%dma_wait3A_67 : memref<64x128xf32, #tpu.memory_space<vmem_shared>>)
        tpu.yield
      }) : () -> ()
    }
    %scan3A_16 = arith.constant 10 : i32
    %barrier3A = arith.constant 0 : index
    tpu.barrier barrier_id(%barrier3A)
    %scan3A_17 = arith.constant 0 : i32
    %scan3A_18 = arith.constant 0 : i32
    %scan3A_19 = arith.constant 79 : i32
    %scan3A_20 = arith.addi %scan3A_18, %scan3A_19 : i32
    %scan3A_21 = arith.constant 1 : i32
    scf.for %scan3A_57 = %scan3A_18 to %scan3A_20 step %scan3A_21  : i32 {
      %mul3A_58 = arith.constant 128 : i32
      %mul3A_59 = arith.muli %scan3A_57, %mul3A_58 : i32
      %add3A_60 = arith.addi %mul3A_2, %mul3A_59 : i32
      "tpu.region"() ({
        %run_scoped3A_75 = tpu.sem_alloc : memref<!tpu.dma_semaphore, #tpu.memory_space<semaphore_mem>>
        %dma_start3A_76 = tpu.memref_slice %arg3[%add3A_60] : memref<323584xi32, #tpu.memory_space<hbm>> -> memref<128xi32, #tpu.memory_space<hbm>>
        %dma_start3A_77 = tpu.memref_slice %arg3[%add3A_60] : memref<323584xi32, #tpu.memory_space<hbm>> -> memref<128xi32, #tpu.memory_space<hbm>>
        tpu.enqueue_dma source(%dma_start3A_77 : memref<128xi32, #tpu.memory_space<hbm>>) target(%arg6 : memref<128xi32, #tpu.memory_space<vmem>>) target_semaphore(%run_scoped3A_75 : memref<!tpu.dma_semaphore, #tpu.memory_space<semaphore_mem>>)
        %dma_wait3A_78 = tpu.memref_slice %arg3[%add3A_60] : memref<323584xi32, #tpu.memory_space<hbm>> -> memref<128xi32, #tpu.memory_space<hbm>>
        %dma_wait3A_79 = tpu.memref_slice %arg3[%add3A_60] : memref<323584xi32, #tpu.memory_space<hbm>> -> memref<128xi32, #tpu.memory_space<hbm>>
        tpu.wait_dma2 semaphore(%run_scoped3A_75 : memref<!tpu.dma_semaphore, #tpu.memory_space<semaphore_mem>>) src(%dma_wait3A_79 : memref<128xi32, #tpu.memory_space<hbm>>) dst(%arg6 : memref<128xi32, #tpu.memory_space<vmem>>)
        tpu.yield
      }) : () -> ()
      "tpu.region"() ({
        %run_scoped3A_75 = tpu.sem_alloc : memref<!tpu.dma_semaphore, #tpu.memory_space<semaphore_mem>>
        %dma_start3A_76 = tpu.memref_slice %arg4[%add3A_60] : memref<323584xi32, #tpu.memory_space<hbm>> -> memref<128xi32, #tpu.memory_space<hbm>>
        %dma_start3A_77 = tpu.memref_slice %arg4[%add3A_60] : memref<323584xi32, #tpu.memory_space<hbm>> -> memref<128xi32, #tpu.memory_space<hbm>>
        tpu.enqueue_dma source(%dma_start3A_77 : memref<128xi32, #tpu.memory_space<hbm>>) target(%arg7 : memref<128xi32, #tpu.memory_space<vmem>>) target_semaphore(%run_scoped3A_75 : memref<!tpu.dma_semaphore, #tpu.memory_space<semaphore_mem>>)
        %dma_wait3A_78 = tpu.memref_slice %arg4[%add3A_60] : memref<323584xi32, #tpu.memory_space<hbm>> -> memref<128xi32, #tpu.memory_space<hbm>>
        %dma_wait3A_79 = tpu.memref_slice %arg4[%add3A_60] : memref<323584xi32, #tpu.memory_space<hbm>> -> memref<128xi32, #tpu.memory_space<hbm>>
        tpu.wait_dma2 semaphore(%run_scoped3A_75 : memref<!tpu.dma_semaphore, #tpu.memory_space<semaphore_mem>>) src(%dma_wait3A_79 : memref<128xi32, #tpu.memory_space<hbm>>) dst(%arg7 : memref<128xi32, #tpu.memory_space<vmem>>)
        tpu.yield
      }) : () -> ()
      %dma_start3A = arith.constant 0 : i32
      %dma_start3A_61 = arith.constant 0 : i32
      %dma_start3A_62 = arith.constant 0 : i32
      %dma_start3A_63 = tpu.memref_slice %arg2[%dma_start3A, %dma_start3A_61, %dma_start3A_62] : memref<3x10240x128xf32, #tpu.memory_space<hbm>> -> memref<1x10240x128xf32, #tpu.memory_space<hbm>>
      %dma_start3A_64 = tpu.memref_squeeze %dma_start3A_63 : memref<1x10240x128xf32, #tpu.memory_space<hbm>> -> memref<10240x128xf32, #tpu.memory_space<hbm>>
      %dma_start3A_65 = arith.constant 0 : i32
      %dma_start3A_66 = arith.constant 0 : i32
      %dma_start3A_67 = tpu.memref_slice %dma_start3A_64[%dma_start3A_65, %dma_start3A_66] : memref<10240x128xf32, #tpu.memory_space<hbm>> -> memref<10240x128xf32, #tpu.memory_space<hbm>>
      tpu.enqueue_indirect_dma source(%dma_start3A_67 : memref<10240x128xf32, #tpu.memory_space<hbm>>) target(%arg8 : memref<128x128xf32, #tpu.memory_space<vmem>>) offsets(%arg6 : memref<128xi32, #tpu.memory_space<vmem>>) semaphore(%arg11 : memref<!tpu.dma_semaphore, #tpu.memory_space<semaphore_mem>>)
      %dma_wait3A = arith.constant 0 : i32
      %dma_wait3A_68 = arith.constant 0 : i32
      %dma_wait3A_69 = arith.constant 0 : i32
      %dma_wait3A_70 = tpu.memref_slice %arg2[%dma_wait3A, %dma_wait3A_68, %dma_wait3A_69] : memref<3x10240x128xf32, #tpu.memory_space<hbm>> -> memref<1x10240x128xf32, #tpu.memory_space<hbm>>
      %dma_wait3A_71 = tpu.memref_squeeze %dma_wait3A_70 : memref<1x10240x128xf32, #tpu.memory_space<hbm>> -> memref<10240x128xf32, #tpu.memory_space<hbm>>
      %dma_wait3A_72 = arith.constant 0 : i32
      %dma_wait3A_73 = arith.constant 0 : i32
      %dma_wait3A_74 = tpu.memref_slice %dma_wait3A_71[%dma_wait3A_72, %dma_wait3A_73] : memref<10240x128xf32, #tpu.memory_space<hbm>> -> memref<10240x128xf32, #tpu.memory_space<hbm>>
      tpu.wait_indirect_dma semaphore(%arg11 : memref<!tpu.dma_semaphore, #tpu.memory_space<semaphore_mem>>) src(%dma_wait3A_74 : memref<10240x128xf32, #tpu.memory_space<hbm>>) dst(%arg8 : memref<128x128xf32, #tpu.memory_space<vmem>>)
      "tpu.region"() ({
        %run_scoped3A_75 = tpu.sem_alloc : memref<!tpu.dma_semaphore, #tpu.memory_space<semaphore_mem>>
        %dma_start3A_76 = arith.constant 0 : i32
        %dma_start3A_77 = arith.constant 0 : i32
        %dma_start3A_78 = tpu.memref_slice %arg10[%dma_start3A_76, %dma_start3A_77] : memref<10240x128xf32, #tpu.memory_space<vmem_shared>> -> memref<10240x128xf32, #tpu.memory_space<vmem_shared>>
        tpu.enqueue_indirect_dma source(%arg8 : memref<128x128xf32, #tpu.memory_space<vmem>>) target(%dma_start3A_78 : memref<10240x128xf32, #tpu.memory_space<vmem_shared>>) offsets(%arg7 : memref<128xi32, #tpu.memory_space<vmem>>) semaphore(%run_scoped3A_75 : memref<!tpu.dma_semaphore, #tpu.memory_space<semaphore_mem>>) {add = true}
        %dma_wait3A_79 = arith.constant 0 : i32
        %dma_wait3A_80 = arith.constant 0 : i32
        %dma_wait3A_81 = tpu.memref_slice %arg10[%dma_wait3A_79, %dma_wait3A_80] : memref<10240x128xf32, #tpu.memory_space<vmem_shared>> -> memref<10240x128xf32, #tpu.memory_space<vmem_shared>>
        tpu.wait_indirect_dma semaphore(%run_scoped3A_75 : memref<!tpu.dma_semaphore, #tpu.memory_space<semaphore_mem>>) src(%arg8 : memref<128x128xf32, #tpu.memory_space<vmem>>) dst(%dma_wait3A_81 : memref<10240x128xf32, #tpu.memory_space<vmem_shared>>)
        tpu.yield
      }) : () -> ()
    }
    %scan3A_22 = arith.constant 79 : i32
    %barrier3A_23 = arith.constant 0 : index
    tpu.barrier barrier_id(%barrier3A_23)
    %run_scoped3A = arith.constant 0 : i32
    "tpu.region"() ({
      %run_scoped3A_57 = tpu.sem_alloc : memref<!tpu.dma_semaphore, #tpu.memory_space<semaphore_mem>>
      %dma_start3A = arith.constant 0 : i32
      %dma_start3A_58 = tpu.memref_slice %arg5[%run_scoped3A, %arg0, %mul3A_10, %dma_start3A] : memref<3x2x10240x128xf32, #tpu.memory_space<hbm>> -> memref<1x1x640x128xf32, #tpu.memory_space<hbm>>
      %dma_start3A_59 = tpu.memref_squeeze %dma_start3A_58 : memref<1x1x640x128xf32, #tpu.memory_space<hbm>> -> memref<640x128xf32, #tpu.memory_space<hbm>>
      %dma_start3A_60 = arith.constant 0 : i32
      %dma_start3A_61 = tpu.memref_slice %arg10[%mul3A_10, %dma_start3A_60] : memref<10240x128xf32, #tpu.memory_space<vmem_shared>> -> memref<640x128xf32, #tpu.memory_space<vmem_shared>>
      tpu.enqueue_dma source(%dma_start3A_61 : memref<640x128xf32, #tpu.memory_space<vmem_shared>>) target(%dma_start3A_59 : memref<640x128xf32, #tpu.memory_space<hbm>>) target_semaphore(%run_scoped3A_57 : memref<!tpu.dma_semaphore, #tpu.memory_space<semaphore_mem>>)
      %dma_wait3A = arith.constant 0 : i32
      %dma_wait3A_62 = tpu.memref_slice %arg5[%run_scoped3A, %arg0, %mul3A_10, %dma_wait3A] : memref<3x2x10240x128xf32, #tpu.memory_space<hbm>> -> memref<1x1x640x128xf32, #tpu.memory_space<hbm>>
      %dma_wait3A_63 = tpu.memref_squeeze %dma_wait3A_62 : memref<1x1x640x128xf32, #tpu.memory_space<hbm>> -> memref<640x128xf32, #tpu.memory_space<hbm>>
      %dma_wait3A_64 = arith.constant 0 : i32
      %dma_wait3A_65 = tpu.memref_slice %arg10[%mul3A_10, %dma_wait3A_64] : memref<10240x128xf32, #tpu.memory_space<vmem_shared>> -> memref<640x128xf32, #tpu.memory_space<vmem_shared>>
      tpu.wait_dma2 semaphore(%run_scoped3A_57 : memref<!tpu.dma_semaphore, #tpu.memory_space<semaphore_mem>>) src(%dma_wait3A_65 : memref<640x128xf32, #tpu.memory_space<vmem_shared>>) dst(%dma_wait3A_63 : memref<640x128xf32, #tpu.memory_space<hbm>>)
      tpu.yield
    }) : () -> ()
    %barrier3A_24 = arith.constant 0 : index
    tpu.barrier barrier_id(%barrier3A_24)
    %scan3A_25 = arith.constant 0 : i32
    %scan3A_26 = arith.constant 0 : i32
    %scan3A_27 = arith.constant 10 : i32
    %scan3A_28 = arith.addi %scan3A_26, %scan3A_27 : i32
    %scan3A_29 = arith.constant 1 : i32
    scf.for %scan3A_57 = %scan3A_26 to %scan3A_28 step %scan3A_29  : i32 {
      %mul3A_58 = arith.constant 64 : i32
      %mul3A_59 = arith.muli %scan3A_57, %mul3A_58 : i32
      %add3A_60 = arith.addi %mul3A_10, %mul3A_59 : i32
      "tpu.region"() ({
        %run_scoped3A_61 = tpu.sem_alloc : memref<!tpu.dma_semaphore, #tpu.memory_space<semaphore_mem>>
        %dma_start3A = arith.constant 0 : i32
        %dma_start3A_62 = tpu.memref_slice %arg10[%add3A_60, %dma_start3A] : memref<10240x128xf32, #tpu.memory_space<vmem_shared>> -> memref<64x128xf32, #tpu.memory_space<vmem_shared>>
        %dma_start3A_63 = arith.constant 0 : i32
        %dma_start3A_64 = tpu.memref_slice %arg10[%add3A_60, %dma_start3A_63] : memref<10240x128xf32, #tpu.memory_space<vmem_shared>> -> memref<64x128xf32, #tpu.memory_space<vmem_shared>>
        tpu.enqueue_dma source(%arg9 : memref<64x128xf32, #tpu.memory_space<vmem>>) target(%dma_start3A_64 : memref<64x128xf32, #tpu.memory_space<vmem_shared>>) target_semaphore(%run_scoped3A_61 : memref<!tpu.dma_semaphore, #tpu.memory_space<semaphore_mem>>)
        %dma_wait3A = arith.constant 0 : i32
        %dma_wait3A_65 = tpu.memref_slice %arg10[%add3A_60, %dma_wait3A] : memref<10240x128xf32, #tpu.memory_space<vmem_shared>> -> memref<64x128xf32, #tpu.memory_space<vmem_shared>>
        %dma_wait3A_66 = arith.constant 0 : i32
        %dma_wait3A_67 = tpu.memref_slice %arg10[%add3A_60, %dma_wait3A_66] : memref<10240x128xf32, #tpu.memory_space<vmem_shared>> -> memref<64x128xf32, #tpu.memory_space<vmem_shared>>
        tpu.wait_dma2 semaphore(%run_scoped3A_61 : memref<!tpu.dma_semaphore, #tpu.memory_space<semaphore_mem>>) src(%arg9 : memref<64x128xf32, #tpu.memory_space<vmem>>) dst(%dma_wait3A_67 : memref<64x128xf32, #tpu.memory_space<vmem_shared>>)
        tpu.yield
      }) : () -> ()
    }
    %scan3A_30 = arith.constant 10 : i32
    %barrier3A_31 = arith.constant 0 : index
    tpu.barrier barrier_id(%barrier3A_31)
    %scan3A_32 = arith.constant 0 : i32
    %scan3A_33 = arith.constant 0 : i32
    %scan3A_34 = arith.constant 79 : i32
    %scan3A_35 = arith.addi %scan3A_33, %scan3A_34 : i32
    %scan3A_36 = arith.constant 1 : i32
    scf.for %scan3A_57 = %scan3A_33 to %scan3A_35 step %scan3A_36  : i32 {
      %mul3A_58 = arith.constant 128 : i32
      %mul3A_59 = arith.muli %scan3A_57, %mul3A_58 : i32
      %add3A_60 = arith.addi %mul3A_2, %mul3A_59 : i32
      "tpu.region"() ({
        %run_scoped3A_75 = tpu.sem_alloc : memref<!tpu.dma_semaphore, #tpu.memory_space<semaphore_mem>>
        %dma_start3A_76 = tpu.memref_slice %arg3[%add3A_60] : memref<323584xi32, #tpu.memory_space<hbm>> -> memref<128xi32, #tpu.memory_space<hbm>>
        %dma_start3A_77 = tpu.memref_slice %arg3[%add3A_60] : memref<323584xi32, #tpu.memory_space<hbm>> -> memref<128xi32, #tpu.memory_space<hbm>>
        tpu.enqueue_dma source(%dma_start3A_77 : memref<128xi32, #tpu.memory_space<hbm>>) target(%arg6 : memref<128xi32, #tpu.memory_space<vmem>>) target_semaphore(%run_scoped3A_75 : memref<!tpu.dma_semaphore, #tpu.memory_space<semaphore_mem>>)
        %dma_wait3A_78 = tpu.memref_slice %arg3[%add3A_60] : memref<323584xi32, #tpu.memory_space<hbm>> -> memref<128xi32, #tpu.memory_space<hbm>>
        %dma_wait3A_79 = tpu.memref_slice %arg3[%add3A_60] : memref<323584xi32, #tpu.memory_space<hbm>> -> memref<128xi32, #tpu.memory_space<hbm>>
        tpu.wait_dma2 semaphore(%run_scoped3A_75 : memref<!tpu.dma_semaphore, #tpu.memory_space<semaphore_mem>>) src(%dma_wait3A_79 : memref<128xi32, #tpu.memory_space<hbm>>) dst(%arg6 : memref<128xi32, #tpu.memory_space<vmem>>)
        tpu.yield
      }) : () -> ()
      "tpu.region"() ({
        %run_scoped3A_75 = tpu.sem_alloc : memref<!tpu.dma_semaphore, #tpu.memory_space<semaphore_mem>>
        %dma_start3A_76 = tpu.memref_slice %arg4[%add3A_60] : memref<323584xi32, #tpu.memory_space<hbm>> -> memref<128xi32, #tpu.memory_space<hbm>>
        %dma_start3A_77 = tpu.memref_slice %arg4[%add3A_60] : memref<323584xi32, #tpu.memory_space<hbm>> -> memref<128xi32, #tpu.memory_space<hbm>>
        tpu.enqueue_dma source(%dma_start3A_77 : memref<128xi32, #tpu.memory_space<hbm>>) target(%arg7 : memref<128xi32, #tpu.memory_space<vmem>>) target_semaphore(%run_scoped3A_75 : memref<!tpu.dma_semaphore, #tpu.memory_space<semaphore_mem>>)
        %dma_wait3A_78 = tpu.memref_slice %arg4[%add3A_60] : memref<323584xi32, #tpu.memory_space<hbm>> -> memref<128xi32, #tpu.memory_space<hbm>>
        %dma_wait3A_79 = tpu.memref_slice %arg4[%add3A_60] : memref<323584xi32, #tpu.memory_space<hbm>> -> memref<128xi32, #tpu.memory_space<hbm>>
        tpu.wait_dma2 semaphore(%run_scoped3A_75 : memref<!tpu.dma_semaphore, #tpu.memory_space<semaphore_mem>>) src(%dma_wait3A_79 : memref<128xi32, #tpu.memory_space<hbm>>) dst(%arg7 : memref<128xi32, #tpu.memory_space<vmem>>)
        tpu.yield
      }) : () -> ()
      %dma_start3A = arith.constant 1 : i32
      %dma_start3A_61 = arith.constant 0 : i32
      %dma_start3A_62 = arith.constant 0 : i32
      %dma_start3A_63 = tpu.memref_slice %arg2[%dma_start3A, %dma_start3A_61, %dma_start3A_62] : memref<3x10240x128xf32, #tpu.memory_space<hbm>> -> memref<1x10240x128xf32, #tpu.memory_space<hbm>>
      %dma_start3A_64 = tpu.memref_squeeze %dma_start3A_63 : memref<1x10240x128xf32, #tpu.memory_space<hbm>> -> memref<10240x128xf32, #tpu.memory_space<hbm>>
      %dma_start3A_65 = arith.constant 0 : i32
      %dma_start3A_66 = arith.constant 0 : i32
      %dma_start3A_67 = tpu.memref_slice %dma_start3A_64[%dma_start3A_65, %dma_start3A_66] : memref<10240x128xf32, #tpu.memory_space<hbm>> -> memref<10240x128xf32, #tpu.memory_space<hbm>>
      tpu.enqueue_indirect_dma source(%dma_start3A_67 : memref<10240x128xf32, #tpu.memory_space<hbm>>) target(%arg8 : memref<128x128xf32, #tpu.memory_space<vmem>>) offsets(%arg6 : memref<128xi32, #tpu.memory_space<vmem>>) semaphore(%arg11 : memref<!tpu.dma_semaphore, #tpu.memory_space<semaphore_mem>>)
      %dma_wait3A = arith.constant 1 : i32
      %dma_wait3A_68 = arith.constant 0 : i32
      %dma_wait3A_69 = arith.constant 0 : i32
      %dma_wait3A_70 = tpu.memref_slice %arg2[%dma_wait3A, %dma_wait3A_68, %dma_wait3A_69] : memref<3x10240x128xf32, #tpu.memory_space<hbm>> -> memref<1x10240x128xf32, #tpu.memory_space<hbm>>
      %dma_wait3A_71 = tpu.memref_squeeze %dma_wait3A_70 : memref<1x10240x128xf32, #tpu.memory_space<hbm>> -> memref<10240x128xf32, #tpu.memory_space<hbm>>
      %dma_wait3A_72 = arith.constant 0 : i32
      %dma_wait3A_73 = arith.constant 0 : i32
      %dma_wait3A_74 = tpu.memref_slice %dma_wait3A_71[%dma_wait3A_72, %dma_wait3A_73] : memref<10240x128xf32, #tpu.memory_space<hbm>> -> memref<10240x128xf32, #tpu.memory_space<hbm>>
      tpu.wait_indirect_dma semaphore(%arg11 : memref<!tpu.dma_semaphore, #tpu.memory_space<semaphore_mem>>) src(%dma_wait3A_74 : memref<10240x128xf32, #tpu.memory_space<hbm>>) dst(%arg8 : memref<128x128xf32, #tpu.memory_space<vmem>>)
      "tpu.region"() ({
        %run_scoped3A_75 = tpu.sem_alloc : memref<!tpu.dma_semaphore, #tpu.memory_space<semaphore_mem>>
        %dma_start3A_76 = arith.constant 0 : i32
        %dma_start3A_77 = arith.constant 0 : i32
        %dma_start3A_78 = tpu.memref_slice %arg10[%dma_start3A_76, %dma_start3A_77] : memref<10240x128xf32, #tpu.memory_space<vmem_shared>> -> memref<10240x128xf32, #tpu.memory_space<vmem_shared>>
        tpu.enqueue_indirect_dma source(%arg8 : memref<128x128xf32, #tpu.memory_space<vmem>>) target(%dma_start3A_78 : memref<10240x128xf32, #tpu.memory_space<vmem_shared>>) offsets(%arg7 : memref<128xi32, #tpu.memory_space<vmem>>) semaphore(%run_scoped3A_75 : memref<!tpu.dma_semaphore, #tpu.memory_space<semaphore_mem>>) {add = true}
        %dma_wait3A_79 = arith.constant 0 : i32
        %dma_wait3A_80 = arith.constant 0 : i32
        %dma_wait3A_81 = tpu.memref_slice %arg10[%dma_wait3A_79, %dma_wait3A_80] : memref<10240x128xf32, #tpu.memory_space<vmem_shared>> -> memref<10240x128xf32, #tpu.memory_space<vmem_shared>>
        tpu.wait_indirect_dma semaphore(%run_scoped3A_75 : memref<!tpu.dma_semaphore, #tpu.memory_space<semaphore_mem>>) src(%arg8 : memref<128x128xf32, #tpu.memory_space<vmem>>) dst(%dma_wait3A_81 : memref<10240x128xf32, #tpu.memory_space<vmem_shared>>)
        tpu.yield
      }) : () -> ()
    }
    %scan3A_37 = arith.constant 79 : i32
    %barrier3A_38 = arith.constant 0 : index
    tpu.barrier barrier_id(%barrier3A_38)
    %run_scoped3A_39 = arith.constant 1 : i32
    "tpu.region"() ({
      %run_scoped3A_57 = tpu.sem_alloc : memref<!tpu.dma_semaphore, #tpu.memory_space<semaphore_mem>>
      %dma_start3A = arith.constant 0 : i32
      %dma_start3A_58 = tpu.memref_slice %arg5[%run_scoped3A_39, %arg0, %mul3A_10, %dma_start3A] : memref<3x2x10240x128xf32, #tpu.memory_space<hbm>> -> memref<1x1x640x128xf32, #tpu.memory_space<hbm>>
      %dma_start3A_59 = tpu.memref_squeeze %dma_start3A_58 : memref<1x1x640x128xf32, #tpu.memory_space<hbm>> -> memref<640x128xf32, #tpu.memory_space<hbm>>
      %dma_start3A_60 = arith.constant 0 : i32
      %dma_start3A_61 = tpu.memref_slice %arg10[%mul3A_10, %dma_start3A_60] : memref<10240x128xf32, #tpu.memory_space<vmem_shared>> -> memref<640x128xf32, #tpu.memory_space<vmem_shared>>
      tpu.enqueue_dma source(%dma_start3A_61 : memref<640x128xf32, #tpu.memory_space<vmem_shared>>) target(%dma_start3A_59 : memref<640x128xf32, #tpu.memory_space<hbm>>) target_semaphore(%run_scoped3A_57 : memref<!tpu.dma_semaphore, #tpu.memory_space<semaphore_mem>>)
      %dma_wait3A = arith.constant 0 : i32
      %dma_wait3A_62 = tpu.memref_slice %arg5[%run_scoped3A_39, %arg0, %mul3A_10, %dma_wait3A] : memref<3x2x10240x128xf32, #tpu.memory_space<hbm>> -> memref<1x1x640x128xf32, #tpu.memory_space<hbm>>
      %dma_wait3A_63 = tpu.memref_squeeze %dma_wait3A_62 : memref<1x1x640x128xf32, #tpu.memory_space<hbm>> -> memref<640x128xf32, #tpu.memory_space<hbm>>
      %dma_wait3A_64 = arith.constant 0 : i32
      %dma_wait3A_65 = tpu.memref_slice %arg10[%mul3A_10, %dma_wait3A_64] : memref<10240x128xf32, #tpu.memory_space<vmem_shared>> -> memref<640x128xf32, #tpu.memory_space<vmem_shared>>
      tpu.wait_dma2 semaphore(%run_scoped3A_57 : memref<!tpu.dma_semaphore, #tpu.memory_space<semaphore_mem>>) src(%dma_wait3A_65 : memref<640x128xf32, #tpu.memory_space<vmem_shared>>) dst(%dma_wait3A_63 : memref<640x128xf32, #tpu.memory_space<hbm>>)
      tpu.yield
    }) : () -> ()
    %barrier3A_40 = arith.constant 0 : index
    tpu.barrier barrier_id(%barrier3A_40)
    %scan3A_41 = arith.constant 0 : i32
    %scan3A_42 = arith.constant 0 : i32
    %scan3A_43 = arith.constant 10 : i32
    %scan3A_44 = arith.addi %scan3A_42, %scan3A_43 : i32
    %scan3A_45 = arith.constant 1 : i32
    scf.for %scan3A_57 = %scan3A_42 to %scan3A_44 step %scan3A_45  : i32 {
      %mul3A_58 = arith.constant 64 : i32
      %mul3A_59 = arith.muli %scan3A_57, %mul3A_58 : i32
      %add3A_60 = arith.addi %mul3A_10, %mul3A_59 : i32
      "tpu.region"() ({
        %run_scoped3A_61 = tpu.sem_alloc : memref<!tpu.dma_semaphore, #tpu.memory_space<semaphore_mem>>
        %dma_start3A = arith.constant 0 : i32
        %dma_start3A_62 = tpu.memref_slice %arg10[%add3A_60, %dma_start3A] : memref<10240x128xf32, #tpu.memory_space<vmem_shared>> -> memref<64x128xf32, #tpu.memory_space<vmem_shared>>
        %dma_start3A_63 = arith.constant 0 : i32
        %dma_start3A_64 = tpu.memref_slice %arg10[%add3A_60, %dma_start3A_63] : memref<10240x128xf32, #tpu.memory_space<vmem_shared>> -> memref<64x128xf32, #tpu.memory_space<vmem_shared>>
        tpu.enqueue_dma source(%arg9 : memref<64x128xf32, #tpu.memory_space<vmem>>) target(%dma_start3A_64 : memref<64x128xf32, #tpu.memory_space<vmem_shared>>) target_semaphore(%run_scoped3A_61 : memref<!tpu.dma_semaphore, #tpu.memory_space<semaphore_mem>>)
        %dma_wait3A = arith.constant 0 : i32
        %dma_wait3A_65 = tpu.memref_slice %arg10[%add3A_60, %dma_wait3A] : memref<10240x128xf32, #tpu.memory_space<vmem_shared>> -> memref<64x128xf32, #tpu.memory_space<vmem_shared>>
        %dma_wait3A_66 = arith.constant 0 : i32
        %dma_wait3A_67 = tpu.memref_slice %arg10[%add3A_60, %dma_wait3A_66] : memref<10240x128xf32, #tpu.memory_space<vmem_shared>> -> memref<64x128xf32, #tpu.memory_space<vmem_shared>>
        tpu.wait_dma2 semaphore(%run_scoped3A_61 : memref<!tpu.dma_semaphore, #tpu.memory_space<semaphore_mem>>) src(%arg9 : memref<64x128xf32, #tpu.memory_space<vmem>>) dst(%dma_wait3A_67 : memref<64x128xf32, #tpu.memory_space<vmem_shared>>)
        tpu.yield
      }) : () -> ()
    }
    %scan3A_46 = arith.constant 10 : i32
    %barrier3A_47 = arith.constant 0 : index
    tpu.barrier barrier_id(%barrier3A_47)
    %scan3A_48 = arith.constant 0 : i32
    %scan3A_49 = arith.constant 0 : i32
    %scan3A_50 = arith.constant 79 : i32
    %scan3A_51 = arith.addi %scan3A_49, %scan3A_50 : i32
    %scan3A_52 = arith.constant 1 : i32
    scf.for %scan3A_57 = %scan3A_49 to %scan3A_51 step %scan3A_52  : i32 {
      %mul3A_58 = arith.constant 128 : i32
      %mul3A_59 = arith.muli %scan3A_57, %mul3A_58 : i32
      %add3A_60 = arith.addi %mul3A_2, %mul3A_59 : i32
      "tpu.region"() ({
        %run_scoped3A_75 = tpu.sem_alloc : memref<!tpu.dma_semaphore, #tpu.memory_space<semaphore_mem>>
        %dma_start3A_76 = tpu.memref_slice %arg3[%add3A_60] : memref<323584xi32, #tpu.memory_space<hbm>> -> memref<128xi32, #tpu.memory_space<hbm>>
        %dma_start3A_77 = tpu.memref_slice %arg3[%add3A_60] : memref<323584xi32, #tpu.memory_space<hbm>> -> memref<128xi32, #tpu.memory_space<hbm>>
        tpu.enqueue_dma source(%dma_start3A_77 : memref<128xi32, #tpu.memory_space<hbm>>) target(%arg6 : memref<128xi32, #tpu.memory_space<vmem>>) target_semaphore(%run_scoped3A_75 : memref<!tpu.dma_semaphore, #tpu.memory_space<semaphore_mem>>)
        %dma_wait3A_78 = tpu.memref_slice %arg3[%add3A_60] : memref<323584xi32, #tpu.memory_space<hbm>> -> memref<128xi32, #tpu.memory_space<hbm>>
        %dma_wait3A_79 = tpu.memref_slice %arg3[%add3A_60] : memref<323584xi32, #tpu.memory_space<hbm>> -> memref<128xi32, #tpu.memory_space<hbm>>
        tpu.wait_dma2 semaphore(%run_scoped3A_75 : memref<!tpu.dma_semaphore, #tpu.memory_space<semaphore_mem>>) src(%dma_wait3A_79 : memref<128xi32, #tpu.memory_space<hbm>>) dst(%arg6 : memref<128xi32, #tpu.memory_space<vmem>>)
        tpu.yield
      }) : () -> ()
      "tpu.region"() ({
        %run_scoped3A_75 = tpu.sem_alloc : memref<!tpu.dma_semaphore, #tpu.memory_space<semaphore_mem>>
        %dma_start3A_76 = tpu.memref_slice %arg4[%add3A_60] : memref<323584xi32, #tpu.memory_space<hbm>> -> memref<128xi32, #tpu.memory_space<hbm>>
        %dma_start3A_77 = tpu.memref_slice %arg4[%add3A_60] : memref<323584xi32, #tpu.memory_space<hbm>> -> memref<128xi32, #tpu.memory_space<hbm>>
        tpu.enqueue_dma source(%dma_start3A_77 : memref<128xi32, #tpu.memory_space<hbm>>) target(%arg7 : memref<128xi32, #tpu.memory_space<vmem>>) target_semaphore(%run_scoped3A_75 : memref<!tpu.dma_semaphore, #tpu.memory_space<semaphore_mem>>)
        %dma_wait3A_78 = tpu.memref_slice %arg4[%add3A_60] : memref<323584xi32, #tpu.memory_space<hbm>> -> memref<128xi32, #tpu.memory_space<hbm>>
        %dma_wait3A_79 = tpu.memref_slice %arg4[%add3A_60] : memref<323584xi32, #tpu.memory_space<hbm>> -> memref<128xi32, #tpu.memory_space<hbm>>
        tpu.wait_dma2 semaphore(%run_scoped3A_75 : memref<!tpu.dma_semaphore, #tpu.memory_space<semaphore_mem>>) src(%dma_wait3A_79 : memref<128xi32, #tpu.memory_space<hbm>>) dst(%arg7 : memref<128xi32, #tpu.memory_space<vmem>>)
        tpu.yield
      }) : () -> ()
      %dma_start3A = arith.constant 2 : i32
      %dma_start3A_61 = arith.constant 0 : i32
      %dma_start3A_62 = arith.constant 0 : i32
      %dma_start3A_63 = tpu.memref_slice %arg2[%dma_start3A, %dma_start3A_61, %dma_start3A_62] : memref<3x10240x128xf32, #tpu.memory_space<hbm>> -> memref<1x10240x128xf32, #tpu.memory_space<hbm>>
      %dma_start3A_64 = tpu.memref_squeeze %dma_start3A_63 : memref<1x10240x128xf32, #tpu.memory_space<hbm>> -> memref<10240x128xf32, #tpu.memory_space<hbm>>
      %dma_start3A_65 = arith.constant 0 : i32
      %dma_start3A_66 = arith.constant 0 : i32
      %dma_start3A_67 = tpu.memref_slice %dma_start3A_64[%dma_start3A_65, %dma_start3A_66] : memref<10240x128xf32, #tpu.memory_space<hbm>> -> memref<10240x128xf32, #tpu.memory_space<hbm>>
      tpu.enqueue_indirect_dma source(%dma_start3A_67 : memref<10240x128xf32, #tpu.memory_space<hbm>>) target(%arg8 : memref<128x128xf32, #tpu.memory_space<vmem>>) offsets(%arg6 : memref<128xi32, #tpu.memory_space<vmem>>) semaphore(%arg11 : memref<!tpu.dma_semaphore, #tpu.memory_space<semaphore_mem>>)
      %dma_wait3A = arith.constant 2 : i32
      %dma_wait3A_68 = arith.constant 0 : i32
      %dma_wait3A_69 = arith.constant 0 : i32
      %dma_wait3A_70 = tpu.memref_slice %arg2[%dma_wait3A, %dma_wait3A_68, %dma_wait3A_69] : memref<3x10240x128xf32, #tpu.memory_space<hbm>> -> memref<1x10240x128xf32, #tpu.memory_space<hbm>>
      %dma_wait3A_71 = tpu.memref_squeeze %dma_wait3A_70 : memref<1x10240x128xf32, #tpu.memory_space<hbm>> -> memref<10240x128xf32, #tpu.memory_space<hbm>>
      %dma_wait3A_72 = arith.constant 0 : i32
      %dma_wait3A_73 = arith.constant 0 : i32
      %dma_wait3A_74 = tpu.memref_slice %dma_wait3A_71[%dma_wait3A_72, %dma_wait3A_73] : memref<10240x128xf32, #tpu.memory_space<hbm>> -> memref<10240x128xf32, #tpu.memory_space<hbm>>
      tpu.wait_indirect_dma semaphore(%arg11 : memref<!tpu.dma_semaphore, #tpu.memory_space<semaphore_mem>>) src(%dma_wait3A_74 : memref<10240x128xf32, #tpu.memory_space<hbm>>) dst(%arg8 : memref<128x128xf32, #tpu.memory_space<vmem>>)
      "tpu.region"() ({
        %run_scoped3A_75 = tpu.sem_alloc : memref<!tpu.dma_semaphore, #tpu.memory_space<semaphore_mem>>
        %dma_start3A_76 = arith.constant 0 : i32
        %dma_start3A_77 = arith.constant 0 : i32
        %dma_start3A_78 = tpu.memref_slice %arg10[%dma_start3A_76, %dma_start3A_77] : memref<10240x128xf32, #tpu.memory_space<vmem_shared>> -> memref<10240x128xf32, #tpu.memory_space<vmem_shared>>
        tpu.enqueue_indirect_dma source(%arg8 : memref<128x128xf32, #tpu.memory_space<vmem>>) target(%dma_start3A_78 : memref<10240x128xf32, #tpu.memory_space<vmem_shared>>) offsets(%arg7 : memref<128xi32, #tpu.memory_space<vmem>>) semaphore(%run_scoped3A_75 : memref<!tpu.dma_semaphore, #tpu.memory_space<semaphore_mem>>) {add = true}
        %dma_wait3A_79 = arith.constant 0 : i32
        %dma_wait3A_80 = arith.constant 0 : i32
        %dma_wait3A_81 = tpu.memref_slice %arg10[%dma_wait3A_79, %dma_wait3A_80] : memref<10240x128xf32, #tpu.memory_space<vmem_shared>> -> memref<10240x128xf32, #tpu.memory_space<vmem_shared>>
        tpu.wait_indirect_dma semaphore(%run_scoped3A_75 : memref<!tpu.dma_semaphore, #tpu.memory_space<semaphore_mem>>) src(%arg8 : memref<128x128xf32, #tpu.memory_space<vmem>>) dst(%dma_wait3A_81 : memref<10240x128xf32, #tpu.memory_space<vmem_shared>>)
        tpu.yield
      }) : () -> ()
    }
    %scan3A_53 = arith.constant 79 : i32
    %barrier3A_54 = arith.constant 0 : index
    tpu.barrier barrier_id(%barrier3A_54)
    %run_scoped3A_55 = arith.constant 2 : i32
    "tpu.region"() ({
      %run_scoped3A_57 = tpu.sem_alloc : memref<!tpu.dma_semaphore, #tpu.memory_space<semaphore_mem>>
      %dma_start3A = arith.constant 0 : i32
      %dma_start3A_58 = tpu.memref_slice %arg5[%run_scoped3A_55, %arg0, %mul3A_10, %dma_start3A] : memref<3x2x10240x128xf32, #tpu.memory_space<hbm>> -> memref<1x1x640x128xf32, #tpu.memory_space<hbm>>
      %dma_start3A_59 = tpu.memref_squeeze %dma_start3A_58 : memref<1x1x640x128xf32, #tpu.memory_space<hbm>> -> memref<640x128xf32, #tpu.memory_space<hbm>>
      %dma_start3A_60 = arith.constant 0 : i32
      %dma_start3A_61 = tpu.memref_slice %arg10[%mul3A_10, %dma_start3A_60] : memref<10240x128xf32, #tpu.memory_space<vmem_shared>> -> memref<640x128xf32, #tpu.memory_space<vmem_shared>>
      tpu.enqueue_dma source(%dma_start3A_61 : memref<640x128xf32, #tpu.memory_space<vmem_shared>>) target(%dma_start3A_59 : memref<640x128xf32, #tpu.memory_space<hbm>>) target_semaphore(%run_scoped3A_57 : memref<!tpu.dma_semaphore, #tpu.memory_space<semaphore_mem>>)
      %dma_wait3A = arith.constant 0 : i32
      %dma_wait3A_62 = tpu.memref_slice %arg5[%run_scoped3A_55, %arg0, %mul3A_10, %dma_wait3A] : memref<3x2x10240x128xf32, #tpu.memory_space<hbm>> -> memref<1x1x640x128xf32, #tpu.memory_space<hbm>>
      %dma_wait3A_63 = tpu.memref_squeeze %dma_wait3A_62 : memref<1x1x640x128xf32, #tpu.memory_space<hbm>> -> memref<640x128xf32, #tpu.memory_space<hbm>>
      %dma_wait3A_64 = arith.constant 0 : i32
      %dma_wait3A_65 = tpu.memref_slice %arg10[%mul3A_10, %dma_wait3A_64] : memref<10240x128xf32, #tpu.memory_space<vmem_shared>> -> memref<640x128xf32, #tpu.memory_space<vmem_shared>>
      tpu.wait_dma2 semaphore(%run_scoped3A_57 : memref<!tpu.dma_semaphore, #tpu.memory_space<semaphore_mem>>) src(%dma_wait3A_65 : memref<640x128xf32, #tpu.memory_space<vmem_shared>>) dst(%dma_wait3A_63 : memref<640x128xf32, #tpu.memory_space<hbm>>)
      tpu.yield
    }) : () -> ()
    %barrier3A_56 = arith.constant 0 : index
    tpu.barrier barrier_id(%barrier3A_56)
    return
  }
}

#map = affine_map<(d0, d1) -> (0, 0, 0)>
#map1 = affine_map<(d0, d1) -> (0)>
#map2 = affine_map<(d0, d1) -> (0, 0, 0, 0)>
module attributes {stable_mosaic.version = 14 : i64} {
  func.func @body(%arg0: i32, %arg1: i32, %arg2: memref<3x10240x128xf32, #tpu.memory_space<hbm>>, %arg3: memref<323584xi32, #tpu.memory_space<hbm>>, %arg4: memref<323584xi32, #tpu.memory_space<hbm>>, %arg5: memref<3x2x10240x128xf32, #tpu.memory_space<hbm>>, %arg6: memref<128xi32, #tpu.memory_space<vmem>>, %arg7: memref<128xi32, #tpu.memory_space<vmem>>, %arg8: memref<128x128xf32, #tpu.memory_space<vmem>>, %arg9: memref<64x128xf32, #tpu.memory_space<vmem>>, %arg10: memref<10240x128xf32, #tpu.memory_space<vmem_shared>>, %arg11: memref<!tpu.dma_semaphore, #tpu.memory_space<semaphore_mem>>) attributes {dimension_semantics = [#tpu.dimension_semantics<core_parallel>, #tpu.dimension_semantics<subcore_parallel>], iteration_bounds = array<i64: 2, 16>, scalar_prefetch = 0 : i64, scratch_operands = 6 : i64, tpu.core_type = #tpu.core_type<sc_vector_subcore>, window_params = [{transform_indices = #map}, {transform_indices = #map1}, {transform_indices = #map1}, {transform_indices = #map2}]} {
    %mul3A = arith.constant 16 : i32
    %mul3A_0 = arith.muli %arg0, %mul3A : i32
    %add3A = arith.addi %mul3A_0, %arg1 : i32
    %mul3A_1 = arith.constant 10112 : i32
    %mul3A_2 = arith.muli %add3A, %mul3A_1 : i32
    %broadcast_in_dim3A = arith.constant 0.000000e+00 : f32
    %broadcast_in_dim3A_3 = vector.broadcast %broadcast_in_dim3A : f32 to vector<16xf32>
    %scan3A = arith.constant 0 : i32
    %scan3A_4 = arith.constant 0 : i32
    %scan3A_5 = arith.constant 64 : i32
    %scan3A_6 = arith.addi %scan3A_4, %scan3A_5 : i32
    %scan3A_7 = arith.constant 1 : i32
    scf.for %scan3A_57 = %scan3A_4 to %scan3A_6 step %scan3A_7  : i32 {
      %swap3A = arith.index_cast %scan3A_57 : i32 to index
      %swap3A_58 = arith.constant 0 : index
      %swap3A_59 = tpu.vector_load %arg9[%swap3A, %swap3A_58] {strides = array<i32>} : memref<64x128xf32, #tpu.memory_space<vmem>>, vector<1x16xf32>,
      %swap3A_60 = vector.shape_cast %swap3A_59 : vector<1x16xf32> to vector<16xf32>
      %swap3A_61 = vector.shape_cast %broadcast_in_dim3A_3 : vector<16xf32> to vector<1x16xf32>
      tpu.vector_store %arg9[%swap3A, %swap3A_58], %swap3A_61 {strides = array<i32>} : memref<64x128xf32, #tpu.memory_space<vmem>>, vector<1x16xf32>,
      %swap3A_62 = arith.index_cast %scan3A_57 : i32 to index
      %swap3A_63 = arith.constant 16 : index
      %swap3A_64 = tpu.vector_load %arg9[%swap3A_62, %swap3A_63] {strides = array<i32>} : memref<64x128xf32, #tpu.memory_space<vmem>>, vector<1x16xf32>,
      %swap3A_65 = vector.shape_cast %swap3A_64 : vector<1x16xf32> to vector<16xf32>
      %swap3A_66 = vector.shape_cast %broadcast_in_dim3A_3 : vector<16xf32> to vector<1x16xf32>
      tpu.vector_store %arg9[%swap3A_62, %swap3A_63], %swap3A_66 {strides = array<i32>} : memref<64x128xf32, #tpu.memory_space<vmem>>, vector<1x16xf32>,
      %swap3A_67 = arith.index_cast %scan3A_57 : i32 to index
      %swap3A_68 = arith.constant 32 : index
      %swap3A_69 = tpu.vector_load %arg9[%swap3A_67, %swap3A_68] {strides = array<i32>} : memref<64x128xf32, #tpu.memory_space<vmem>>, vector<1x16xf32>,
      %swap3A_70 = vector.shape_cast %swap3A_69 : vector<1x16xf32> to vector<16xf32>
      %swap3A_71 = vector.shape_cast %broadcast_in_dim3A_3 : vector<16xf32> to vector<1x16xf32>
      tpu.vector_store %arg9[%swap3A_67, %swap3A_68], %swap3A_71 {strides = array<i32>} : memref<64x128xf32, #tpu.memory_space<vmem>>, vector<1x16xf32>,
      %swap3A_72 = arith.index_cast %scan3A_57 : i32 to index
      %swap3A_73 = arith.constant 48 : index
      %swap3A_74 = tpu.vector_load %arg9[%swap3A_72, %swap3A_73] {strides = array<i32>} : memref<64x128xf32, #tpu.memory_space<vmem>>, vector<1x16xf32>,
      %swap3A_75 = vector.shape_cast %swap3A_74 : vector<1x16xf32> to vector<16xf32>
      %swap3A_76 = vector.shape_cast %broadcast_in_dim3A_3 : vector<16xf32> to vector<1x16xf32>
      tpu.vector_store %arg9[%swap3A_72, %swap3A_73], %swap3A_76 {strides = array<i32>} : memref<64x128xf32, #tpu.memory_space<vmem>>, vector<1x16xf32>,
      %swap3A_77 = arith.index_cast %scan3A_57 : i32 to index
      %swap3A_78 = arith.constant 64 : index
      %swap3A_79 = tpu.vector_load %arg9[%swap3A_77, %swap3A_78] {strides = array<i32>} : memref<64x128xf32, #tpu.memory_space<vmem>>, vector<1x16xf32>,
      %swap3A_80 = vector.shape_cast %swap3A_79 : vector<1x16xf32> to vector<16xf32>
      %swap3A_81 = vector.shape_cast %broadcast_in_dim3A_3 : vector<16xf32> to vector<1x16xf32>
      tpu.vector_store %arg9[%swap3A_77, %swap3A_78], %swap3A_81 {strides = array<i32>} : memref<64x128xf32, #tpu.memory_space<vmem>>, vector<1x16xf32>,
      %swap3A_82 = arith.index_cast %scan3A_57 : i32 to index
      %swap3A_83 = arith.constant 80 : index
      %swap3A_84 = tpu.vector_load %arg9[%swap3A_82, %swap3A_83] {strides = array<i32>} : memref<64x128xf32, #tpu.memory_space<vmem>>, vector<1x16xf32>,
      %swap3A_85 = vector.shape_cast %swap3A_84 : vector<1x16xf32> to vector<16xf32>
      %swap3A_86 = vector.shape_cast %broadcast_in_dim3A_3 : vector<16xf32> to vector<1x16xf32>
      tpu.vector_store %arg9[%swap3A_82, %swap3A_83], %swap3A_86 {strides = array<i32>} : memref<64x128xf32, #tpu.memory_space<vmem>>, vector<1x16xf32>,
      %swap3A_87 = arith.index_cast %scan3A_57 : i32 to index
      %swap3A_88 = arith.constant 96 : index
      %swap3A_89 = tpu.vector_load %arg9[%swap3A_87, %swap3A_88] {strides = array<i32>} : memref<64x128xf32, #tpu.memory_space<vmem>>, vector<1x16xf32>,
      %swap3A_90 = vector.shape_cast %swap3A_89 : vector<1x16xf32> to vector<16xf32>
      %swap3A_91 = vector.shape_cast %broadcast_in_dim3A_3 : vector<16xf32> to vector<1x16xf32>
      tpu.vector_store %arg9[%swap3A_87, %swap3A_88], %swap3A_91 {strides = array<i32>} : memref<64x128xf32, #tpu.memory_space<vmem>>, vector<1x16xf32>,
      %swap3A_92 = arith.index_cast %scan3A_57 : i32 to index
      %swap3A_93 = arith.constant 112 : index
      %swap3A_94 = tpu.vector_load %arg9[%swap3A_92, %swap3A_93] {strides = array<i32>} : memref<64x128xf32, #tpu.memory_space<vmem>>, vector<1x16xf32>,
      %swap3A_95 = vector.shape_cast %swap3A_94 : vector<1x16xf32> to vector<16xf32>
      %swap3A_96 = vector.shape_cast %broadcast_in_dim3A_3 : vector<16xf32> to vector<1x16xf32>
      tpu.vector_store %arg9[%swap3A_92, %swap3A_93], %swap3A_96 {strides = array<i32>} : memref<64x128xf32, #tpu.memory_space<vmem>>, vector<1x16xf32>,
    }
    %scan3A_8 = arith.constant 64 : i32
    %mul3A_9 = arith.constant 640 : i32
    %mul3A_10 = arith.muli %arg1, %mul3A_9 : i32
    %scan3A_11 = arith.constant 0 : i32
    %scan3A_12 = arith.constant 0 : i32
    %scan3A_13 = arith.constant 10 : i32
    %scan3A_14 = arith.addi %scan3A_12, %scan3A_13 : i32
    %scan3A_15 = arith.constant 1 : i32
    scf.for %scan3A_57 = %scan3A_12 to %scan3A_14 step %scan3A_15  : i32 {
      %mul3A_58 = arith.constant 64 : i32
      %mul3A_59 = arith.muli %scan3A_57, %mul3A_58 : i32
      %add3A_60 = arith.addi %mul3A_10, %mul3A_59 : i32
      "tpu.region"() ({
        %run_scoped3A_61 = tpu.sem_alloc : memref<!tpu.dma_semaphore, #tpu.memory_space<semaphore_mem>>
        %dma_start3A = arith.constant 0 : i32
        %dma_start3A_62 = tpu.memref_slice %arg10[%add3A_60, %dma_start3A] : memref<10240x128xf32, #tpu.memory_space<vmem_shared>> -> memref<64x128xf32, #tpu.memory_space<vmem_shared>>
        %dma_start3A_63 = arith.constant 0 : i32
        %dma_start3A_64 = tpu.memref_slice %arg10[%add3A_60, %dma_start3A_63] : memref<10240x128xf32, #tpu.memory_space<vmem_shared>> -> memref<64x128xf32, #tpu.memory_space<vmem_shared>>
        tpu.enqueue_dma source(%arg9 : memref<64x128xf32, #tpu.memory_space<vmem>>) target(%dma_start3A_64 : memref<64x128xf32, #tpu.memory_space<vmem_shared>>) target_semaphore(%run_scoped3A_61 : memref<!tpu.dma_semaphore, #tpu.memory_space<semaphore_mem>>)
        %dma_wait3A = arith.constant 0 : i32
        %dma_wait3A_65 = tpu.memref_slice %arg10[%add3A_60, %dma_wait3A] : memref<10240x128xf32, #tpu.memory_space<vmem_shared>> -> memref<64x128xf32, #tpu.memory_space<vmem_shared>>
        %dma_wait3A_66 = arith.constant 0 : i32
        %dma_wait3A_67 = tpu.memref_slice %arg10[%add3A_60, %dma_wait3A_66] : memref<10240x128xf32, #tpu.memory_space<vmem_shared>> -> memref<64x128xf32, #tpu.memory_space<vmem_shared>>
        tpu.wait_dma2 semaphore(%run_scoped3A_61 : memref<!tpu.dma_semaphore, #tpu.memory_space<semaphore_mem>>) src(%arg9 : memref<64x128xf32, #tpu.memory_space<vmem>>) dst(%dma_wait3A_67 : memref<64x128xf32, #tpu.memory_space<vmem_shared>>)
        tpu.yield
      }) : () -> ()
    }
    %scan3A_16 = arith.constant 10 : i32
    %barrier3A = arith.constant 0 : index
    tpu.barrier barrier_id(%barrier3A)
    %scan3A_17 = arith.constant 0 : i32
    %scan3A_18 = arith.constant 0 : i32
    %scan3A_19 = arith.constant 79 : i32
    %scan3A_20 = arith.addi %scan3A_18, %scan3A_19 : i32
    %scan3A_21 = arith.constant 1 : i32
    scf.for %scan3A_57 = %scan3A_18 to %scan3A_20 step %scan3A_21  : i32 {
      %mul3A_58 = arith.constant 128 : i32
      %mul3A_59 = arith.muli %scan3A_57, %mul3A_58 : i32
      %add3A_60 = arith.addi %mul3A_2, %mul3A_59 : i32
      "tpu.region"() ({
        %run_scoped3A_75 = tpu.sem_alloc : memref<!tpu.dma_semaphore, #tpu.memory_space<semaphore_mem>>
        %dma_start3A_76 = tpu.memref_slice %arg3[%add3A_60] : memref<323584xi32, #tpu.memory_space<hbm>> -> memref<128xi32, #tpu.memory_space<hbm>>
        %dma_start3A_77 = tpu.memref_slice %arg3[%add3A_60] : memref<323584xi32, #tpu.memory_space<hbm>> -> memref<128xi32, #tpu.memory_space<hbm>>
        tpu.enqueue_dma source(%dma_start3A_77 : memref<128xi32, #tpu.memory_space<hbm>>) target(%arg6 : memref<128xi32, #tpu.memory_space<vmem>>) target_semaphore(%run_scoped3A_75 : memref<!tpu.dma_semaphore, #tpu.memory_space<semaphore_mem>>)
        %dma_wait3A_78 = tpu.memref_slice %arg3[%add3A_60] : memref<323584xi32, #tpu.memory_space<hbm>> -> memref<128xi32, #tpu.memory_space<hbm>>
        %dma_wait3A_79 = tpu.memref_slice %arg3[%add3A_60] : memref<323584xi32, #tpu.memory_space<hbm>> -> memref<128xi32, #tpu.memory_space<hbm>>
        tpu.wait_dma2 semaphore(%run_scoped3A_75 : memref<!tpu.dma_semaphore, #tpu.memory_space<semaphore_mem>>) src(%dma_wait3A_79 : memref<128xi32, #tpu.memory_space<hbm>>) dst(%arg6 : memref<128xi32, #tpu.memory_space<vmem>>)
        tpu.yield
      }) : () -> ()
      "tpu.region"() ({
        %run_scoped3A_75 = tpu.sem_alloc : memref<!tpu.dma_semaphore, #tpu.memory_space<semaphore_mem>>
        %dma_start3A_76 = tpu.memref_slice %arg4[%add3A_60] : memref<323584xi32, #tpu.memory_space<hbm>> -> memref<128xi32, #tpu.memory_space<hbm>>
        %dma_start3A_77 = tpu.memref_slice %arg4[%add3A_60] : memref<323584xi32, #tpu.memory_space<hbm>> -> memref<128xi32, #tpu.memory_space<hbm>>
        tpu.enqueue_dma source(%dma_start3A_77 : memref<128xi32, #tpu.memory_space<hbm>>) target(%arg7 : memref<128xi32, #tpu.memory_space<vmem>>) target_semaphore(%run_scoped3A_75 : memref<!tpu.dma_semaphore, #tpu.memory_space<semaphore_mem>>)
        %dma_wait3A_78 = tpu.memref_slice %arg4[%add3A_60] : memref<323584xi32, #tpu.memory_space<hbm>> -> memref<128xi32, #tpu.memory_space<hbm>>
        %dma_wait3A_79 = tpu.memref_slice %arg4[%add3A_60] : memref<323584xi32, #tpu.memory_space<hbm>> -> memref<128xi32, #tpu.memory_space<hbm>>
        tpu.wait_dma2 semaphore(%run_scoped3A_75 : memref<!tpu.dma_semaphore, #tpu.memory_space<semaphore_mem>>) src(%dma_wait3A_79 : memref<128xi32, #tpu.memory_space<hbm>>) dst(%arg7 : memref<128xi32, #tpu.memory_space<vmem>>)
        tpu.yield
      }) : () -> ()
      %dma_start3A = arith.constant 0 : i32
      %dma_start3A_61 = arith.constant 0 : i32
      %dma_start3A_62 = arith.constant 0 : i32
      %dma_start3A_63 = tpu.memref_slice %arg2[%dma_start3A, %dma_start3A_61, %dma_start3A_62] : memref<3x10240x128xf32, #tpu.memory_space<hbm>> -> memref<1x10240x128xf32, #tpu.memory_space<hbm>>
      %dma_start3A_64 = tpu.memref_squeeze %dma_start3A_63 : memref<1x10240x128xf32, #tpu.memory_space<hbm>> -> memref<10240x128xf32, #tpu.memory_space<hbm>>
      %dma_start3A_65 = arith.constant 0 : i32
      %dma_start3A_66 = arith.constant 0 : i32
      %dma_start3A_67 = tpu.memref_slice %dma_start3A_64[%dma_start3A_65, %dma_start3A_66] : memref<10240x128xf32, #tpu.memory_space<hbm>> -> memref<10240x128xf32, #tpu.memory_space<hbm>>
      tpu.enqueue_indirect_dma source(%dma_start3A_67 : memref<10240x128xf32, #tpu.memory_space<hbm>>) target(%arg8 : memref<128x128xf32, #tpu.memory_space<vmem>>) offsets(%arg6 : memref<128xi32, #tpu.memory_space<vmem>>) semaphore(%arg11 : memref<!tpu.dma_semaphore, #tpu.memory_space<semaphore_mem>>)
      %dma_wait3A = arith.constant 0 : i32
      %dma_wait3A_68 = arith.constant 0 : i32
      %dma_wait3A_69 = arith.constant 0 : i32
      %dma_wait3A_70 = tpu.memref_slice %arg2[%dma_wait3A, %dma_wait3A_68, %dma_wait3A_69] : memref<3x10240x128xf32, #tpu.memory_space<hbm>> -> memref<1x10240x128xf32, #tpu.memory_space<hbm>>
      %dma_wait3A_71 = tpu.memref_squeeze %dma_wait3A_70 : memref<1x10240x128xf32, #tpu.memory_space<hbm>> -> memref<10240x128xf32, #tpu.memory_space<hbm>>
      %dma_wait3A_72 = arith.constant 0 : i32
      %dma_wait3A_73 = arith.constant 0 : i32
      %dma_wait3A_74 = tpu.memref_slice %dma_wait3A_71[%dma_wait3A_72, %dma_wait3A_73] : memref<10240x128xf32, #tpu.memory_space<hbm>> -> memref<10240x128xf32, #tpu.memory_space<hbm>>
      tpu.wait_indirect_dma semaphore(%arg11 : memref<!tpu.dma_semaphore, #tpu.memory_space<semaphore_mem>>) src(%dma_wait3A_74 : memref<10240x128xf32, #tpu.memory_space<hbm>>) dst(%arg8 : memref<128x128xf32, #tpu.memory_space<vmem>>)
      "tpu.region"() ({
        %run_scoped3A_75 = tpu.sem_alloc : memref<!tpu.dma_semaphore, #tpu.memory_space<semaphore_mem>>
        %dma_start3A_76 = arith.constant 0 : i32
        %dma_start3A_77 = arith.constant 0 : i32
        %dma_start3A_78 = tpu.memref_slice %arg10[%dma_start3A_76, %dma_start3A_77] : memref<10240x128xf32, #tpu.memory_space<vmem_shared>> -> memref<10240x128xf32, #tpu.memory_space<vmem_shared>>
        tpu.enqueue_indirect_dma source(%arg8 : memref<128x128xf32, #tpu.memory_space<vmem>>) target(%dma_start3A_78 : memref<10240x128xf32, #tpu.memory_space<vmem_shared>>) offsets(%arg7 : memref<128xi32, #tpu.memory_space<vmem>>) semaphore(%run_scoped3A_75 : memref<!tpu.dma_semaphore, #tpu.memory_space<semaphore_mem>>) {add = true}
        %dma_wait3A_79 = arith.constant 0 : i32
        %dma_wait3A_80 = arith.constant 0 : i32
        %dma_wait3A_81 = tpu.memref_slice %arg10[%dma_wait3A_79, %dma_wait3A_80] : memref<10240x128xf32, #tpu.memory_space<vmem_shared>> -> memref<10240x128xf32, #tpu.memory_space<vmem_shared>>
        tpu.wait_indirect_dma semaphore(%run_scoped3A_75 : memref<!tpu.dma_semaphore, #tpu.memory_space<semaphore_mem>>) src(%arg8 : memref<128x128xf32, #tpu.memory_space<vmem>>) dst(%dma_wait3A_81 : memref<10240x128xf32, #tpu.memory_space<vmem_shared>>)
        tpu.yield
      }) : () -> ()
    }
    %scan3A_22 = arith.constant 79 : i32
    %barrier3A_23 = arith.constant 0 : index
    tpu.barrier barrier_id(%barrier3A_23)
    %run_scoped3A = arith.constant 0 : i32
    "tpu.region"() ({
      %run_scoped3A_57 = tpu.sem_alloc : memref<!tpu.dma_semaphore, #tpu.memory_space<semaphore_mem>>
      %dma_start3A = arith.constant 0 : i32
      %dma_start3A_58 = tpu.memref_slice %arg5[%run_scoped3A, %arg0, %mul3A_10, %dma_start3A] : memref<3x2x10240x128xf32, #tpu.memory_space<hbm>> -> memref<1x1x640x128xf32, #tpu.memory_space<hbm>>
      %dma_start3A_59 = tpu.memref_squeeze %dma_start3A_58 : memref<1x1x640x128xf32, #tpu.memory_space<hbm>> -> memref<640x128xf32, #tpu.memory_space<hbm>>
      %dma_start3A_60 = arith.constant 0 : i32
      %dma_start3A_61 = tpu.memref_slice %arg10[%mul3A_10, %dma_start3A_60] : memref<10240x128xf32, #tpu.memory_space<vmem_shared>> -> memref<640x128xf32, #tpu.memory_space<vmem_shared>>
      tpu.enqueue_dma source(%dma_start3A_61 : memref<640x128xf32, #tpu.memory_space<vmem_shared>>) target(%dma_start3A_59 : memref<640x128xf32, #tpu.memory_space<hbm>>) target_semaphore(%run_scoped3A_57 : memref<!tpu.dma_semaphore, #tpu.memory_space<semaphore_mem>>)
      %dma_wait3A = arith.constant 0 : i32
      %dma_wait3A_62 = tpu.memref_slice %arg5[%run_scoped3A, %arg0, %mul3A_10, %dma_wait3A] : memref<3x2x10240x128xf32, #tpu.memory_space<hbm>> -> memref<1x1x640x128xf32, #tpu.memory_space<hbm>>
      %dma_wait3A_63 = tpu.memref_squeeze %dma_wait3A_62 : memref<1x1x640x128xf32, #tpu.memory_space<hbm>> -> memref<640x128xf32, #tpu.memory_space<hbm>>
      %dma_wait3A_64 = arith.constant 0 : i32
      %dma_wait3A_65 = tpu.memref_slice %arg10[%mul3A_10, %dma_wait3A_64] : memref<10240x128xf32, #tpu.memory_space<vmem_shared>> -> memref<640x128xf32, #tpu.memory_space<vmem_shared>>
      tpu.wait_dma2 semaphore(%run_scoped3A_57 : memref<!tpu.dma_semaphore, #tpu.memory_space<semaphore_mem>>) src(%dma_wait3A_65 : memref<640x128xf32, #tpu.memory_space<vmem_shared>>) dst(%dma_wait3A_63 : memref<640x128xf32, #tpu.memory_space<hbm>>)
      tpu.yield
    }) : () -> ()
    %barrier3A_24 = arith.constant 0 : index
    tpu.barrier barrier_id(%barrier3A_24)
    %scan3A_25 = arith.constant 0 : i32
    %scan3A_26 = arith.constant 0 : i32
    %scan3A_27 = arith.constant 10 : i32
    %scan3A_28 = arith.addi %scan3A_26, %scan3A_27 : i32
    %scan3A_29 = arith.constant 1 : i32
    scf.for %scan3A_57 = %scan3A_26 to %scan3A_28 step %scan3A_29  : i32 {
      %mul3A_58 = arith.constant 64 : i32
      %mul3A_59 = arith.muli %scan3A_57, %mul3A_58 : i32
      %add3A_60 = arith.addi %mul3A_10, %mul3A_59 : i32
      "tpu.region"() ({
        %run_scoped3A_61 = tpu.sem_alloc : memref<!tpu.dma_semaphore, #tpu.memory_space<semaphore_mem>>
        %dma_start3A = arith.constant 0 : i32
        %dma_start3A_62 = tpu.memref_slice %arg10[%add3A_60, %dma_start3A] : memref<10240x128xf32, #tpu.memory_space<vmem_shared>> -> memref<64x128xf32, #tpu.memory_space<vmem_shared>>
        %dma_start3A_63 = arith.constant 0 : i32
        %dma_start3A_64 = tpu.memref_slice %arg10[%add3A_60, %dma_start3A_63] : memref<10240x128xf32, #tpu.memory_space<vmem_shared>> -> memref<64x128xf32, #tpu.memory_space<vmem_shared>>
        tpu.enqueue_dma source(%arg9 : memref<64x128xf32, #tpu.memory_space<vmem>>) target(%dma_start3A_64 : memref<64x128xf32, #tpu.memory_space<vmem_shared>>) target_semaphore(%run_scoped3A_61 : memref<!tpu.dma_semaphore, #tpu.memory_space<semaphore_mem>>)
        %dma_wait3A = arith.constant 0 : i32
        %dma_wait3A_65 = tpu.memref_slice %arg10[%add3A_60, %dma_wait3A] : memref<10240x128xf32, #tpu.memory_space<vmem_shared>> -> memref<64x128xf32, #tpu.memory_space<vmem_shared>>
        %dma_wait3A_66 = arith.constant 0 : i32
        %dma_wait3A_67 = tpu.memref_slice %arg10[%add3A_60, %dma_wait3A_66] : memref<10240x128xf32, #tpu.memory_space<vmem_shared>> -> memref<64x128xf32, #tpu.memory_space<vmem_shared>>
        tpu.wait_dma2 semaphore(%run_scoped3A_61 : memref<!tpu.dma_semaphore, #tpu.memory_space<semaphore_mem>>) src(%arg9 : memref<64x128xf32, #tpu.memory_space<vmem>>) dst(%dma_wait3A_67 : memref<64x128xf32, #tpu.memory_space<vmem_shared>>)
        tpu.yield
      }) : () -> ()
    }
    %scan3A_30 = arith.constant 10 : i32
    %barrier3A_31 = arith.constant 0 : index
    tpu.barrier barrier_id(%barrier3A_31)
    %scan3A_32 = arith.constant 0 : i32
    %scan3A_33 = arith.constant 0 : i32
    %scan3A_34 = arith.constant 79 : i32
    %scan3A_35 = arith.addi %scan3A_33, %scan3A_34 : i32
    %scan3A_36 = arith.constant 1 : i32
    scf.for %scan3A_57 = %scan3A_33 to %scan3A_35 step %scan3A_36  : i32 {
      %mul3A_58 = arith.constant 128 : i32
      %mul3A_59 = arith.muli %scan3A_57, %mul3A_58 : i32
      %add3A_60 = arith.addi %mul3A_2, %mul3A_59 : i32
      "tpu.region"() ({
        %run_scoped3A_75 = tpu.sem_alloc : memref<!tpu.dma_semaphore, #tpu.memory_space<semaphore_mem>>
        %dma_start3A_76 = tpu.memref_slice %arg3[%add3A_60] : memref<323584xi32, #tpu.memory_space<hbm>> -> memref<128xi32, #tpu.memory_space<hbm>>
        %dma_start3A_77 = tpu.memref_slice %arg3[%add3A_60] : memref<323584xi32, #tpu.memory_space<hbm>> -> memref<128xi32, #tpu.memory_space<hbm>>
        tpu.enqueue_dma source(%dma_start3A_77 : memref<128xi32, #tpu.memory_space<hbm>>) target(%arg6 : memref<128xi32, #tpu.memory_space<vmem>>) target_semaphore(%run_scoped3A_75 : memref<!tpu.dma_semaphore, #tpu.memory_space<semaphore_mem>>)
        %dma_wait3A_78 = tpu.memref_slice %arg3[%add3A_60] : memref<323584xi32, #tpu.memory_space<hbm>> -> memref<128xi32, #tpu.memory_space<hbm>>
        %dma_wait3A_79 = tpu.memref_slice %arg3[%add3A_60] : memref<323584xi32, #tpu.memory_space<hbm>> -> memref<128xi32, #tpu.memory_space<hbm>>
        tpu.wait_dma2 semaphore(%run_scoped3A_75 : memref<!tpu.dma_semaphore, #tpu.memory_space<semaphore_mem>>) src(%dma_wait3A_79 : memref<128xi32, #tpu.memory_space<hbm>>) dst(%arg6 : memref<128xi32, #tpu.memory_space<vmem>>)
        tpu.yield
      }) : () -> ()
      "tpu.region"() ({
        %run_scoped3A_75 = tpu.sem_alloc : memref<!tpu.dma_semaphore, #tpu.memory_space<semaphore_mem>>
        %dma_start3A_76 = tpu.memref_slice %arg4[%add3A_60] : memref<323584xi32, #tpu.memory_space<hbm>> -> memref<128xi32, #tpu.memory_space<hbm>>
        %dma_start3A_77 = tpu.memref_slice %arg4[%add3A_60] : memref<323584xi32, #tpu.memory_space<hbm>> -> memref<128xi32, #tpu.memory_space<hbm>>
        tpu.enqueue_dma source(%dma_start3A_77 : memref<128xi32, #tpu.memory_space<hbm>>) target(%arg7 : memref<128xi32, #tpu.memory_space<vmem>>) target_semaphore(%run_scoped3A_75 : memref<!tpu.dma_semaphore, #tpu.memory_space<semaphore_mem>>)
        %dma_wait3A_78 = tpu.memref_slice %arg4[%add3A_60] : memref<323584xi32, #tpu.memory_space<hbm>> -> memref<128xi32, #tpu.memory_space<hbm>>
        %dma_wait3A_79 = tpu.memref_slice %arg4[%add3A_60] : memref<323584xi32, #tpu.memory_space<hbm>> -> memref<128xi32, #tpu.memory_space<hbm>>
        tpu.wait_dma2 semaphore(%run_scoped3A_75 : memref<!tpu.dma_semaphore, #tpu.memory_space<semaphore_mem>>) src(%dma_wait3A_79 : memref<128xi32, #tpu.memory_space<hbm>>) dst(%arg7 : memref<128xi32, #tpu.memory_space<vmem>>)
        tpu.yield
      }) : () -> ()
      %dma_start3A = arith.constant 1 : i32
      %dma_start3A_61 = arith.constant 0 : i32
      %dma_start3A_62 = arith.constant 0 : i32
      %dma_start3A_63 = tpu.memref_slice %arg2[%dma_start3A, %dma_start3A_61, %dma_start3A_62] : memref<3x10240x128xf32, #tpu.memory_space<hbm>> -> memref<1x10240x128xf32, #tpu.memory_space<hbm>>
      %dma_start3A_64 = tpu.memref_squeeze %dma_start3A_63 : memref<1x10240x128xf32, #tpu.memory_space<hbm>> -> memref<10240x128xf32, #tpu.memory_space<hbm>>
      %dma_start3A_65 = arith.constant 0 : i32
      %dma_start3A_66 = arith.constant 0 : i32
      %dma_start3A_67 = tpu.memref_slice %dma_start3A_64[%dma_start3A_65, %dma_start3A_66] : memref<10240x128xf32, #tpu.memory_space<hbm>> -> memref<10240x128xf32, #tpu.memory_space<hbm>>
      tpu.enqueue_indirect_dma source(%dma_start3A_67 : memref<10240x128xf32, #tpu.memory_space<hbm>>) target(%arg8 : memref<128x128xf32, #tpu.memory_space<vmem>>) offsets(%arg6 : memref<128xi32, #tpu.memory_space<vmem>>) semaphore(%arg11 : memref<!tpu.dma_semaphore, #tpu.memory_space<semaphore_mem>>)
      %dma_wait3A = arith.constant 1 : i32
      %dma_wait3A_68 = arith.constant 0 : i32
      %dma_wait3A_69 = arith.constant 0 : i32
      %dma_wait3A_70 = tpu.memref_slice %arg2[%dma_wait3A, %dma_wait3A_68, %dma_wait3A_69] : memref<3x10240x128xf32, #tpu.memory_space<hbm>> -> memref<1x10240x128xf32, #tpu.memory_space<hbm>>
      %dma_wait3A_71 = tpu.memref_squeeze %dma_wait3A_70 : memref<1x10240x128xf32, #tpu.memory_space<hbm>> -> memref<10240x128xf32, #tpu.memory_space<hbm>>
      %dma_wait3A_72 = arith.constant 0 : i32
      %dma_wait3A_73 = arith.constant 0 : i32
      %dma_wait3A_74 = tpu.memref_slice %dma_wait3A_71[%dma_wait3A_72, %dma_wait3A_73] : memref<10240x128xf32, #tpu.memory_space<hbm>> -> memref<10240x128xf32, #tpu.memory_space<hbm>>
      tpu.wait_indirect_dma semaphore(%arg11 : memref<!tpu.dma_semaphore, #tpu.memory_space<semaphore_mem>>) src(%dma_wait3A_74 : memref<10240x128xf32, #tpu.memory_space<hbm>>) dst(%arg8 : memref<128x128xf32, #tpu.memory_space<vmem>>)
      "tpu.region"() ({
        %run_scoped3A_75 = tpu.sem_alloc : memref<!tpu.dma_semaphore, #tpu.memory_space<semaphore_mem>>
        %dma_start3A_76 = arith.constant 0 : i32
        %dma_start3A_77 = arith.constant 0 : i32
        %dma_start3A_78 = tpu.memref_slice %arg10[%dma_start3A_76, %dma_start3A_77] : memref<10240x128xf32, #tpu.memory_space<vmem_shared>> -> memref<10240x128xf32, #tpu.memory_space<vmem_shared>>
        tpu.enqueue_indirect_dma source(%arg8 : memref<128x128xf32, #tpu.memory_space<vmem>>) target(%dma_start3A_78 : memref<10240x128xf32, #tpu.memory_space<vmem_shared>>) offsets(%arg7 : memref<128xi32, #tpu.memory_space<vmem>>) semaphore(%run_scoped3A_75 : memref<!tpu.dma_semaphore, #tpu.memory_space<semaphore_mem>>) {add = true}
        %dma_wait3A_79 = arith.constant 0 : i32
        %dma_wait3A_80 = arith.constant 0 : i32
        %dma_wait3A_81 = tpu.memref_slice %arg10[%dma_wait3A_79, %dma_wait3A_80] : memref<10240x128xf32, #tpu.memory_space<vmem_shared>> -> memref<10240x128xf32, #tpu.memory_space<vmem_shared>>
        tpu.wait_indirect_dma semaphore(%run_scoped3A_75 : memref<!tpu.dma_semaphore, #tpu.memory_space<semaphore_mem>>) src(%arg8 : memref<128x128xf32, #tpu.memory_space<vmem>>) dst(%dma_wait3A_81 : memref<10240x128xf32, #tpu.memory_space<vmem_shared>>)
        tpu.yield
      }) : () -> ()
    }
    %scan3A_37 = arith.constant 79 : i32
    %barrier3A_38 = arith.constant 0 : index
    tpu.barrier barrier_id(%barrier3A_38)
    %run_scoped3A_39 = arith.constant 1 : i32
    "tpu.region"() ({
      %run_scoped3A_57 = tpu.sem_alloc : memref<!tpu.dma_semaphore, #tpu.memory_space<semaphore_mem>>
      %dma_start3A = arith.constant 0 : i32
      %dma_start3A_58 = tpu.memref_slice %arg5[%run_scoped3A_39, %arg0, %mul3A_10, %dma_start3A] : memref<3x2x10240x128xf32, #tpu.memory_space<hbm>> -> memref<1x1x640x128xf32, #tpu.memory_space<hbm>>
      %dma_start3A_59 = tpu.memref_squeeze %dma_start3A_58 : memref<1x1x640x128xf32, #tpu.memory_space<hbm>> -> memref<640x128xf32, #tpu.memory_space<hbm>>
      %dma_start3A_60 = arith.constant 0 : i32
      %dma_start3A_61 = tpu.memref_slice %arg10[%mul3A_10, %dma_start3A_60] : memref<10240x128xf32, #tpu.memory_space<vmem_shared>> -> memref<640x128xf32, #tpu.memory_space<vmem_shared>>
      tpu.enqueue_dma source(%dma_start3A_61 : memref<640x128xf32, #tpu.memory_space<vmem_shared>>) target(%dma_start3A_59 : memref<640x128xf32, #tpu.memory_space<hbm>>) target_semaphore(%run_scoped3A_57 : memref<!tpu.dma_semaphore, #tpu.memory_space<semaphore_mem>>)
      %dma_wait3A = arith.constant 0 : i32
      %dma_wait3A_62 = tpu.memref_slice %arg5[%run_scoped3A_39, %arg0, %mul3A_10, %dma_wait3A] : memref<3x2x10240x128xf32, #tpu.memory_space<hbm>> -> memref<1x1x640x128xf32, #tpu.memory_space<hbm>>
      %dma_wait3A_63 = tpu.memref_squeeze %dma_wait3A_62 : memref<1x1x640x128xf32, #tpu.memory_space<hbm>> -> memref<640x128xf32, #tpu.memory_space<hbm>>
      %dma_wait3A_64 = arith.constant 0 : i32
      %dma_wait3A_65 = tpu.memref_slice %arg10[%mul3A_10, %dma_wait3A_64] : memref<10240x128xf32, #tpu.memory_space<vmem_shared>> -> memref<640x128xf32, #tpu.memory_space<vmem_shared>>
      tpu.wait_dma2 semaphore(%run_scoped3A_57 : memref<!tpu.dma_semaphore, #tpu.memory_space<semaphore_mem>>) src(%dma_wait3A_65 : memref<640x128xf32, #tpu.memory_space<vmem_shared>>) dst(%dma_wait3A_63 : memref<640x128xf32, #tpu.memory_space<hbm>>)
      tpu.yield
    }) : () -> ()
    %barrier3A_40 = arith.constant 0 : index
    tpu.barrier barrier_id(%barrier3A_40)
    %scan3A_41 = arith.constant 0 : i32
    %scan3A_42 = arith.constant 0 : i32
    %scan3A_43 = arith.constant 10 : i32
    %scan3A_44 = arith.addi %scan3A_42, %scan3A_43 : i32
    %scan3A_45 = arith.constant 1 : i32
    scf.for %scan3A_57 = %scan3A_42 to %scan3A_44 step %scan3A_45  : i32 {
      %mul3A_58 = arith.constant 64 : i32
      %mul3A_59 = arith.muli %scan3A_57, %mul3A_58 : i32
      %add3A_60 = arith.addi %mul3A_10, %mul3A_59 : i32
      "tpu.region"() ({
        %run_scoped3A_61 = tpu.sem_alloc : memref<!tpu.dma_semaphore, #tpu.memory_space<semaphore_mem>>
        %dma_start3A = arith.constant 0 : i32
        %dma_start3A_62 = tpu.memref_slice %arg10[%add3A_60, %dma_start3A] : memref<10240x128xf32, #tpu.memory_space<vmem_shared>> -> memref<64x128xf32, #tpu.memory_space<vmem_shared>>
        %dma_start3A_63 = arith.constant 0 : i32
        %dma_start3A_64 = tpu.memref_slice %arg10[%add3A_60, %dma_start3A_63] : memref<10240x128xf32, #tpu.memory_space<vmem_shared>> -> memref<64x128xf32, #tpu.memory_space<vmem_shared>>
        tpu.enqueue_dma source(%arg9 : memref<64x128xf32, #tpu.memory_space<vmem>>) target(%dma_start3A_64 : memref<64x128xf32, #tpu.memory_space<vmem_shared>>) target_semaphore(%run_scoped3A_61 : memref<!tpu.dma_semaphore, #tpu.memory_space<semaphore_mem>>)
        %dma_wait3A = arith.constant 0 : i32
        %dma_wait3A_65 = tpu.memref_slice %arg10[%add3A_60, %dma_wait3A] : memref<10240x128xf32, #tpu.memory_space<vmem_shared>> -> memref<64x128xf32, #tpu.memory_space<vmem_shared>>
        %dma_wait3A_66 = arith.constant 0 : i32
        %dma_wait3A_67 = tpu.memref_slice %arg10[%add3A_60, %dma_wait3A_66] : memref<10240x128xf32, #tpu.memory_space<vmem_shared>> -> memref<64x128xf32, #tpu.memory_space<vmem_shared>>
        tpu.wait_dma2 semaphore(%run_scoped3A_61 : memref<!tpu.dma_semaphore, #tpu.memory_space<semaphore_mem>>) src(%arg9 : memref<64x128xf32, #tpu.memory_space<vmem>>) dst(%dma_wait3A_67 : memref<64x128xf32, #tpu.memory_space<vmem_shared>>)
        tpu.yield
      }) : () -> ()
    }
    %scan3A_46 = arith.constant 10 : i32
    %barrier3A_47 = arith.constant 0 : index
    tpu.barrier barrier_id(%barrier3A_47)
    %scan3A_48 = arith.constant 0 : i32
    %scan3A_49 = arith.constant 0 : i32
    %scan3A_50 = arith.constant 79 : i32
    %scan3A_51 = arith.addi %scan3A_49, %scan3A_50 : i32
    %scan3A_52 = arith.constant 1 : i32
    scf.for %scan3A_57 = %scan3A_49 to %scan3A_51 step %scan3A_52  : i32 {
      %mul3A_58 = arith.constant 128 : i32
      %mul3A_59 = arith.muli %scan3A_57, %mul3A_58 : i32
      %add3A_60 = arith.addi %mul3A_2, %mul3A_59 : i32
      "tpu.region"() ({
        %run_scoped3A_75 = tpu.sem_alloc : memref<!tpu.dma_semaphore, #tpu.memory_space<semaphore_mem>>
        %dma_start3A_76 = tpu.memref_slice %arg3[%add3A_60] : memref<323584xi32, #tpu.memory_space<hbm>> -> memref<128xi32, #tpu.memory_space<hbm>>
        %dma_start3A_77 = tpu.memref_slice %arg3[%add3A_60] : memref<323584xi32, #tpu.memory_space<hbm>> -> memref<128xi32, #tpu.memory_space<hbm>>
        tpu.enqueue_dma source(%dma_start3A_77 : memref<128xi32, #tpu.memory_space<hbm>>) target(%arg6 : memref<128xi32, #tpu.memory_space<vmem>>) target_semaphore(%run_scoped3A_75 : memref<!tpu.dma_semaphore, #tpu.memory_space<semaphore_mem>>)
        %dma_wait3A_78 = tpu.memref_slice %arg3[%add3A_60] : memref<323584xi32, #tpu.memory_space<hbm>> -> memref<128xi32, #tpu.memory_space<hbm>>
        %dma_wait3A_79 = tpu.memref_slice %arg3[%add3A_60] : memref<323584xi32, #tpu.memory_space<hbm>> -> memref<128xi32, #tpu.memory_space<hbm>>
        tpu.wait_dma2 semaphore(%run_scoped3A_75 : memref<!tpu.dma_semaphore, #tpu.memory_space<semaphore_mem>>) src(%dma_wait3A_79 : memref<128xi32, #tpu.memory_space<hbm>>) dst(%arg6 : memref<128xi32, #tpu.memory_space<vmem>>)
        tpu.yield
      }) : () -> ()
      "tpu.region"() ({
        %run_scoped3A_75 = tpu.sem_alloc : memref<!tpu.dma_semaphore, #tpu.memory_space<semaphore_mem>>
        %dma_start3A_76 = tpu.memref_slice %arg4[%add3A_60] : memref<323584xi32, #tpu.memory_space<hbm>> -> memref<128xi32, #tpu.memory_space<hbm>>
        %dma_start3A_77 = tpu.memref_slice %arg4[%add3A_60] : memref<323584xi32, #tpu.memory_space<hbm>> -> memref<128xi32, #tpu.memory_space<hbm>>
        tpu.enqueue_dma source(%dma_start3A_77 : memref<128xi32, #tpu.memory_space<hbm>>) target(%arg7 : memref<128xi32, #tpu.memory_space<vmem>>) target_semaphore(%run_scoped3A_75 : memref<!tpu.dma_semaphore, #tpu.memory_space<semaphore_mem>>)
        %dma_wait3A_78 = tpu.memref_slice %arg4[%add3A_60] : memref<323584xi32, #tpu.memory_space<hbm>> -> memref<128xi32, #tpu.memory_space<hbm>>
        %dma_wait3A_79 = tpu.memref_slice %arg4[%add3A_60] : memref<323584xi32, #tpu.memory_space<hbm>> -> memref<128xi32, #tpu.memory_space<hbm>>
        tpu.wait_dma2 semaphore(%run_scoped3A_75 : memref<!tpu.dma_semaphore, #tpu.memory_space<semaphore_mem>>) src(%dma_wait3A_79 : memref<128xi32, #tpu.memory_space<hbm>>) dst(%arg7 : memref<128xi32, #tpu.memory_space<vmem>>)
        tpu.yield
      }) : () -> ()
      %dma_start3A = arith.constant 2 : i32
      %dma_start3A_61 = arith.constant 0 : i32
      %dma_start3A_62 = arith.constant 0 : i32
      %dma_start3A_63 = tpu.memref_slice %arg2[%dma_start3A, %dma_start3A_61, %dma_start3A_62] : memref<3x10240x128xf32, #tpu.memory_space<hbm>> -> memref<1x10240x128xf32, #tpu.memory_space<hbm>>
      %dma_start3A_64 = tpu.memref_squeeze %dma_start3A_63 : memref<1x10240x128xf32, #tpu.memory_space<hbm>> -> memref<10240x128xf32, #tpu.memory_space<hbm>>
      %dma_start3A_65 = arith.constant 0 : i32
      %dma_start3A_66 = arith.constant 0 : i32
      %dma_start3A_67 = tpu.memref_slice %dma_start3A_64[%dma_start3A_65, %dma_start3A_66] : memref<10240x128xf32, #tpu.memory_space<hbm>> -> memref<10240x128xf32, #tpu.memory_space<hbm>>
      tpu.enqueue_indirect_dma source(%dma_start3A_67 : memref<10240x128xf32, #tpu.memory_space<hbm>>) target(%arg8 : memref<128x128xf32, #tpu.memory_space<vmem>>) offsets(%arg6 : memref<128xi32, #tpu.memory_space<vmem>>) semaphore(%arg11 : memref<!tpu.dma_semaphore, #tpu.memory_space<semaphore_mem>>)
      %dma_wait3A = arith.constant 2 : i32
      %dma_wait3A_68 = arith.constant 0 : i32
      %dma_wait3A_69 = arith.constant 0 : i32
      %dma_wait3A_70 = tpu.memref_slice %arg2[%dma_wait3A, %dma_wait3A_68, %dma_wait3A_69] : memref<3x10240x128xf32, #tpu.memory_space<hbm>> -> memref<1x10240x128xf32, #tpu.memory_space<hbm>>
      %dma_wait3A_71 = tpu.memref_squeeze %dma_wait3A_70 : memref<1x10240x128xf32, #tpu.memory_space<hbm>> -> memref<10240x128xf32, #tpu.memory_space<hbm>>
      %dma_wait3A_72 = arith.constant 0 : i32
      %dma_wait3A_73 = arith.constant 0 : i32
      %dma_wait3A_74 = tpu.memref_slice %dma_wait3A_71[%dma_wait3A_72, %dma_wait3A_73] : memref<10240x128xf32, #tpu.memory_space<hbm>> -> memref<10240x128xf32, #tpu.memory_space<hbm>>
      tpu.wait_indirect_dma semaphore(%arg11 : memref<!tpu.dma_semaphore, #tpu.memory_space<semaphore_mem>>) src(%dma_wait3A_74 : memref<10240x128xf32, #tpu.memory_space<hbm>>) dst(%arg8 : memref<128x128xf32, #tpu.memory_space<vmem>>)
      "tpu.region"() ({
        %run_scoped3A_75 = tpu.sem_alloc : memref<!tpu.dma_semaphore, #tpu.memory_space<semaphore_mem>>
        %dma_start3A_76 = arith.constant 0 : i32
        %dma_start3A_77 = arith.constant 0 : i32
        %dma_start3A_78 = tpu.memref_slice %arg10[%dma_start3A_76, %dma_start3A_77] : memref<10240x128xf32, #tpu.memory_space<vmem_shared>> -> memref<10240x128xf32, #tpu.memory_space<vmem_shared>>
        tpu.enqueue_indirect_dma source(%arg8 : memref<128x128xf32, #tpu.memory_space<vmem>>) target(%dma_start3A_78 : memref<10240x128xf32, #tpu.memory_space<vmem_shared>>) offsets(%arg7 : memref<128xi32, #tpu.memory_space<vmem>>) semaphore(%run_scoped3A_75 : memref<!tpu.dma_semaphore, #tpu.memory_space<semaphore_mem>>) {add = true}
        %dma_wait3A_79 = arith.constant 0 : i32
        %dma_wait3A_80 = arith.constant 0 : i32
        %dma_wait3A_81 = tpu.memref_slice %arg10[%dma_wait3A_79, %dma_wait3A_80] : memref<10240x128xf32, #tpu.memory_space<vmem_shared>> -> memref<10240x128xf32, #tpu.memory_space<vmem_shared>>
        tpu.wait_indirect_dma semaphore(%run_scoped3A_75 : memref<!tpu.dma_semaphore, #tpu.memory_space<semaphore_mem>>) src(%arg8 : memref<128x128xf32, #tpu.memory_space<vmem>>) dst(%dma_wait3A_81 : memref<10240x128xf32, #tpu.memory_space<vmem_shared>>)
        tpu.yield
      }) : () -> ()
    }
    %scan3A_53 = arith.constant 79 : i32
    %barrier3A_54 = arith.constant 0 : index
    tpu.barrier barrier_id(%barrier3A_54)
    %run_scoped3A_55 = arith.constant 2 : i32
    "tpu.region"() ({
      %run_scoped3A_57 = tpu.sem_alloc : memref<!tpu.dma_semaphore, #tpu.memory_space<semaphore_mem>>
      %dma_start3A = arith.constant 0 : i32
      %dma_start3A_58 = tpu.memref_slice %arg5[%run_scoped3A_55, %arg0, %mul3A_10, %dma_start3A] : memref<3x2x10240x128xf32, #tpu.memory_space<hbm>> -> memref<1x1x640x128xf32, #tpu.memory_space<hbm>>
      %dma_start3A_59 = tpu.memref_squeeze %dma_start3A_58 : memref<1x1x640x128xf32, #tpu.memory_space<hbm>> -> memref<640x128xf32, #tpu.memory_space<hbm>>
      %dma_start3A_60 = arith.constant 0 : i32
      %dma_start3A_61 = tpu.memref_slice %arg10[%mul3A_10, %dma_start3A_60] : memref<10240x128xf32, #tpu.memory_space<vmem_shared>> -> memref<640x128xf32, #tpu.memory_space<vmem_shared>>
      tpu.enqueue_dma source(%dma_start3A_61 : memref<640x128xf32, #tpu.memory_space<vmem_shared>>) target(%dma_start3A_59 : memref<640x128xf32, #tpu.memory_space<hbm>>) target_semaphore(%run_scoped3A_57 : memref<!tpu.dma_semaphore, #tpu.memory_space<semaphore_mem>>)
      %dma_wait3A = arith.constant 0 : i32
      %dma_wait3A_62 = tpu.memref_slice %arg5[%run_scoped3A_55, %arg0, %mul3A_10, %dma_wait3A] : memref<3x2x10240x128xf32, #tpu.memory_space<hbm>> -> memref<1x1x640x128xf32, #tpu.memory_space<hbm>>
      %dma_wait3A_63 = tpu.memref_squeeze %dma_wait3A_62 : memref<1x1x640x128xf32, #tpu.memory_space<hbm>> -> memref<640x128xf32, #tpu.memory_space<hbm>>
      %dma_wait3A_64 = arith.constant 0 : i32
      %dma_wait3A_65 = tpu.memref_slice %arg10[%mul3A_10, %dma_wait3A_64] : memref<10240x128xf32, #tpu.memory_space<vmem_shared>> -> memref<640x128xf32, #tpu.memory_space<vmem_shared>>
      tpu.wait_dma2 semaphore(%run_scoped3A_57 : memref<!tpu.dma_semaphore, #tpu.memory_space<semaphore_mem>>) src(%dma_wait3A_65 : memref<640x128xf32, #tpu.memory_space<vmem_shared>>) dst(%dma_wait3A_63 : memref<640x128xf32, #tpu.memory_space<hbm>>)
      tpu.yield
    }) : () -> ()
    %barrier3A_56 = arith.constant 0 : index
    tpu.barrier barrier_id(%barrier3A_56)
    return
  }
}

module attributes {stable_mosaic.version = 14 : i64} {
  func.func @_prep_body(%arg0: memref<10240x128xf32, #tpu.memory_space<vmem>>, %arg1: memref<10240x1xf32, #tpu.memory_space<vmem>>, %arg2: memref<3x10240x128xf32, #tpu.memory_space<vmem>>, %arg3: memref<10240x1xf32, #tpu.memory_space<vmem>>) attributes {dimension_semantics = [], scalar_prefetch = 0 : i64, scratch_operands = 0 : i64, tpu.core_type = #tpu.core_type<tc>} {
    %get3A = arith.constant 0 : index
    %get3A_0 = arith.constant 0 : index
    %get3A_1 = vector.load %arg0[%get3A, %get3A_0] : memref<10240x128xf32, #tpu.memory_space<vmem>>, vector<10240x128xf32>
    %get3A_2 = arith.constant 0 : index
    %get3A_3 = arith.constant 0 : index
    %get3A_4 = vector.load %arg1[%get3A_2, %get3A_3] : memref<10240x1xf32, #tpu.memory_space<vmem>>, vector<10240x1xf32>
    %swap3A = arith.constant 0 : index
    %swap3A_5 = arith.constant 0 : index
    %swap3A_6 = arith.constant 0 : index
    %swap3A_7 = vector.load %arg2[%swap3A, %swap3A_5, %swap3A_6] : memref<3x10240x128xf32, #tpu.memory_space<vmem>>, vector<1x10240x128xf32>
    %swap3A_8 = vector.shape_cast %swap3A_7 : vector<1x10240x128xf32> to vector<10240x128xf32>
    %swap3A_9 = vector.shape_cast %get3A_1 : vector<10240x128xf32> to vector<1x10240x128xf32>
    tpu.vector_store %arg2[%swap3A, %swap3A_5, %swap3A_6], %swap3A_9 {strides = array<i32>} : memref<3x10240x128xf32, #tpu.memory_space<vmem>>, vector<1x10240x128xf32>,
    %rsqrt3A = math.rsqrt %get3A_4 : vector<10240x1xf32>
    %mul3A = vector.broadcast %rsqrt3A : vector<10240x1xf32> to vector<10240x128xf32>
    %mul3A_10 = arith.mulf %get3A_1, %mul3A : vector<10240x128xf32>
    %swap3A_11 = arith.constant 1 : index
    %swap3A_12 = arith.constant 0 : index
    %swap3A_13 = arith.constant 0 : index
    %swap3A_14 = vector.load %arg2[%swap3A_11, %swap3A_12, %swap3A_13] : memref<3x10240x128xf32, #tpu.memory_space<vmem>>, vector<1x10240x128xf32>
    %swap3A_15 = vector.shape_cast %swap3A_14 : vector<1x10240x128xf32> to vector<10240x128xf32>
    %swap3A_16 = vector.shape_cast %mul3A_10 : vector<10240x128xf32> to vector<1x10240x128xf32>
    tpu.vector_store %arg2[%swap3A_11, %swap3A_12, %swap3A_13], %swap3A_16 {strides = array<i32>} : memref<3x10240x128xf32, #tpu.memory_space<vmem>>, vector<1x10240x128xf32>,
    %sqrt3A = math.sqrt %get3A_4 : vector<10240x1xf32>
    %mul3A_17 = vector.broadcast %sqrt3A : vector<10240x1xf32> to vector<10240x128xf32>
    %mul3A_18 = arith.mulf %get3A_1, %mul3A_17 : vector<10240x128xf32>
    %swap3A_19 = arith.constant 2 : index
    %swap3A_20 = arith.constant 0 : index
    %swap3A_21 = arith.constant 0 : index
    %swap3A_22 = vector.load %arg2[%swap3A_19, %swap3A_20, %swap3A_21] : memref<3x10240x128xf32, #tpu.memory_space<vmem>>, vector<1x10240x128xf32>
    %swap3A_23 = vector.shape_cast %swap3A_22 : vector<1x10240x128xf32> to vector<10240x128xf32>
    %swap3A_24 = vector.shape_cast %mul3A_18 : vector<10240x128xf32> to vector<1x10240x128xf32>
    tpu.vector_store %arg2[%swap3A_19, %swap3A_20, %swap3A_21], %swap3A_24 {strides = array<i32>} : memref<3x10240x128xf32, #tpu.memory_space<vmem>>, vector<1x10240x128xf32>,
    %integer_pow3A = arith.constant 1.000000e+00 : f32
    %integer_pow3A_25 = vector.broadcast %integer_pow3A : f32 to vector<10240x1xf32>
    %integer_pow3A_26 = arith.divf %integer_pow3A_25, %get3A_4 : vector<10240x1xf32>
    %swap3A_27 = arith.constant 0 : index
    %swap3A_28 = arith.constant 0 : index
    %swap3A_29 = vector.load %arg3[%swap3A_27, %swap3A_28] : memref<10240x1xf32, #tpu.memory_space<vmem>>, vector<10240x1xf32>
    tpu.vector_store %arg3[%swap3A_27, %swap3A_28], %integer_pow3A_26 {strides = array<i32>} : memref<10240x1xf32, #tpu.memory_space<vmem>>, vector<10240x1xf32>,
    return
  }
}

module attributes {stable_mosaic.version = 14 : i64} {
  func.func @_combine_body(%arg0: i32, %arg1: memref<3x2x1024x128xf32, #tpu.memory_space<vmem>>, %arg2: memref<1024x1xf32, #tpu.memory_space<vmem>>, %arg3: memref<3x1024x128xf32, #tpu.memory_space<vmem>>, %arg4: memref<3x1024x128xf32, #tpu.memory_space<vmem>>) attributes {dimension_semantics = [#tpu.dimension_semantics<arbitrary>], iteration_bounds = array<i64: 10>, scalar_prefetch = 0 : i64, scratch_operands = 0 : i64, tpu.core_type = #tpu.core_type<tc>, window_params = [{transform_indices = @transform_0, window_bounds = array<i64: 3, 2, 1024, 128>}, {transform_indices = @transform_1, window_bounds = array<i64: 1024, 1>}, {transform_indices = @transform_2, window_bounds = array<i64: 3, 1024, 128>}, {transform_indices = @transform_3, window_bounds = array<i64: 3, 1024, 128>}]} {
    %get3A = arith.constant 0 : index
    %get3A_0 = arith.constant 0 : index
    %get3A_1 = vector.load %arg2[%get3A, %get3A_0] : memref<1024x1xf32, #tpu.memory_space<vmem>>, vector<1024x1xf32>
    %get3A_2 = arith.constant 0 : index
    %get3A_3 = arith.constant 0 : index
    %get3A_4 = arith.constant 0 : index
    %get3A_5 = arith.constant 0 : index
    %get3A_6 = vector.load %arg1[%get3A_2, %get3A_3, %get3A_4, %get3A_5] : memref<3x2x1024x128xf32, #tpu.memory_space<vmem>>, vector<1x1x1024x128xf32>
    %get3A_7 = vector.shape_cast %get3A_6 : vector<1x1x1024x128xf32> to vector<1024x128xf32>
    %get3A_8 = arith.constant 0 : index
    %get3A_9 = arith.constant 1 : index
    %get3A_10 = arith.constant 0 : index
    %get3A_11 = arith.constant 0 : index
    %get3A_12 = vector.load %arg1[%get3A_8, %get3A_9, %get3A_10, %get3A_11] : memref<3x2x1024x128xf32, #tpu.memory_space<vmem>>, vector<1x1x1024x128xf32>
    %get3A_13 = vector.shape_cast %get3A_12 : vector<1x1x1024x128xf32> to vector<1024x128xf32>
    %add3A = arith.addf %get3A_7, %get3A_13 : vector<1024x128xf32>
    %mul3A = vector.broadcast %get3A_1 : vector<1024x1xf32> to vector<1024x128xf32>
    %mul3A_14 = arith.mulf %add3A, %mul3A : vector<1024x128xf32>
    %swap3A = arith.constant 0 : index
    %swap3A_15 = arith.constant 0 : index
    %swap3A_16 = arith.constant 0 : index
    %swap3A_17 = vector.load %arg4[%swap3A, %swap3A_15, %swap3A_16] : memref<3x1024x128xf32, #tpu.memory_space<vmem>>, vector<1x1024x128xf32>
    %swap3A_18 = vector.shape_cast %swap3A_17 : vector<1x1024x128xf32> to vector<1024x128xf32>
    %swap3A_19 = vector.shape_cast %mul3A_14 : vector<1024x128xf32> to vector<1x1024x128xf32>
    tpu.vector_store %arg4[%swap3A, %swap3A_15, %swap3A_16], %swap3A_19 {strides = array<i32>} : memref<3x1024x128xf32, #tpu.memory_space<vmem>>, vector<1x1024x128xf32>,
    %get3A_20 = arith.constant 1 : index
    %get3A_21 = arith.constant 0 : index
    %get3A_22 = arith.constant 0 : index
    %get3A_23 = arith.constant 0 : index
    %get3A_24 = vector.load %arg1[%get3A_20, %get3A_21, %get3A_22, %get3A_23] : memref<3x2x1024x128xf32, #tpu.memory_space<vmem>>, vector<1x1x1024x128xf32>
    %get3A_25 = vector.shape_cast %get3A_24 : vector<1x1x1024x128xf32> to vector<1024x128xf32>
    %get3A_26 = arith.constant 1 : index
    %get3A_27 = arith.constant 1 : index
    %get3A_28 = arith.constant 0 : index
    %get3A_29 = arith.constant 0 : index
    %get3A_30 = vector.load %arg1[%get3A_26, %get3A_27, %get3A_28, %get3A_29] : memref<3x2x1024x128xf32, #tpu.memory_space<vmem>>, vector<1x1x1024x128xf32>
    %get3A_31 = vector.shape_cast %get3A_30 : vector<1x1x1024x128xf32> to vector<1024x128xf32>
    %add3A_32 = arith.addf %get3A_25, %get3A_31 : vector<1024x128xf32>
    %mul3A_33 = vector.broadcast %get3A_1 : vector<1024x1xf32> to vector<1024x128xf32>
    %mul3A_34 = arith.mulf %add3A_32, %mul3A_33 : vector<1024x128xf32>
    %swap3A_35 = arith.constant 1 : index
    %swap3A_36 = arith.constant 0 : index
    %swap3A_37 = arith.constant 0 : index
    %swap3A_38 = vector.load %arg4[%swap3A_35, %swap3A_36, %swap3A_37] : memref<3x1024x128xf32, #tpu.memory_space<vmem>>, vector<1x1024x128xf32>
    %swap3A_39 = vector.shape_cast %swap3A_38 : vector<1x1024x128xf32> to vector<1024x128xf32>
    %swap3A_40 = vector.shape_cast %mul3A_34 : vector<1024x128xf32> to vector<1x1024x128xf32>
    tpu.vector_store %arg4[%swap3A_35, %swap3A_36, %swap3A_37], %swap3A_40 {strides = array<i32>} : memref<3x1024x128xf32, #tpu.memory_space<vmem>>, vector<1x1024x128xf32>,
    %get3A_41 = arith.constant 2 : index
    %get3A_42 = arith.constant 0 : index
    %get3A_43 = arith.constant 0 : index
    %get3A_44 = arith.constant 0 : index
    %get3A_45 = vector.load %arg1[%get3A_41, %get3A_42, %get3A_43, %get3A_44] : memref<3x2x1024x128xf32, #tpu.memory_space<vmem>>, vector<1x1x1024x128xf32>
    %get3A_46 = vector.shape_cast %get3A_45 : vector<1x1x1024x128xf32> to vector<1024x128xf32>
    %get3A_47 = arith.constant 2 : index
    %get3A_48 = arith.constant 1 : index
    %get3A_49 = arith.constant 0 : index
    %get3A_50 = arith.constant 0 : index
    %get3A_51 = vector.load %arg1[%get3A_47, %get3A_48, %get3A_49, %get3A_50] : memref<3x2x1024x128xf32, #tpu.memory_space<vmem>>, vector<1x1x1024x128xf32>
    %get3A_52 = vector.shape_cast %get3A_51 : vector<1x1x1024x128xf32> to vector<1024x128xf32>
    %add3A_53 = arith.addf %get3A_46, %get3A_52 : vector<1024x128xf32>
    %mul3A_54 = vector.broadcast %get3A_1 : vector<1024x1xf32> to vector<1024x128xf32>
    %mul3A_55 = arith.mulf %add3A_53, %mul3A_54 : vector<1024x128xf32>
    %swap3A_56 = arith.constant 2 : index
    %swap3A_57 = arith.constant 0 : index
    %swap3A_58 = arith.constant 0 : index
    %swap3A_59 = vector.load %arg4[%swap3A_56, %swap3A_57, %swap3A_58] : memref<3x1024x128xf32, #tpu.memory_space<vmem>>, vector<1x1024x128xf32>
    %swap3A_60 = vector.shape_cast %swap3A_59 : vector<1x1024x128xf32> to vector<1024x128xf32>
    %swap3A_61 = vector.shape_cast %mul3A_55 : vector<1024x128xf32> to vector<1x1024x128xf32>
    tpu.vector_store %arg4[%swap3A_56, %swap3A_57, %swap3A_58], %swap3A_61 {strides = array<i32>} : memref<3x1024x128xf32, #tpu.memory_space<vmem>>, vector<1x1024x128xf32>,
    return
  }
  func.func @transform_0(%arg0: i32) -> (i32, i32, i32, i32) {
    %c0_i32 = arith.constant 0 : i32
    %c0_i32_0 = arith.constant 0 : i32
    %c0_i32_1 = arith.constant 0 : i32
    %c0_i32_2 = arith.constant 0 : i32
    return %c0_i32, %c0_i32_0, %arg0, %c0_i32_1 : i32, i32, i32, i32
  }
  func.func @transform_1(%arg0: i32) -> (i32, i32) {
    %c0_i32 = arith.constant 0 : i32
    %c0_i32_0 = arith.constant 0 : i32
    return %arg0, %c0_i32 : i32, i32
  }
  func.func @transform_2(%arg0: i32) -> (i32, i32, i32) {
    %c0_i32 = arith.constant 0 : i32
    %c0_i32_0 = arith.constant 0 : i32
    %c0_i32_1 = arith.constant 0 : i32
    return %c0_i32, %arg0, %c0_i32_0 : i32, i32, i32
  }
  func.func @transform_3(%arg0: i32) -> (i32, i32, i32) {
    %c0_i32 = arith.constant 0 : i32
    %c0_i32_0 = arith.constant 0 : i32
    %c0_i32_1 = arith.constant 0 : i32
    return %c0_i32, %arg0, %c0_i32_0 : i32, i32, i32
  }
}

module attributes {stable_mosaic.version = 14 : i64} {
  func.func @_combine_body(%arg0: i32, %arg1: memref<3x2x1024x128xf32, #tpu.memory_space<vmem>>, %arg2: memref<1024x1xf32, #tpu.memory_space<vmem>>, %arg3: memref<3x1024x128xf32, #tpu.memory_space<vmem>>, %arg4: memref<3x1024x128xf32, #tpu.memory_space<vmem>>) attributes {dimension_semantics = [#tpu.dimension_semantics<arbitrary>], iteration_bounds = array<i64: 10>, scalar_prefetch = 0 : i64, scratch_operands = 0 : i64, tpu.core_type = #tpu.core_type<tc>, window_params = [{transform_indices = @transform_0, window_bounds = array<i64: 3, 2, 1024, 128>}, {transform_indices = @transform_1, window_bounds = array<i64: 1024, 1>}, {transform_indices = @transform_2, window_bounds = array<i64: 3, 1024, 128>}, {transform_indices = @transform_3, window_bounds = array<i64: 3, 1024, 128>}]} {
    %get3A = arith.constant 0 : index
    %get3A_0 = arith.constant 0 : index
    %get3A_1 = vector.load %arg2[%get3A, %get3A_0] : memref<1024x1xf32, #tpu.memory_space<vmem>>, vector<1024x1xf32>
    %get3A_2 = arith.constant 0 : index
    %get3A_3 = arith.constant 0 : index
    %get3A_4 = arith.constant 0 : index
    %get3A_5 = arith.constant 0 : index
    %get3A_6 = vector.load %arg1[%get3A_2, %get3A_3, %get3A_4, %get3A_5] : memref<3x2x1024x128xf32, #tpu.memory_space<vmem>>, vector<1x1x1024x128xf32>
    %get3A_7 = vector.shape_cast %get3A_6 : vector<1x1x1024x128xf32> to vector<1024x128xf32>
    %get3A_8 = arith.constant 0 : index
    %get3A_9 = arith.constant 1 : index
    %get3A_10 = arith.constant 0 : index
    %get3A_11 = arith.constant 0 : index
    %get3A_12 = vector.load %arg1[%get3A_8, %get3A_9, %get3A_10, %get3A_11] : memref<3x2x1024x128xf32, #tpu.memory_space<vmem>>, vector<1x1x1024x128xf32>
    %get3A_13 = vector.shape_cast %get3A_12 : vector<1x1x1024x128xf32> to vector<1024x128xf32>
    %add3A = arith.addf %get3A_7, %get3A_13 : vector<1024x128xf32>
    %mul3A = vector.broadcast %get3A_1 : vector<1024x1xf32> to vector<1024x128xf32>
    %mul3A_14 = arith.mulf %add3A, %mul3A : vector<1024x128xf32>
    %get3A_15 = arith.constant 0 : index
    %get3A_16 = arith.constant 0 : index
    %get3A_17 = arith.constant 0 : index
    %get3A_18 = vector.load %arg3[%get3A_15, %get3A_16, %get3A_17] : memref<3x1024x128xf32, #tpu.memory_space<vmem>>, vector<1x1024x128xf32>
    %get3A_19 = vector.shape_cast %get3A_18 : vector<1x1024x128xf32> to vector<1024x128xf32>
    %sub3A = arith.subf %mul3A_14, %get3A_19 : vector<1024x128xf32>
    %swap3A = arith.constant 0 : index
    %swap3A_20 = arith.constant 0 : index
    %swap3A_21 = arith.constant 0 : index
    %swap3A_22 = vector.load %arg4[%swap3A, %swap3A_20, %swap3A_21] : memref<3x1024x128xf32, #tpu.memory_space<vmem>>, vector<1x1024x128xf32>
    %swap3A_23 = vector.shape_cast %swap3A_22 : vector<1x1024x128xf32> to vector<1024x128xf32>
    %swap3A_24 = vector.shape_cast %sub3A : vector<1024x128xf32> to vector<1x1024x128xf32>
    tpu.vector_store %arg4[%swap3A, %swap3A_20, %swap3A_21], %swap3A_24 {strides = array<i32>} : memref<3x1024x128xf32, #tpu.memory_space<vmem>>, vector<1x1024x128xf32>,
    %get3A_25 = arith.constant 1 : index
    %get3A_26 = arith.constant 0 : index
    %get3A_27 = arith.constant 0 : index
    %get3A_28 = arith.constant 0 : index
    %get3A_29 = vector.load %arg1[%get3A_25, %get3A_26, %get3A_27, %get3A_28] : memref<3x2x1024x128xf32, #tpu.memory_space<vmem>>, vector<1x1x1024x128xf32>
    %get3A_30 = vector.shape_cast %get3A_29 : vector<1x1x1024x128xf32> to vector<1024x128xf32>
    %get3A_31 = arith.constant 1 : index
    %get3A_32 = arith.constant 1 : index
    %get3A_33 = arith.constant 0 : index
    %get3A_34 = arith.constant 0 : index
    %get3A_35 = vector.load %arg1[%get3A_31, %get3A_32, %get3A_33, %get3A_34] : memref<3x2x1024x128xf32, #tpu.memory_space<vmem>>, vector<1x1x1024x128xf32>
    %get3A_36 = vector.shape_cast %get3A_35 : vector<1x1x1024x128xf32> to vector<1024x128xf32>
    %add3A_37 = arith.addf %get3A_30, %get3A_36 : vector<1024x128xf32>
    %mul3A_38 = vector.broadcast %get3A_1 : vector<1024x1xf32> to vector<1024x128xf32>
    %mul3A_39 = arith.mulf %add3A_37, %mul3A_38 : vector<1024x128xf32>
    %get3A_40 = arith.constant 1 : index
    %get3A_41 = arith.constant 0 : index
    %get3A_42 = arith.constant 0 : index
    %get3A_43 = vector.load %arg3[%get3A_40, %get3A_41, %get3A_42] : memref<3x1024x128xf32, #tpu.memory_space<vmem>>, vector<1x1024x128xf32>
    %get3A_44 = vector.shape_cast %get3A_43 : vector<1x1024x128xf32> to vector<1024x128xf32>
    %sub3A_45 = arith.subf %mul3A_39, %get3A_44 : vector<1024x128xf32>
    %swap3A_46 = arith.constant 1 : index
    %swap3A_47 = arith.constant 0 : index
    %swap3A_48 = arith.constant 0 : index
    %swap3A_49 = vector.load %arg4[%swap3A_46, %swap3A_47, %swap3A_48] : memref<3x1024x128xf32, #tpu.memory_space<vmem>>, vector<1x1024x128xf32>
    %swap3A_50 = vector.shape_cast %swap3A_49 : vector<1x1024x128xf32> to vector<1024x128xf32>
    %swap3A_51 = vector.shape_cast %sub3A_45 : vector<1024x128xf32> to vector<1x1024x128xf32>
    tpu.vector_store %arg4[%swap3A_46, %swap3A_47, %swap3A_48], %swap3A_51 {strides = array<i32>} : memref<3x1024x128xf32, #tpu.memory_space<vmem>>, vector<1x1024x128xf32>,
    %get3A_52 = arith.constant 2 : index
    %get3A_53 = arith.constant 0 : index
    %get3A_54 = arith.constant 0 : index
    %get3A_55 = arith.constant 0 : index
    %get3A_56 = vector.load %arg1[%get3A_52, %get3A_53, %get3A_54, %get3A_55] : memref<3x2x1024x128xf32, #tpu.memory_space<vmem>>, vector<1x1x1024x128xf32>
    %get3A_57 = vector.shape_cast %get3A_56 : vector<1x1x1024x128xf32> to vector<1024x128xf32>
    %get3A_58 = arith.constant 2 : index
    %get3A_59 = arith.constant 1 : index
    %get3A_60 = arith.constant 0 : index
    %get3A_61 = arith.constant 0 : index
    %get3A_62 = vector.load %arg1[%get3A_58, %get3A_59, %get3A_60, %get3A_61] : memref<3x2x1024x128xf32, #tpu.memory_space<vmem>>, vector<1x1x1024x128xf32>
    %get3A_63 = vector.shape_cast %get3A_62 : vector<1x1x1024x128xf32> to vector<1024x128xf32>
    %add3A_64 = arith.addf %get3A_57, %get3A_63 : vector<1024x128xf32>
    %mul3A_65 = vector.broadcast %get3A_1 : vector<1024x1xf32> to vector<1024x128xf32>
    %mul3A_66 = arith.mulf %add3A_64, %mul3A_65 : vector<1024x128xf32>
    %get3A_67 = arith.constant 2 : index
    %get3A_68 = arith.constant 0 : index
    %get3A_69 = arith.constant 0 : index
    %get3A_70 = vector.load %arg3[%get3A_67, %get3A_68, %get3A_69] : memref<3x1024x128xf32, #tpu.memory_space<vmem>>, vector<1x1024x128xf32>
    %get3A_71 = vector.shape_cast %get3A_70 : vector<1x1024x128xf32> to vector<1024x128xf32>
    %sub3A_72 = arith.subf %mul3A_66, %get3A_71 : vector<1024x128xf32>
    %swap3A_73 = arith.constant 2 : index
    %swap3A_74 = arith.constant 0 : index
    %swap3A_75 = arith.constant 0 : index
    %swap3A_76 = vector.load %arg4[%swap3A_73, %swap3A_74, %swap3A_75] : memref<3x1024x128xf32, #tpu.memory_space<vmem>>, vector<1x1024x128xf32>
    %swap3A_77 = vector.shape_cast %swap3A_76 : vector<1x1024x128xf32> to vector<1024x128xf32>
    %swap3A_78 = vector.shape_cast %sub3A_72 : vector<1024x128xf32> to vector<1x1024x128xf32>
    tpu.vector_store %arg4[%swap3A_73, %swap3A_74, %swap3A_75], %swap3A_78 {strides = array<i32>} : memref<3x1024x128xf32, #tpu.memory_space<vmem>>, vector<1x1024x128xf32>,
    return
  }
  func.func @transform_0(%arg0: i32) -> (i32, i32, i32, i32) {
    %c0_i32 = arith.constant 0 : i32
    %c0_i32_0 = arith.constant 0 : i32
    %c0_i32_1 = arith.constant 0 : i32
    %c0_i32_2 = arith.constant 0 : i32
    return %c0_i32, %c0_i32_0, %arg0, %c0_i32_1 : i32, i32, i32, i32
  }
  func.func @transform_1(%arg0: i32) -> (i32, i32) {
    %c0_i32 = arith.constant 0 : i32
    %c0_i32_0 = arith.constant 0 : i32
    return %arg0, %c0_i32 : i32, i32
  }
  func.func @transform_2(%arg0: i32) -> (i32, i32, i32) {
    %c0_i32 = arith.constant 0 : i32
    %c0_i32_0 = arith.constant 0 : i32
    %c0_i32_1 = arith.constant 0 : i32
    return %c0_i32, %arg0, %c0_i32_0 : i32, i32, i32
  }
  func.func @transform_3(%arg0: i32) -> (i32, i32, i32) {
    %c0_i32 = arith.constant 0 : i32
    %c0_i32_0 = arith.constant 0 : i32
    %c0_i32_1 = arith.constant 0 : i32
    return %c0_i32, %arg0, %c0_i32_0 : i32, i32, i32
  }
}

</mosaic_0001>

<sc_bundles>
// kernel: kernel.11.cloned.1.call-start
scs
__scs_entry_jumppad:
0x0: {  	(pc) =	sbr.rel $0x88, $3  }
0x1: {  	(tag) =	ssettag $0x0;
	lr =	simm.s32 $0x1  }
0x2: {  	[smem:$0x3F9D] =	sst lr;
	_ =	strace $0xD0000000  }
0x3: {  	_ = 	snop  }
0x4: {  	_ = 	snop  }
0x5: {  	_ = 	snop  }
0x6: {  	_ = 	snop  }
0x7: {  	_ = 	snop  }
__scs_overlays_trampoline_lowered:
0x8: {  	[smem:$0x3FAC] =	sst s0  }
0x9: {  	[smem:$0x3FAD] =	sst s1  }
0xa: {  	[smem:$0x3FAE] =	sst s2  }
0xb: {  	[smem:$0x3FAF] =	sst s3  }
0xc: {  	[smem:$0x3FB0] =	sst s4  }
0xd: {  	[smem:$0x3FB1] =	sst s5  }
0xe: {  	[smem:$0x3FB2] =	sst s6  }
0xf: {  	[smem:$0x3FB3] =	sst s7  }
0x10: {  	[smem:$0x3FB4] =	sst s8  }
0x11: {  	[smem:$0x3FB5] =	sst s9;
	s0 =	simm.s32 @!p0 $0x0  }
0x12: {  	s1 =	sld [smem:$0x3F9B];
	s0 =	simm.s32 @p0 $0x1  }
0x13: {  	[smem:$0x3FB6] =	sst s0;
	s0 =	simm.s32 @!p1 $0x0  }
0x14: {  	s2 =	sld [smem:$0x3F9A];
	s0 =	simm.s32 @p1 $0x1  }
0x15: {  	[smem:$0x3FB7] =	sst s0;
	s0 =	simm.s32 @!p2 $0x0  }
0x16: {  	s3 =	sld [smem:$0x3FDB];
	s0 =	simm.s32 @p2 $0x1  }
0x17: {  	s4 =	simm.s32 $0x1BF5;
	[smem:$0x3FB9] =	sst s0  }
0x18: {  	s0 =	sld [smem:$0x3F9C];
	_ =	swait.ge [sflag:s4], $0x0  }
0x19: {  	s7 =	sld [smem:$0x3F9D]  }
0x1a: {  	s8 =	sadd.s32 $0xFFFFE003, lr  }
0x1b: {  	s9 =	sadd.s32 $0xFFFFFEF7, lr;
	s5 =	simm.s32 $0xFFFFFFFF;
	p2 =	slt.u32 s8, $0xFFFFF086  }
0x1c: {  	p1 =	slt.u32 s9, $0xF7A;
	s5 =	simm.s32 @!p2 $0x0  }
0x1d: {  	s5 =	simm.s32 @p1 $0x1;
	p0 =	seq.s32 s7, s2  }
0x1e: {  	s7 =	smul.u32 @!p0 $0xF7A, s2;
	p2 =	seq.s32 @!p0 s5, $0x0  }
0x1f: {  	s9 =	smul.u32 $0xF7A, s1;
	s8 =	simm.s32 @!p0 $0x1BF5;
	p2 =	por !p2, p0  }
0x20: {  	[sflag:s8] =	ssyncset.s32 @!p0 $0xFFFFF086;
	s6 =	sadd.s32 @!p0 s3, s7;
	s7 =	simm.s32 @!p0 $0x108  }
0x21: {  	s3 =	sadd.s32 s3, s9;
	s6 =	sadd.s32 @!p0 $0x88, s6;
	s7 =	simm.s32 @p2 $0x1082  }
0x22: {  	[simem:s7], [sflag:s8] =	dma.local @!p0 [hbm:s6], $0xF7A  }
0x23: {  	s9 =	sor.u32 $0xD0000000, s2;
	s6 =	simm.s32 $0x108;
	_ =	swait.ge @!p0 [sflag:s8], $0x0  }
0x24: {  	s3 =	sadd.s32 $0x88, s3;
	s6 =	simm.s32 @!p1 $0x1082;
	[sflag:s4] =	ssyncset.s32 $0xFFFFF086  }
0x25: {  	[simem:s6], [sflag:s4] =	dma.local [hbm:s3], $0xF7A  }
0x26: {  	[smem:$0x3F9D] =	sst s1;
	(tag) =	ssettag s2;
	_ =	strace s9  }
0x27: {  	s1 =	sld [smem:$0x3FAD]  }
0x28: {  	s2 =	sld [smem:$0x3FAE]  }
0x29: {  	s4 =	sld [smem:$0x3FB0]  }
0x2a: {  	p0 =	seq.s32 s5, $0x0;
	s5 =	sld [smem:$0x3FB1]  }
0x2b: {  	s6 =	sld [smem:$0x3FB2]  }
0x2c: {  	s7 =	sld [smem:$0x3FB3]  }
0x2d: {  	s3 =	simm.s32 $0x108;
	s8 =	sld [smem:$0x3FB4]  }
0x2e: {  	s3 =	simm.s32 @!p0 $0x1082;
	s9 =	sld [smem:$0x3FB5]  }
0x2f: {  	lr =	sadd.s32 s0, s3;
	s0 =	sld [smem:$0x3FAC]  }
0x30: {  	s3 =	sld [smem:$0x3FAF]  }
0x31: {  	[smem:$0x3FB8] =	sst s10  }
0x32: {  	s10 =	sld [smem:$0x3FB6];
	_ =	sdelay $0x3  }
0x33: {  	p0 =	seq.s32 s10, $0x1;
	s10 =	sld [smem:$0x3FB8];
	_ =	sdelay $0x3  }
0x34: {  	[smem:$0x3FB8] =	sst s10  }
0x35: {  	s10 =	sld [smem:$0x3FB7];
	_ =	sdelay $0x3  }
0x36: {  	p1 =	seq.s32 s10, $0x1;
	s10 =	sld [smem:$0x3FB8];
	_ =	sdelay $0x3  }
0x37: {  	[smem:$0x3FB8] =	sst s10  }
0x38: {  	s10 =	sld [smem:$0x3FB9]  }
0x39: {  	_ = 	snop;
	(pc) =	sbr.ind lr, $3  }
0x3a: {  	_ = 	snop  }
0x3b: {  	_ = 	snop  }
0x3c: {  	p2 =	seq.s32 s10, $0x1;
	s10 =	sld [smem:$0x3FB8]  }
0x3d: {  	_ =	shalt  }
0x3e: {  	_ =	shalt  }
0x3f: {  	_ =	shalt  }
0x40: {  	_ =	shalt  }
0x41: {  	_ =	shalt  }
0x42: {  	_ =	shalt  }
0x43: {  	_ =	shalt  }
0x44: {  	_ =	shalt  }
0x45: {  	_ =	shalt  }
0x46: {  	_ =	shalt  }
0x47: {  	_ =	shalt  }
0x48: {  	_ =	shalt  }
0x49: {  	_ =	shalt  }
0x4a: {  	_ =	shalt  }
0x4b: {  	_ =	shalt  }
0x4c: {  	_ =	shalt  }
0x4d: {  	_ =	shalt  }
0x4e: {  	_ =	shalt  }
0x4f: {  	_ =	shalt  }
0x50: {  	_ =	shalt  }
0x51: {  	_ =	shalt  }
0x52: {  	_ =	shalt  }
0x53: {  	_ =	shalt  }
0x54: {  	_ =	shalt  }
0x55: {  	_ =	shalt  }
0x56: {  	_ =	shalt  }
0x57: {  	_ =	shalt  }
0x58: {  	_ =	shalt  }
0x59: {  	_ =	shalt  }
0x5a: {  	_ =	shalt  }
0x5b: {  	_ =	shalt  }
0x5c: {  	_ =	shalt  }
0x5d: {  	_ =	shalt  }
0x5e: {  	_ =	shalt  }
0x5f: {  	_ =	shalt  }
0x60: {  	_ =	shalt  }
0x61: {  	_ =	shalt  }
0x62: {  	_ =	shalt  }
0x63: {  	_ =	shalt  }
0x64: {  	_ =	shalt  }
0x65: {  	_ =	shalt  }
0x66: {  	_ =	shalt  }
0x67: {  	_ =	shalt  }
0x68: {  	_ =	shalt  }
0x69: {  	_ =	shalt  }
0x6a: {  	_ =	shalt  }
0x6b: {  	_ =	shalt  }
0x6c: {  	_ =	shalt  }
0x6d: {  	_ =	shalt  }
0x6e: {  	_ =	shalt  }
0x6f: {  	_ =	shalt  }
0x70: {  	_ =	shalt  }
0x71: {  	_ =	shalt  }
0x72: {  	_ =	shalt  }
0x73: {  	_ =	shalt  }
0x74: {  	_ =	shalt  }
0x75: {  	_ =	shalt  }
0x76: {  	_ =	shalt  }
0x77: {  	_ =	shalt  }
0x78: {  	_ =	shalt  }
0x79: {  	_ =	shalt  }
0x7a: {  	_ =	shalt  }
0x7b: {  	_ =	shalt  }
0x7c: {  	_ =	shalt  }
0x7d: {  	_ =	shalt  }
0x7e: {  	_ =	shalt  }
0x7f: {  	_ =	shalt  }
0x80: {  	_ =	shalt  }
0x81: {  	_ =	shalt  }
0x82: {  	_ =	shalt  }
0x83: {  	_ =	shalt  }
0x84: {  	_ =	shalt  }
0x85: {  	_ =	shalt  }
0x86: {  	_ =	shalt  }
0x87: {  	_ =	shalt  }
.Lfunc_end0:
.L_simem_size_0:
called_computation.3_lowered:
.L_overlay_start_0:
0x88: {  	s2 =	sld [smem:$0x3FD9]  }
0x89: {  	s3 =	sld [smem:$0x3FFE];
	_ =	sdelay $0x1  }
0x8a: {  	s1 =	srdreg.scid  }
0x8b: {  	s0 =	sand.u32 $0x1, s1  }
0x8c: {  	s17 =	sshll.u32 s0, $0xA;
	s2 =	sadd.s32 s3, s2  }
0x8d: {  	s2 =	sadd.s32 s2, s17  }
0x8e: {  	[smem:$0x3FC4] =	sst s2  }
0x8f: {  	_ = 	snop  }
0x90: {  	s2 =	sld [smem:$0x3FD0];
	(tm) =	ssettm $0x1  }
0x91: {  	s18 =	sld [smem:$0x3FFB];
	_ =	sdelay $0x3  }
0x92: {  	_ =	strace s18  }
0x93: {  	s3 =	sld [smem:$0x3FFC];
	_ =	sdelay $0x3  }
0x94: {  	_ =	strace s3  }
0x95: {  	s3 =	sld [smem:$0x3FFD];
	_ =	sdelay $0x3  }
0x96: {  	_ =	strace s3  }
0x97: {  	_ =	strace $0x8FFFFFFF  }
0x98: {  	s19 =	sld [smem:$0x3FDB];
	_ =	sdelay $0x1  }
0x99: {  	s4 =	simm.s32 $_scs_section_size  }
0x9a: {  	s5 =	simm.s32 $_size__tile_overlayer_lowered;
	s6 =	simm.s32 $_tile_overlayer_lowered  }
0x9b: {  	s22 =	simm.s32 $0x1BFF;
	s21 =	sshll.u32 s6, $0x1;
	s3 =	sadd.s32 s4, s19  }
0x9c: {  	s7 =	simm.s32 $0x0;
	s20 =	sshll.u32 s5, $0x1;
	s5 =	sadd.s32 s21, s3  }
0x9d: {  	[timem:s7], [sflag:s22] =	dma.local [hbm:s5], s20  }
0x9e: {  	_ =	swait.ge [sflag:s22], s20  }
0x9f: {  	s4 =	ssub.s32 $0x0, s20;
	[sflag:s22] =	ssyncset.done $0x0  }
0xa0: {  	[sflag:s22] =	ssyncadd.s32 s4;
	_ =	sdelay $0x1  }
0xa1: {  	s23 =	simm.s32 $0x1B8B  }
0xa2: {  	_ =	swait.ge [sflag:s23], $0x1  }
0xa3: {  	[sflag:s23] =	ssyncset.done $0x0  }
0xa4: {  	s25 =	simm.s32 $0x1B8E;
	s24 =	sld [smem:$0x3FFE];
	[sflag:s23] =	ssyncadd.s32 $0xFFFFFFFF  }
0xa5: {  	s26 =	simm.s32 $execute0_lowered;
	[smem:$0x3FD2] =	sst s25  }
0xa6: {  	s5 =	sshll.u32 s26, $0x1;
	_ =	strace $0x80000049;
	[dreg:$0x1] =	wrdreg $0xFFFFFFFF  }
0xa7: {  	s28 =	simm.s32 $_size_execute0_lowered;
	s3 =	sadd.s32 s3, s5;
	[dreg:$0x0] =	wrdreg $0x0  }
0xa8: {  	s5 =	sshll.u32 s28, $0x1;
	[dreg:$0x2] =	wrdreg s3  }
0xa9: {  	[dreg:$0x3] =	wrdreg s5  }
0xaa: {  	[dreg:$0x4] =	wrdreg $0xC0  }
0xab: {  	_ =	task [dreg:s7], $0x5FFFF  }
0xac: {  	[dreg:$0x1] =	wrdreg $0xFFFFFFFF  }
0xad: {  	[dreg:$0x0] =	wrdreg $0x60  }
0xae: {  	[dreg:$0x2] =	wrdreg s24  }
0xaf: {  	[dreg:$0x3] =	wrdreg s2  }
0xb0: {  	[dreg:$0x4] =	wrdreg $0x61000  }
0xb1: {  	[dreg:$0x5] =	wrdreg $0x9  }
0xb2: {  	_ =	task.clear_ibuf [dreg:s7], $0x6FFFF;
	_ =	strace $0x90000049  }
0xb3: {  	s29 =	simm.s32 $0x9;
	_ =	strace $0x8000004B  }
0xb4: {  	_ =	swait.ge [sflag:s29], $0x1  }
0xb5: {  	[sflag:s29] =	ssyncadd.s32 $0xFFFFFFFF  }
0xb6: {  	_ =	strace $0x9000004B  }
0xb7: {  	_ =	sfence  }
0xb8: {  	s30 =	sld [smem:$0x0];
	_ =	sdelay $0x2  }
0xb9: {  	s31 =	sshll.u32 s1, $0xD;
	s1 =	sshrl.u32 s1, $0x2  }
0xba: {  	s3 =	sand.u32 $0x4000, s31;
	s1 =	sadd.s32 s1, s30  }
0xbb: {  	s0 =	sor.u32 s3, s0;
	s1 =	sshll.u32 s1, $0x11  }
0xbc: {  	s0 =	sor.u32 s1, s0  }
0xbd: {  	s0 =	sadd.s32 $0x8F2B, s0  }
0xbe: {  	[sflag:s0] =	ssyncadd.remote.s32 $0x1  }
0xbf: {  	_ =	sfence.sel $0xFFFF  }
0xc0: {  	[dreg:$0x0] =	wrdreg $0xFFFFFFFF;
	(pc) =	sbr.abs _section_cstart, $3  }
0xc1: {  	[dreg:$0x1] =	wrdreg $0xFFFFFFFF  }
0xc2: {  	_ =	task.clear_ibuf [dreg:s7], $0x2FFFF;
	_ =	strace $0x9FFFFFFF  }
0xc3: {  	(tm) =	ssettm $0x7FFFFFFF  }
tec
execute0_lowered:
.L_overlay_start_1:
0x0: {  	(tag) =	ssettag $0x1  }
0x1: {  	s0 =	rddreg [dreg:$0x0]  }
0x2: {  	s2 =	rddreg [dreg:$0x1]  }
0x3: {  	s1 =	rddreg [dreg:$0x2];
	s9 =	stileid.u32  }
0x4: {  	s3 =	srdreg.scid;
	s7 =	smul.u32 $0x2780, s9  }
0x5: {  	s28 =	simm.s32 $0x1;
	s29 =	simm.s32 $0x0;
	s23 =	smul.u32 $0x14000, s9  }
0x6: {  	s5 =	sand.u32 $0x1, s3;
	s3 =	simm.s32 $0x0;
	s9 =	smul.u32 $0x50000, s9  }
0x7: {  	s4 =	sadd.s32 $0x8DC00, s0;
	s6 =	smul.u32 $0x27800, s5;
	[smem:$0x7FF] =	sst s3  }
0x8: {  	s8 =	smul.u32 $0x140000, s5;
	s5 =	ssub.s32 $0x2, s5;
	_ =	strace $0x8000004A  }
0x9: {  	s24 =	sshrl.u32 s5, $0x1;
	s25 =	sshrl.u32 s9, $0x2;
	s9 =	sadd.s32 $0xDDC00, s0  }
0xa: {  	s6 =	sadd.s32 s7, s6;
	s7 =	sadd.s32 s23, s8;
	s11 =	ssub.s32 s5, s24  }
0xb: {  	s5 =	sadd.s32 s25, s1;
	s23 =	simm.s32 $0x4100;
	s24 =	simm.s32 $0x2  }
0xc: {  	s25 =	simm.s32 $0x80;
	s6 =	sshrl.u32 s6, $0x3;
	s26 =	sshrl.u32 s7, $0x3  }
0xd: {  	s7 =	sadd.s32 $0xB5C00, s0;
	s31 =	smax.u32 s11, $0x1;
	s12 =	sadd.s32 $0x2000, s5  }
0xe: {  	s13 =	sadd.s32 $0x4000, s5;
	s14 =	sadd.s32 $0x6000, s5;
	s15 =	sadd.s32 $0x8000, s5  }
0xf: {  	s16 =	sadd.s32 $0xA000, s5;
	s17 =	sadd.s32 $0xC000, s5;
	s18 =	sadd.s32 $0xE000, s5  }
0x10: {  	s19 =	sadd.s32 $0x10000, s5;
	s22 =	sadd.s32 s6, s0;
	s6 =	sadd.s32 s2, s26  }
0x11: {  	s20 =	sadd.s32 $0x12000, s5;
	[dreg:$0x6] =	wrdreg s31;
	s2 =	sadd.s32 $0x50000, s6  }
0x12: {  	s26 =	simm.s32 $0x100;
	s30 =	sadd.s32 $0xA0000, s6;
	[dreg:$0x4] =	wrdreg s2  }
0x13: {  	v0 =	vimm.f32 $0.0e+00;
	s21 =	sadd.s32 $0x7A000, s22;
	s22 =	sadd.s32 $0x83E00, s22;
	[dreg:$0x5] =	wrdreg s30  }
.LBB2_1:
0x14: {  	s0 =	simm.s32 $0x0;
	s30 =	simm.s32 $0x200  }
.LBB2_2:
0x15: {  	p0 =	sne.s32 s30, $0x7E00;
	[tilespmem:s0+$0x4170] =	vst v0  }
0x16: {  	[tilespmem:s0+$0x4100] =	vst v0  }
0x17: {  	[tilespmem:s0+$0x4110] =	vst v0  }
.Ltmp0:
0x18: {  	[tilespmem:s0+$0x4120] =	vst v0;
	(pc) =	sbr.rel @p0 .LBB2_2-.Ltmp0, $4  }
0x19: {  	[tilespmem:s0+$0x4130] =	vst v0  }
0x1a: {  	[tilespmem:s0+$0x4140] =	vst v0  }
0x1b: {  	[tilespmem:s0+$0x4150] =	vst v0  }
0x1c: {  	[tilespmem:s0+$0x4160] =	vst v0;
	s0 =	sshra.s32 s30, $0x2;
	s30 =	sadd.s32 $0x200, s30  }
0x1d: {  	[tilespmem:s0+$0x4170] =	vst v0  }
0x1e: {  	[tilespmem:s0+$0x4100] =	vst v0  }
0x1f: {  	[tilespmem:s0+$0x4110] =	vst v0  }
0x20: {  	[tilespmem:s0+$0x4120] =	vst v0  }
0x21: {  	[tilespmem:s0+$0x4130] =	vst v0  }
0x22: {  	[tilespmem:s0+$0x4140] =	vst v0  }
0x23: {  	[tilespmem:s0+$0x4150] =	vst v0  }
0x24: {  	[tilespmem:s0+$0x4160] =	vst v0  }
0x25: {  	[spmem:s5] =	stream.linear.scatter [tilespmem:s23], [sflag:$0x2], $0x2000, $0x38;
	[tilespmem:$0x1A100] =	vst v63  }
0x26: {  	_ =	swait.ge [sflag:s24], $0x2000  }
0x27: {  	[sflag:s24] =	ssyncset.done $0x0  }
0x28: {  	[sflag:s24] =	ssyncadd.s32 $0xFFFFE000  }
0x29: {  	[spmem:s12] =	stream.linear.scatter [tilespmem:s23], [sflag:$0x2], $0x2000, $0x38;
	[tilespmem:$0x1A100] =	vst v63  }
0x2a: {  	_ =	swait.ge [sflag:s24], $0x2000  }
0x2b: {  	[sflag:s24] =	ssyncset.done $0x0  }
0x2c: {  	[sflag:s24] =	ssyncadd.s32 $0xFFFFE000  }
0x2d: {  	[spmem:s13] =	stream.linear.scatter [tilespmem:s23], [sflag:$0x2], $0x2000, $0x38;
	[tilespmem:$0x1A100] =	vst v63  }
0x2e: {  	_ =	swait.ge [sflag:s24], $0x2000  }
0x2f: {  	[sflag:s24] =	ssyncset.done $0x0  }
0x30: {  	[sflag:s24] =	ssyncadd.s32 $0xFFFFE000  }
0x31: {  	[spmem:s14] =	stream.linear.scatter [tilespmem:s23], [sflag:$0x2], $0x2000, $0x38;
	[tilespmem:$0x1A100] =	vst v63  }
0x32: {  	_ =	swait.ge [sflag:s24], $0x2000  }
0x33: {  	[sflag:s24] =	ssyncset.done $0x0  }
0x34: {  	[sflag:s24] =	ssyncadd.s32 $0xFFFFE000  }
0x35: {  	[spmem:s15] =	stream.linear.scatter [tilespmem:s23], [sflag:$0x2], $0x2000, $0x38;
	[tilespmem:$0x1A100] =	vst v63  }
0x36: {  	_ =	swait.ge [sflag:s24], $0x2000  }
0x37: {  	[sflag:s24] =	ssyncset.done $0x0  }
0x38: {  	[sflag:s24] =	ssyncadd.s32 $0xFFFFE000  }
0x39: {  	[spmem:s16] =	stream.linear.scatter [tilespmem:s23], [sflag:$0x2], $0x2000, $0x38;
	[tilespmem:$0x1A100] =	vst v63  }
0x3a: {  	_ =	swait.ge [sflag:s24], $0x2000  }
0x3b: {  	[sflag:s24] =	ssyncset.done $0x0  }
0x3c: {  	[sflag:s24] =	ssyncadd.s32 $0xFFFFE000  }
0x3d: {  	[spmem:s17] =	stream.linear.scatter [tilespmem:s23], [sflag:$0x2], $0x2000, $0x38;
	[tilespmem:$0x1A100] =	vst v63  }
0x3e: {  	_ =	swait.ge [sflag:s24], $0x2000  }
0x3f: {  	[sflag:s24] =	ssyncset.done $0x0  }
0x40: {  	[sflag:s24] =	ssyncadd.s32 $0xFFFFE000  }
0x41: {  	[spmem:s18] =	stream.linear.scatter [tilespmem:s23], [sflag:$0x2], $0x2000, $0x38;
	[tilespmem:$0x1A100] =	vst v63  }
0x42: {  	_ =	swait.ge [sflag:s24], $0x2000  }
0x43: {  	[sflag:s24] =	ssyncset.done $0x0  }
0x44: {  	[sflag:s24] =	ssyncadd.s32 $0xFFFFE000  }
0x45: {  	[spmem:s19] =	stream.linear.scatter [tilespmem:s23], [sflag:$0x2], $0x2000, $0x38;
	[tilespmem:$0x1A100] =	vst v63  }
0x46: {  	_ =	swait.ge [sflag:s24], $0x2000  }
0x47: {  	[sflag:s24] =	ssyncset.done $0x0  }
0x48: {  	[sflag:s24] =	ssyncadd.s32 $0xFFFFE000  }
0x49: {  	[spmem:s20] =	stream.linear.scatter [tilespmem:s23], [sflag:$0x2], $0x2000, $0x38;
	[tilespmem:$0x1A100] =	vst v63  }
0x4a: {  	_ =	swait.ge [sflag:s24], $0x2000  }
0x4b: {  	[sflag:s24] =	ssyncset.done $0x0  }
0x4c: {  	[sflag:s24] =	ssyncadd.s32 $0xFFFFE000  }
0x4d: {  	s11 =	sadd.s32 $0x0, s22;
	[bflag:$0x0] =	sbarrier.arrive $0xFFFF  }
0x4e: {  	[tilespmem:s3], [sflag:$0x2] =	stream.linear.gather [hbm4b:s11+s3], $0x80, $0x38;
	[tilespmem:$0x1A100] =	vst v63  }
0x4f: {  	_ =	swait.ge [sflag:s24], $0x80  }
0x50: {  	[sflag:s24] =	ssyncset.done $0x0  }
0x51: {  	s31 =	sadd.s32 $0x0, s21;
	[sflag:s24] =	ssyncadd.s32 $0xFFFFFF80  }
0x52: {  	[tilespmem:s25], [sflag:$0x2] =	stream.linear.gather [hbm4b:s31+s3], $0x80, $0x38;
	[tilespmem:$0x1A100] =	vst v63  }
0x53: {  	_ =	swait.ge [sflag:s24], $0x80  }
0x54: {  	[sflag:s24] =	ssyncset.done $0x0  }
0x55: {  	[sflag:s24] =	ssyncadd.s32 $0xFFFFFF80  }
0x56: {  	[tilespmem:s26], [sflag:$0x1] =	stream.indirect.gather [hbm4b:s4+s25], $0x80, s3, s25, $0xb8;
	[tilespmem:$0x1A100] =	vst v63  }
0x57: {  	_ =	swait.ge [sflag:s28], $0x4000  }
0x58: {  	[sflag:s28] =	ssyncset.done $0x0  }
0x59: {  	[sflag:s28] =	ssyncadd.s32 $0xFFFFC000  }
0x5a: {  	[spmem:s1] =	stream.indirect.scatter.add.f32 [tilespmem:s26], [sflag:$0x2], $0x80, s25, s25, $0xb8;
	[tilespmem:$0x1A100] =	vst v63  }
0x5b: {  	_ =	swait.ge [sflag:s24], $0x4000  }
0x5c: {  	s30 =	simm.s32 $0x10;
	s0 =	simm.s32 $0x20;
	[sflag:s24] =	ssyncset.done $0x0  }
.LBB2_4:
0x5d: {  	s2 =	sadd.s32 s30, s22  }
0x5e: {  	[sflag:s24] =	ssyncadd.s32 $0xFFFFC000;
	s31 =	smov.u32 s0;
	s8 =	sadd.s32 $0x10, s0  }
0x5f: {  	[tilespmem:s3], [sflag:$0x2] =	stream.linear.gather [hbm4b:s2+s3], $0x80, $0x38;
	[tilespmem:$0x1A100] =	vst v63  }
0x60: {  	p0 =	sne.s32 s0, $0x4E0;
	_ =	swait.ge [sflag:s24], $0x80  }
0x61: {  	[sflag:s24] =	ssyncset.done $0x0  }
0x62: {  	s0 =	sadd.s32 s30, s21;
	s30 =	smov.u32 s31;
	[sflag:s24] =	ssyncadd.s32 $0xFFFFFF80  }
0x63: {  	[tilespmem:s25], [sflag:$0x2] =	stream.linear.gather [hbm4b:s0+s3], $0x80, $0x38;
	[tilespmem:$0x1A100] =	vst v63  }
0x64: {  	_ =	swait.ge [sflag:s24], $0x80  }
0x65: {  	[sflag:s24] =	ssyncset.done $0x0  }
0x66: {  	[sflag:s24] =	ssyncadd.s32 $0xFFFFFF80  }
0x67: {  	[tilespmem:s26], [sflag:$0x1] =	stream.indirect.gather [hbm4b:s4+s25], $0x80, s3, s25, $0xb8;
	[tilespmem:$0x1A100] =	vst v63  }
0x68: {  	_ =	swait.ge [sflag:s28], $0x4000  }
.Ltmp1:
0x69: {  	[sflag:s28] =	ssyncset.done $0x0;
	(pc) =	sbr.rel @p0 .LBB2_4-.Ltmp1, $4  }
0x6a: {  	[sflag:s28] =	ssyncadd.s32 $0xFFFFC000  }
0x6b: {  	[spmem:s1] =	stream.indirect.scatter.add.f32 [tilespmem:s26], [sflag:$0x2], $0x80, s25, s25, $0xb8;
	[tilespmem:$0x1A100] =	vst v63  }
0x6c: {  	_ =	swait.ge [sflag:s24], $0x4000  }
0x6d: {  	s0 =	smov.u32 s8;
	[sflag:s24] =	ssyncset.done $0x0  }
0x6e: {  	s0 =	sadd.s32 s30, s22;
	[sflag:s24] =	ssyncadd.s32 $0xFFFFC000  }
0x6f: {  	[tilespmem:s3], [sflag:$0x2] =	stream.linear.gather [hbm4b:s0+s3], $0x80, $0x38;
	[tilespmem:$0x1A100] =	vst v63  }
0x70: {  	_ =	swait.ge [sflag:s24], $0x80  }
0x71: {  	[sflag:s24] =	ssyncset.done $0x0  }
0x72: {  	s2 =	sadd.s32 s30, s21;
	[sflag:s24] =	ssyncadd.s32 $0xFFFFFF80  }
0x73: {  	[tilespmem:s25], [sflag:$0x2] =	stream.linear.gather [hbm4b:s2+s3], $0x80, $0x38;
	[tilespmem:$0x1A100] =	vst v63  }
0x74: {  	_ =	swait.ge [sflag:s24], $0x80  }
0x75: {  	[sflag:s24] =	ssyncset.done $0x0  }
0x76: {  	[sflag:s24] =	ssyncadd.s32 $0xFFFFFF80  }
0x77: {  	[tilespmem:s26], [sflag:$0x1] =	stream.indirect.gather [hbm4b:s4+s25], $0x80, s3, s25, $0xb8;
	[tilespmem:$0x1A100] =	vst v63  }
0x78: {  	_ =	swait.ge [sflag:s28], $0x4000  }
0x79: {  	[sflag:s28] =	ssyncset.done $0x0  }
0x7a: {  	[sflag:s28] =	ssyncadd.s32 $0xFFFFC000  }
0x7b: {  	[spmem:s1] =	stream.indirect.scatter.add.f32 [tilespmem:s26], [sflag:$0x2], $0x80, s25, s25, $0xb8;
	[tilespmem:$0x1A100] =	vst v63  }
0x7c: {  	_ =	swait.ge [sflag:s24], $0x4000  }
0x7d: {  	s8 =	stileid.u32;
	[sflag:s24] =	ssyncset.done $0x0  }
0x7e: {  	s0 =	sshll.u32 s8, $0x6;
	[sflag:s24] =	ssyncadd.s32 $0xFFFFC000  }
0x7f: {  	s31 =	sshrl.u32 s5, $0x3;
	s30 =	sor.u32 $0x1C02, s0;
	[bflag:$0x0] =	sbarrier.arrive $0xFFFF  }
0x80: {  	[hbm:s6], [sflag:s30] =	dma.local [spmem:s31], $0x2800  }
0x81: {  	_ =	swait.ge [sflag:s24], $0x2800  }
0x82: {  	[sflag:s24] =	ssyncset.done $0x0  }
0x83: {  	[sflag:s24] =	ssyncadd.s32 $0xFFFFD800  }
0x84: {  	[bflag:$0x0] =	sbarrier.arrive $0xFFFF  }
0x85: {  	[spmem:s5] =	stream.linear.scatter [tilespmem:s23], [sflag:$0x2], $0x2000, $0x38;
	[tilespmem:$0x1A100] =	vst v63  }
0x86: {  	_ =	swait.ge [sflag:s24], $0x2000  }
0x87: {  	[sflag:s24] =	ssyncset.done $0x0  }
0x88: {  	[sflag:s24] =	ssyncadd.s32 $0xFFFFE000  }
0x89: {  	[spmem:s12] =	stream.linear.scatter [tilespmem:s23], [sflag:$0x2], $0x2000, $0x38;
	[tilespmem:$0x1A100] =	vst v63  }
0x8a: {  	_ =	swait.ge [sflag:s24], $0x2000  }
0x8b: {  	[sflag:s24] =	ssyncset.done $0x0  }
0x8c: {  	[sflag:s24] =	ssyncadd.s32 $0xFFFFE000  }
0x8d: {  	[spmem:s13] =	stream.linear.scatter [tilespmem:s23], [sflag:$0x2], $0x2000, $0x38;
	[tilespmem:$0x1A100] =	vst v63  }
0x8e: {  	_ =	swait.ge [sflag:s24], $0x2000  }
0x8f: {  	[sflag:s24] =	ssyncset.done $0x0  }
0x90: {  	[sflag:s24] =	ssyncadd.s32 $0xFFFFE000  }
0x91: {  	[spmem:s14] =	stream.linear.scatter [tilespmem:s23], [sflag:$0x2], $0x2000, $0x38;
	[tilespmem:$0x1A100] =	vst v63  }
0x92: {  	_ =	swait.ge [sflag:s24], $0x2000  }
0x93: {  	[sflag:s24] =	ssyncset.done $0x0  }
0x94: {  	[sflag:s24] =	ssyncadd.s32 $0xFFFFE000  }
0x95: {  	[spmem:s15] =	stream.linear.scatter [tilespmem:s23], [sflag:$0x2], $0x2000, $0x38;
	[tilespmem:$0x1A100] =	vst v63  }
0x96: {  	_ =	swait.ge [sflag:s24], $0x2000  }
0x97: {  	[sflag:s24] =	ssyncset.done $0x0  }
0x98: {  	[sflag:s24] =	ssyncadd.s32 $0xFFFFE000  }
0x99: {  	[spmem:s16] =	stream.linear.scatter [tilespmem:s23], [sflag:$0x2], $0x2000, $0x38;
	[tilespmem:$0x1A100] =	vst v63  }
0x9a: {  	_ =	swait.ge [sflag:s24], $0x2000  }
0x9b: {  	[sflag:s24] =	ssyncset.done $0x0  }
0x9c: {  	[sflag:s24] =	ssyncadd.s32 $0xFFFFE000  }
0x9d: {  	[spmem:s17] =	stream.linear.scatter [tilespmem:s23], [sflag:$0x2], $0x2000, $0x38;
	[tilespmem:$0x1A100] =	vst v63  }
0x9e: {  	_ =	swait.ge [sflag:s24], $0x2000  }
0x9f: {  	[sflag:s24] =	ssyncset.done $0x0  }
0xa0: {  	[sflag:s24] =	ssyncadd.s32 $0xFFFFE000  }
0xa1: {  	[spmem:s18] =	stream.linear.scatter [tilespmem:s23], [sflag:$0x2], $0x2000, $0x38;
	[tilespmem:$0x1A100] =	vst v63  }
0xa2: {  	_ =	swait.ge [sflag:s24], $0x2000  }
0xa3: {  	[sflag:s24] =	ssyncset.done $0x0  }
0xa4: {  	[sflag:s24] =	ssyncadd.s32 $0xFFFFE000  }
0xa5: {  	[spmem:s19] =	stream.linear.scatter [tilespmem:s23], [sflag:$0x2], $0x2000, $0x38;
	[tilespmem:$0x1A100] =	vst v63  }
0xa6: {  	_ =	swait.ge [sflag:s24], $0x2000  }
0xa7: {  	[sflag:s24] =	ssyncset.done $0x0  }
0xa8: {  	[sflag:s24] =	ssyncadd.s32 $0xFFFFE000  }
0xa9: {  	[spmem:s20] =	stream.linear.scatter [tilespmem:s23], [sflag:$0x2], $0x2000, $0x38;
	[tilespmem:$0x1A100] =	vst v63  }
0xaa: {  	_ =	swait.ge [sflag:s24], $0x2000  }
0xab: {  	[sflag:s24] =	ssyncset.done $0x0  }
0xac: {  	[sflag:s24] =	ssyncadd.s32 $0xFFFFE000  }
0xad: {  	s10 =	sadd.s32 $0x0, s22;
	[bflag:$0x0] =	sbarrier.arrive $0xFFFF  }
0xae: {  	[tilespmem:s3], [sflag:$0x2] =	stream.linear.gather [hbm4b:s10+s3], $0x80, $0x38;
	[tilespmem:$0x1A100] =	vst v63  }
0xaf: {  	_ =	swait.ge [sflag:s24], $0x80  }
0xb0: {  	[sflag:s24] =	ssyncset.done $0x0  }
0xb1: {  	s11 =	sadd.s32 $0x0, s21;
	[sflag:s24] =	ssyncadd.s32 $0xFFFFFF80  }
0xb2: {  	[tilespmem:s25], [sflag:$0x2] =	stream.linear.gather [hbm4b:s11+s3], $0x80, $0x38;
	[tilespmem:$0x1A100] =	vst v63  }
0xb3: {  	_ =	swait.ge [sflag:s24], $0x80  }
0xb4: {  	[sflag:s24] =	ssyncset.done $0x0  }
0xb5: {  	[sflag:s24] =	ssyncadd.s32 $0xFFFFFF80  }
0xb6: {  	[tilespmem:s26], [sflag:$0x1] =	stream.indirect.gather [hbm4b:s7+s25], $0x80, s3, s25, $0xb8;
	[tilespmem:$0x1A100] =	vst v63  }
0xb7: {  	_ =	swait.ge [sflag:s28], $0x4000  }
0xb8: {  	[sflag:s28] =	ssyncset.done $0x0  }
0xb9: {  	[sflag:s28] =	ssyncadd.s32 $0xFFFFC000  }
0xba: {  	[spmem:s1] =	stream.indirect.scatter.add.f32 [tilespmem:s26], [sflag:$0x2], $0x80, s25, s25, $0xb8;
	[tilespmem:$0x1A100] =	vst v63  }
0xbb: {  	_ =	swait.ge [sflag:s24], $0x4000  }
0xbc: {  	s0 =	simm.s32 $0x10;
	s2 =	simm.s32 $0x20;
	[sflag:s24] =	ssyncset.done $0x0  }
.LBB2_6:
0xbd: {  	s8 =	sadd.s32 s0, s22  }
0xbe: {  	[sflag:s24] =	ssyncadd.s32 $0xFFFFC000;
	s10 =	smov.u32 s2;
	s11 =	sadd.s32 $0x10, s2  }
0xbf: {  	[tilespmem:s3], [sflag:$0x2] =	stream.linear.gather [hbm4b:s8+s3], $0x80, $0x38;
	[tilespmem:$0x1A100] =	vst v63  }
0xc0: {  	p0 =	sne.s32 s2, $0x4E0;
	_ =	swait.ge [sflag:s24], $0x80  }
0xc1: {  	[sflag:s24] =	ssyncset.done $0x0  }
0xc2: {  	s2 =	sadd.s32 s0, s21;
	s0 =	smov.u32 s10;
	[sflag:s24] =	ssyncadd.s32 $0xFFFFFF80  }
0xc3: {  	[tilespmem:s25], [sflag:$0x2] =	stream.linear.gather [hbm4b:s2+s3], $0x80, $0x38;
	[tilespmem:$0x1A100] =	vst v63  }
0xc4: {  	_ =	swait.ge [sflag:s24], $0x80  }
0xc5: {  	[sflag:s24] =	ssyncset.done $0x0  }
0xc6: {  	[sflag:s24] =	ssyncadd.s32 $0xFFFFFF80  }
0xc7: {  	[tilespmem:s26], [sflag:$0x1] =	stream.indirect.gather [hbm4b:s7+s25], $0x80, s3, s25, $0xb8;
	[tilespmem:$0x1A100] =	vst v63  }
0xc8: {  	_ =	swait.ge [sflag:s28], $0x4000  }
.Ltmp2:
0xc9: {  	[sflag:s28] =	ssyncset.done $0x0;
	(pc) =	sbr.rel @p0 .LBB2_6-.Ltmp2, $4  }
0xca: {  	[sflag:s28] =	ssyncadd.s32 $0xFFFFC000  }
0xcb: {  	[spmem:s1] =	stream.indirect.scatter.add.f32 [tilespmem:s26], [sflag:$0x2], $0x80, s25, s25, $0xb8;
	[tilespmem:$0x1A100] =	vst v63  }
0xcc: {  	_ =	swait.ge [sflag:s24], $0x4000  }
0xcd: {  	s2 =	smov.u32 s11;
	[sflag:s24] =	ssyncset.done $0x0  }
0xce: {  	s2 =	sadd.s32 s0, s22;
	[sflag:s24] =	ssyncadd.s32 $0xFFFFC000  }
0xcf: {  	[tilespmem:s3], [sflag:$0x2] =	stream.linear.gather [hbm4b:s2+s3], $0x80, $0x38;
	[tilespmem:$0x1A100] =	vst v63  }
0xd0: {  	_ =	swait.ge [sflag:s24], $0x80  }
0xd1: {  	[sflag:s24] =	ssyncset.done $0x0  }
0xd2: {  	s2 =	sadd.s32 s0, s21;
	[sflag:s24] =	ssyncadd.s32 $0xFFFFFF80  }
0xd3: {  	[tilespmem:s25], [sflag:$0x2] =	stream.linear.gather [hbm4b:s2+s3], $0x80, $0x38;
	[tilespmem:$0x1A100] =	vst v63  }
0xd4: {  	_ =	swait.ge [sflag:s24], $0x80  }
0xd5: {  	[sflag:s24] =	ssyncset.done $0x0  }
0xd6: {  	[sflag:s24] =	ssyncadd.s32 $0xFFFFFF80  }
0xd7: {  	[tilespmem:s26], [sflag:$0x1] =	stream.indirect.gather [hbm4b:s7+s25], $0x80, s3, s25, $0xb8;
	[tilespmem:$0x1A100] =	vst v63  }
0xd8: {  	_ =	swait.ge [sflag:s28], $0x4000  }
0xd9: {  	[sflag:s28] =	ssyncset.done $0x0  }
0xda: {  	[sflag:s28] =	ssyncadd.s32 $0xFFFFC000  }
0xdb: {  	[spmem:s1] =	stream.indirect.scatter.add.f32 [tilespmem:s26], [sflag:$0x2], $0x80, s25, s25, $0xb8;
	[tilespmem:$0x1A100] =	vst v63  }
0xdc: {  	_ =	swait.ge [sflag:s24], $0x4000  }
0xdd: {  	[sflag:s24] =	ssyncset.done $0x0  }
0xde: {  	[sflag:s24] =	ssyncadd.s32 $0xFFFFC000  }
0xdf: {  	[bflag:$0x0] =	sbarrier.arrive $0xFFFF  }
0xe0: {  	s8 =	rddreg [dreg:$0x4]  }
0xe1: {  	[hbm:s8], [sflag:s30] =	dma.local [spmem:s31], $0x2800  }
0xe2: {  	_ =	swait.ge [sflag:s24], $0x2800  }
0xe3: {  	[sflag:s24] =	ssyncset.done $0x0  }
0xe4: {  	[sflag:s24] =	ssyncadd.s32 $0xFFFFD800  }
0xe5: {  	[bflag:$0x0] =	sbarrier.arrive $0xFFFF  }
0xe6: {  	[spmem:s5] =	stream.linear.scatter [tilespmem:s23], [sflag:$0x2], $0x2000, $0x38;
	[tilespmem:$0x1A100] =	vst v63  }
0xe7: {  	_ =	swait.ge [sflag:s24], $0x2000  }
0xe8: {  	[sflag:s24] =	ssyncset.done $0x0  }
0xe9: {  	[sflag:s24] =	ssyncadd.s32 $0xFFFFE000  }
0xea: {  	[spmem:s12] =	stream.linear.scatter [tilespmem:s23], [sflag:$0x2], $0x2000, $0x38;
	[tilespmem:$0x1A100] =	vst v63  }
0xeb: {  	_ =	swait.ge [sflag:s24], $0x2000  }
0xec: {  	[sflag:s24] =	ssyncset.done $0x0  }
0xed: {  	[sflag:s24] =	ssyncadd.s32 $0xFFFFE000  }
0xee: {  	[spmem:s13] =	stream.linear.scatter [tilespmem:s23], [sflag:$0x2], $0x2000, $0x38;
	[tilespmem:$0x1A100] =	vst v63  }
0xef: {  	_ =	swait.ge [sflag:s24], $0x2000  }
0xf0: {  	[sflag:s24] =	ssyncset.done $0x0  }
0xf1: {  	[sflag:s24] =	ssyncadd.s32 $0xFFFFE000  }
0xf2: {  	[spmem:s14] =	stream.linear.scatter [tilespmem:s23], [sflag:$0x2], $0x2000, $0x38;
	[tilespmem:$0x1A100] =	vst v63  }
0xf3: {  	_ =	swait.ge [sflag:s24], $0x2000  }
0xf4: {  	[sflag:s24] =	ssyncset.done $0x0  }
0xf5: {  	[sflag:s24] =	ssyncadd.s32 $0xFFFFE000  }
0xf6: {  	[spmem:s15] =	stream.linear.scatter [tilespmem:s23], [sflag:$0x2], $0x2000, $0x38;
	[tilespmem:$0x1A100] =	vst v63  }
0xf7: {  	_ =	swait.ge [sflag:s24], $0x2000  }
0xf8: {  	[sflag:s24] =	ssyncset.done $0x0  }
0xf9: {  	[sflag:s24] =	ssyncadd.s32 $0xFFFFE000  }
0xfa: {  	[spmem:s16] =	stream.linear.scatter [tilespmem:s23], [sflag:$0x2], $0x2000, $0x38;
	[tilespmem:$0x1A100] =	vst v63  }
0xfb: {  	_ =	swait.ge [sflag:s24], $0x2000  }
0xfc: {  	[sflag:s24] =	ssyncset.done $0x0  }
0xfd: {  	[sflag:s24] =	ssyncadd.s32 $0xFFFFE000  }
0xfe: {  	[spmem:s17] =	stream.linear.scatter [tilespmem:s23], [sflag:$0x2], $0x2000, $0x38;
	[tilespmem:$0x1A100] =	vst v63  }
0xff: {  	_ =	swait.ge [sflag:s24], $0x2000  }
0x100: {  	[sflag:s24] =	ssyncset.done $0x0  }
0x101: {  	[sflag:s24] =	ssyncadd.s32 $0xFFFFE000  }
0x102: {  	[spmem:s18] =	stream.linear.scatter [tilespmem:s23], [sflag:$0x2], $0x2000, $0x38;
	[tilespmem:$0x1A100] =	vst v63  }
0x103: {  	_ =	swait.ge [sflag:s24], $0x2000  }
0x104: {  	[sflag:s24] =	ssyncset.done $0x0  }
0x105: {  	[sflag:s24] =	ssyncadd.s32 $0xFFFFE000  }
0x106: {  	[spmem:s19] =	stream.linear.scatter [tilespmem:s23], [sflag:$0x2], $0x2000, $0x38;
	[tilespmem:$0x1A100] =	vst v63  }
0x107: {  	_ =	swait.ge [sflag:s24], $0x2000  }
0x108: {  	[sflag:s24] =	ssyncset.done $0x0  }
0x109: {  	[sflag:s24] =	ssyncadd.s32 $0xFFFFE000  }
0x10a: {  	[spmem:s20] =	stream.linear.scatter [tilespmem:s23], [sflag:$0x2], $0x2000, $0x38;
	[tilespmem:$0x1A100] =	vst v63  }
0x10b: {  	_ =	swait.ge [sflag:s24], $0x2000  }
0x10c: {  	[sflag:s24] =	ssyncset.done $0x0  }
0x10d: {  	[sflag:s24] =	ssyncadd.s32 $0xFFFFE000  }
0x10e: {  	s10 =	sadd.s32 $0x0, s22;
	[bflag:$0x0] =	sbarrier.arrive $0xFFFF  }
0x10f: {  	[tilespmem:s3], [sflag:$0x2] =	stream.linear.gather [hbm4b:s10+s3], $0x80, $0x38;
	[tilespmem:$0x1A100] =	vst v63  }
0x110: {  	_ =	swait.ge [sflag:s24], $0x80  }
0x111: {  	[sflag:s24] =	ssyncset.done $0x0  }
0x112: {  	s11 =	sadd.s32 $0x0, s21;
	[sflag:s24] =	ssyncadd.s32 $0xFFFFFF80  }
0x113: {  	[tilespmem:s25], [sflag:$0x2] =	stream.linear.gather [hbm4b:s11+s3], $0x80, $0x38;
	[tilespmem:$0x1A100] =	vst v63  }
0x114: {  	_ =	swait.ge [sflag:s24], $0x80  }
0x115: {  	[sflag:s24] =	ssyncset.done $0x0  }
0x116: {  	[sflag:s24] =	ssyncadd.s32 $0xFFFFFF80  }
0x117: {  	[tilespmem:s26], [sflag:$0x1] =	stream.indirect.gather [hbm4b:s9+s25], $0x80, s3, s25, $0xb8;
	[tilespmem:$0x1A100] =	vst v63  }
0x118: {  	_ =	swait.ge [sflag:s28], $0x4000  }
0x119: {  	[sflag:s28] =	ssyncset.done $0x0  }
0x11a: {  	[sflag:s28] =	ssyncadd.s32 $0xFFFFC000  }
0x11b: {  	[spmem:s1] =	stream.indirect.scatter.add.f32 [tilespmem:s26], [sflag:$0x2], $0x80, s25, s25, $0xb8;
	[tilespmem:$0x1A100] =	vst v63  }
0x11c: {  	_ =	swait.ge [sflag:s24], $0x4000  }
0x11d: {  	s0 =	simm.s32 $0x10;
	s2 =	simm.s32 $0x20;
	[sflag:s24] =	ssyncset.done $0x0  }
.LBB2_8:
0x11e: {  	s8 =	sadd.s32 s0, s22  }
0x11f: {  	[sflag:s24] =	ssyncadd.s32 $0xFFFFC000;
	s10 =	smov.u32 s2;
	s11 =	sadd.s32 $0x10, s2  }
0x120: {  	[tilespmem:s3], [sflag:$0x2] =	stream.linear.gather [hbm4b:s8+s3], $0x80, $0x38;
	[tilespmem:$0x1A100] =	vst v63  }
0x121: {  	p0 =	sne.s32 s2, $0x4E0;
	_ =	swait.ge [sflag:s24], $0x80  }
0x122: {  	[sflag:s24] =	ssyncset.done $0x0  }
0x123: {  	s2 =	sadd.s32 s0, s21;
	s0 =	smov.u32 s10;
	[sflag:s24] =	ssyncadd.s32 $0xFFFFFF80  }
0x124: {  	[tilespmem:s25], [sflag:$0x2] =	stream.linear.gather [hbm4b:s2+s3], $0x80, $0x38;
	[tilespmem:$0x1A100] =	vst v63  }
0x125: {  	_ =	swait.ge [sflag:s24], $0x80  }
0x126: {  	[sflag:s24] =	ssyncset.done $0x0  }
0x127: {  	[sflag:s24] =	ssyncadd.s32 $0xFFFFFF80  }
0x128: {  	[tilespmem:s26], [sflag:$0x1] =	stream.indirect.gather [hbm4b:s9+s25], $0x80, s3, s25, $0xb8;
	[tilespmem:$0x1A100] =	vst v63  }
0x129: {  	_ =	swait.ge [sflag:s28], $0x4000  }
.Ltmp3:
0x12a: {  	[sflag:s28] =	ssyncset.done $0x0;
	(pc) =	sbr.rel @p0 .LBB2_8-.Ltmp3, $4  }
0x12b: {  	[sflag:s28] =	ssyncadd.s32 $0xFFFFC000  }
0x12c: {  	[spmem:s1] =	stream.indirect.scatter.add.f32 [tilespmem:s26], [sflag:$0x2], $0x80, s25, s25, $0xb8;
	[tilespmem:$0x1A100] =	vst v63  }
0x12d: {  	_ =	swait.ge [sflag:s24], $0x4000  }
0x12e: {  	s2 =	smov.u32 s11;
	[sflag:s24] =	ssyncset.done $0x0  }
0x12f: {  	s2 =	sadd.s32 s0, s22;
	[sflag:s24] =	ssyncadd.s32 $0xFFFFC000  }
0x130: {  	[tilespmem:s3], [sflag:$0x2] =	stream.linear.gather [hbm4b:s2+s3], $0x80, $0x38;
	[tilespmem:$0x1A100] =	vst v63  }
0x131: {  	_ =	swait.ge [sflag:s24], $0x80  }
0x132: {  	[sflag:s24] =	ssyncset.done $0x0  }
0x133: {  	s10 =	sadd.s32 s0, s21;
	[sflag:s24] =	ssyncadd.s32 $0xFFFFFF80  }
0x134: {  	[tilespmem:s25], [sflag:$0x2] =	stream.linear.gather [hbm4b:s10+s3], $0x80, $0x38;
	[tilespmem:$0x1A100] =	vst v63  }
0x135: {  	_ =	swait.ge [sflag:s24], $0x80  }
0x136: {  	[sflag:s24] =	ssyncset.done $0x0  }
0x137: {  	[sflag:s24] =	ssyncadd.s32 $0xFFFFFF80  }
0x138: {  	[tilespmem:s26], [sflag:$0x1] =	stream.indirect.gather [hbm4b:s9+s25], $0x80, s3, s25, $0xb8;
	[tilespmem:$0x1A100] =	vst v63  }
0x139: {  	_ =	swait.ge [sflag:s28], $0x4000  }
0x13a: {  	[sflag:s28] =	ssyncset.done $0x0  }
0x13b: {  	[sflag:s28] =	ssyncadd.s32 $0xFFFFC000  }
0x13c: {  	[spmem:s1] =	stream.indirect.scatter.add.f32 [tilespmem:s26], [sflag:$0x2], $0x80, s25, s25, $0xb8;
	[tilespmem:$0x1A100] =	vst v63  }
0x13d: {  	_ =	swait.ge [sflag:s24], $0x4000  }
0x13e: {  	[sflag:s24] =	ssyncset.done $0x0  }
0x13f: {  	[sflag:s24] =	ssyncadd.s32 $0xFFFFC000  }
0x140: {  	[bflag:$0x0] =	sbarrier.arrive $0xFFFF  }
0x141: {  	s11 =	rddreg [dreg:$0x5]  }
0x142: {  	[hbm:s11], [sflag:s30] =	dma.local [spmem:s31], $0x2800  }
0x143: {  	_ =	swait.ge [sflag:s24], $0x2800  }
0x144: {  	s29 =	sadd.s32 $0x1, s29;
	s31 =	rddreg [dreg:$0x6]  }
0x145: {  	p0 =	sne.s32 s29, s31  }
.Ltmp4:
0x146: {  	_ = 	snop;
	(pc) =	sbr.rel @p0 .LBB2_1-.Ltmp4, $3  }
0x147: {  	[sflag:s24] =	ssyncset.done $0x0  }
0x148: {  	[sflag:s24] =	ssyncadd.s32 $0xFFFFD800  }
0x149: {  	[bflag:$0x0] =	sbarrier.arrive $0xFFFF;
	_ =	sdelay $0x1  }
0x14a: {  	_ =	sfence.sel $0x180000  }
0x14b: {  	[bflag:$0x0] =	sbarrier.arrive $0xFFFF  }
0x14c: {  	_ =	strace $0x9000004A  }
0x14d: {  	s0 =	stileid.u32;
	[bflag:$0x2] =	sbarrier.arrive $0xFFFF  }
0x14e: {  	p0 =	sne.s32 s0, $0x0;
	s0 =	rddreg [dreg:$0x3]  }
0x14f: {  	s0 =	sadd.s32 @!p0 $0x100000, s0  }
0x150: {  	[sflag:s0] =	ssyncadd.tile.s32 @!p0 $0x1;
	_ =	shalt  }
.Lfunc_end2:
_tile_overlayer_lowered:
.L_overlay_start_2:
0x151: {  	(tag) =	ssettag $0x2  }
0x152: {  	s0 =	rddreg [dreg:$0x0];
	s2 =	stileid.u32  }
0x153: {  	s1 =	rddreg [dreg:$0x1];
	p0 =	sne.s32 s2, $0x0  }
0x154: {  	s3 =	rddreg [dreg:$0x2];
	[bflag:$0x3] =	sbarrier.arrive $0xFFFF;
	s2 =	simm.s32 @!p0 $0x1C02  }
0x155: {  	[timem:s3], [sflag:s2] =	dma.local @!p0 [hbm:s0], s1  }
0x156: {  	s0 =	simm.s32 @!p0 $0x2  }
0x157: {  	_ =	swait.ge @!p0 [sflag:s0], s1  }
0x158: {  	s1 =	ssub.s32 @!p0 $0x0, s1;
	[sflag:s0] =	ssyncset.done @!p0 $0x0  }
0x159: {  	[sflag:s0] =	ssyncadd.s32 @!p0 s1  }
0x15a: {  	[bflag:$0x3] =	sbarrier.arrive $0xFFFF  }
0x15b: {  	_ =	shalt  }

// kernel: kernel.14.cloned.1.call-start
scs
__scs_entry_jumppad:
0x0: {  	(pc) =	sbr.rel $0x88, $3  }
0x1: {  	(tag) =	ssettag $0x0;
	lr =	simm.s32 $0x1  }
0x2: {  	[smem:$0x3F9D] =	sst lr;
	_ =	strace $0xD0000000  }
0x3: {  	_ = 	snop  }
0x4: {  	_ = 	snop  }
0x5: {  	_ = 	snop  }
0x6: {  	_ = 	snop  }
0x7: {  	_ = 	snop  }
__scs_overlays_trampoline_lowered:
0x8: {  	[smem:$0x3FAC] =	sst s0  }
0x9: {  	[smem:$0x3FAD] =	sst s1  }
0xa: {  	[smem:$0x3FAE] =	sst s2  }
0xb: {  	[smem:$0x3FAF] =	sst s3  }
0xc: {  	[smem:$0x3FB0] =	sst s4  }
0xd: {  	[smem:$0x3FB1] =	sst s5  }
0xe: {  	[smem:$0x3FB2] =	sst s6  }
0xf: {  	[smem:$0x3FB3] =	sst s7  }
0x10: {  	[smem:$0x3FB4] =	sst s8  }
0x11: {  	[smem:$0x3FB5] =	sst s9;
	s0 =	simm.s32 @!p0 $0x0  }
0x12: {  	s1 =	sld [smem:$0x3F9B];
	s0 =	simm.s32 @p0 $0x1  }
0x13: {  	[smem:$0x3FB6] =	sst s0;
	s0 =	simm.s32 @!p1 $0x0  }
0x14: {  	s2 =	sld [smem:$0x3F9A];
	s0 =	simm.s32 @p1 $0x1  }
0x15: {  	[smem:$0x3FB7] =	sst s0;
	s0 =	simm.s32 @!p2 $0x0  }
0x16: {  	s3 =	sld [smem:$0x3FDB];
	s0 =	simm.s32 @p2 $0x1  }
0x17: {  	s4 =	simm.s32 $0x1BF5;
	[smem:$0x3FB9] =	sst s0  }
0x18: {  	s0 =	sld [smem:$0x3F9C];
	_ =	swait.ge [sflag:s4], $0x0  }
0x19: {  	s7 =	sld [smem:$0x3F9D]  }
0x1a: {  	s8 =	sadd.s32 $0xFFFFE003, lr  }
0x1b: {  	s9 =	sadd.s32 $0xFFFFFEF7, lr;
	s5 =	simm.s32 $0xFFFFFFFF;
	p2 =	slt.u32 s8, $0xFFFFF086  }
0x1c: {  	p1 =	slt.u32 s9, $0xF7A;
	s5 =	simm.s32 @!p2 $0x0  }
0x1d: {  	s5 =	simm.s32 @p1 $0x1;
	p0 =	seq.s32 s7, s2  }
0x1e: {  	s7 =	smul.u32 @!p0 $0xF7A, s2;
	p2 =	seq.s32 @!p0 s5, $0x0  }
0x1f: {  	s9 =	smul.u32 $0xF7A, s1;
	s8 =	simm.s32 @!p0 $0x1BF5;
	p2 =	por !p2, p0  }
0x20: {  	[sflag:s8] =	ssyncset.s32 @!p0 $0xFFFFF086;
	s6 =	sadd.s32 @!p0 s3, s7;
	s7 =	simm.s32 @!p0 $0x108  }
0x21: {  	s3 =	sadd.s32 s3, s9;
	s6 =	sadd.s32 @!p0 $0x88, s6;
	s7 =	simm.s32 @p2 $0x1082  }
0x22: {  	[simem:s7], [sflag:s8] =	dma.local @!p0 [hbm:s6], $0xF7A  }
0x23: {  	s9 =	sor.u32 $0xD0000000, s2;
	s6 =	simm.s32 $0x108;
	_ =	swait.ge @!p0 [sflag:s8], $0x0  }
0x24: {  	s3 =	sadd.s32 $0x88, s3;
	s6 =	simm.s32 @!p1 $0x1082;
	[sflag:s4] =	ssyncset.s32 $0xFFFFF086  }
0x25: {  	[simem:s6], [sflag:s4] =	dma.local [hbm:s3], $0xF7A  }
0x26: {  	[smem:$0x3F9D] =	sst s1;
	(tag) =	ssettag s2;
	_ =	strace s9  }
0x27: {  	s1 =	sld [smem:$0x3FAD]  }
0x28: {  	s2 =	sld [smem:$0x3FAE]  }
0x29: {  	s4 =	sld [smem:$0x3FB0]  }
0x2a: {  	p0 =	seq.s32 s5, $0x0;
	s5 =	sld [smem:$0x3FB1]  }
0x2b: {  	s6 =	sld [smem:$0x3FB2]  }
0x2c: {  	s7 =	sld [smem:$0x3FB3]  }
0x2d: {  	s3 =	simm.s32 $0x108;
	s8 =	sld [smem:$0x3FB4]  }
0x2e: {  	s3 =	simm.s32 @!p0 $0x1082;
	s9 =	sld [smem:$0x3FB5]  }
0x2f: {  	lr =	sadd.s32 s0, s3;
	s0 =	sld [smem:$0x3FAC]  }
0x30: {  	s3 =	sld [smem:$0x3FAF]  }
0x31: {  	[smem:$0x3FB8] =	sst s10  }
0x32: {  	s10 =	sld [smem:$0x3FB6];
	_ =	sdelay $0x3  }
0x33: {  	p0 =	seq.s32 s10, $0x1;
	s10 =	sld [smem:$0x3FB8];
	_ =	sdelay $0x3  }
0x34: {  	[smem:$0x3FB8] =	sst s10  }
0x35: {  	s10 =	sld [smem:$0x3FB7];
	_ =	sdelay $0x3  }
0x36: {  	p1 =	seq.s32 s10, $0x1;
	s10 =	sld [smem:$0x3FB8];
	_ =	sdelay $0x3  }
0x37: {  	[smem:$0x3FB8] =	sst s10  }
0x38: {  	s10 =	sld [smem:$0x3FB9]  }
0x39: {  	_ = 	snop;
	(pc) =	sbr.ind lr, $3  }
0x3a: {  	_ = 	snop  }
0x3b: {  	_ = 	snop  }
0x3c: {  	p2 =	seq.s32 s10, $0x1;
	s10 =	sld [smem:$0x3FB8]  }
0x3d: {  	_ =	shalt  }
0x3e: {  	_ =	shalt  }
0x3f: {  	_ =	shalt  }
0x40: {  	_ =	shalt  }
0x41: {  	_ =	shalt  }
0x42: {  	_ =	shalt  }
0x43: {  	_ =	shalt  }
0x44: {  	_ =	shalt  }
0x45: {  	_ =	shalt  }
0x46: {  	_ =	shalt  }
0x47: {  	_ =	shalt  }
0x48: {  	_ =	shalt  }
0x49: {  	_ =	shalt  }
0x4a: {  	_ =	shalt  }
0x4b: {  	_ =	shalt  }
0x4c: {  	_ =	shalt  }
0x4d: {  	_ =	shalt  }
0x4e: {  	_ =	shalt  }
0x4f: {  	_ =	shalt  }
0x50: {  	_ =	shalt  }
0x51: {  	_ =	shalt  }
0x52: {  	_ =	shalt  }
0x53: {  	_ =	shalt  }
0x54: {  	_ =	shalt  }
0x55: {  	_ =	shalt  }
0x56: {  	_ =	shalt  }
0x57: {  	_ =	shalt  }
0x58: {  	_ =	shalt  }
0x59: {  	_ =	shalt  }
0x5a: {  	_ =	shalt  }
0x5b: {  	_ =	shalt  }
0x5c: {  	_ =	shalt  }
0x5d: {  	_ =	shalt  }
0x5e: {  	_ =	shalt  }
0x5f: {  	_ =	shalt  }
0x60: {  	_ =	shalt  }
0x61: {  	_ =	shalt  }
0x62: {  	_ =	shalt  }
0x63: {  	_ =	shalt  }
0x64: {  	_ =	shalt  }
0x65: {  	_ =	shalt  }
0x66: {  	_ =	shalt  }
0x67: {  	_ =	shalt  }
0x68: {  	_ =	shalt  }
0x69: {  	_ =	shalt  }
0x6a: {  	_ =	shalt  }
0x6b: {  	_ =	shalt  }
0x6c: {  	_ =	shalt  }
0x6d: {  	_ =	shalt  }
0x6e: {  	_ =	shalt  }
0x6f: {  	_ =	shalt  }
0x70: {  	_ =	shalt  }
0x71: {  	_ =	shalt  }
0x72: {  	_ =	shalt  }
0x73: {  	_ =	shalt  }
0x74: {  	_ =	shalt  }
0x75: {  	_ =	shalt  }
0x76: {  	_ =	shalt  }
0x77: {  	_ =	shalt  }
0x78: {  	_ =	shalt  }
0x79: {  	_ =	shalt  }
0x7a: {  	_ =	shalt  }
0x7b: {  	_ =	shalt  }
0x7c: {  	_ =	shalt  }
0x7d: {  	_ =	shalt  }
0x7e: {  	_ =	shalt  }
0x7f: {  	_ =	shalt  }
0x80: {  	_ =	shalt  }
0x81: {  	_ =	shalt  }
0x82: {  	_ =	shalt  }
0x83: {  	_ =	shalt  }
0x84: {  	_ =	shalt  }
0x85: {  	_ =	shalt  }
0x86: {  	_ =	shalt  }
0x87: {  	_ =	shalt  }
.Lfunc_end0:
.L_simem_size_0:
called_computation.4_lowered:
.L_overlay_start_0:
0x88: {  	s2 =	sld [smem:$0x3FD9]  }
0x89: {  	s3 =	sld [smem:$0x3FFE];
	_ =	sdelay $0x1  }
0x8a: {  	s1 =	srdreg.scid  }
0x8b: {  	s0 =	sand.u32 $0x1, s1  }
0x8c: {  	s17 =	sshll.u32 s0, $0xA;
	s2 =	sadd.s32 s3, s2  }
0x8d: {  	s2 =	sadd.s32 s2, s17  }
0x8e: {  	[smem:$0x3FC4] =	sst s2  }
0x8f: {  	_ = 	snop  }
0x90: {  	s2 =	sld [smem:$0x3FD0];
	(tm) =	ssettm $0x1  }
0x91: {  	s18 =	sld [smem:$0x3FFB];
	_ =	sdelay $0x3  }
0x92: {  	_ =	strace s18  }
0x93: {  	s3 =	sld [smem:$0x3FFC];
	_ =	sdelay $0x3  }
0x94: {  	_ =	strace s3  }
0x95: {  	s3 =	sld [smem:$0x3FFD];
	_ =	sdelay $0x3  }
0x96: {  	_ =	strace s3  }
0x97: {  	_ =	strace $0x8FFFFFFF  }
0x98: {  	s19 =	sld [smem:$0x3FDB];
	_ =	sdelay $0x1  }
0x99: {  	s4 =	simm.s32 $_scs_section_size  }
0x9a: {  	s5 =	simm.s32 $_size__tile_overlayer_lowered;
	s6 =	simm.s32 $_tile_overlayer_lowered  }
0x9b: {  	s22 =	simm.s32 $0x1BFF;
	s21 =	sshll.u32 s6, $0x1;
	s3 =	sadd.s32 s4, s19  }
0x9c: {  	s7 =	simm.s32 $0x0;
	s20 =	sshll.u32 s5, $0x1;
	s5 =	sadd.s32 s21, s3  }
0x9d: {  	[timem:s7], [sflag:s22] =	dma.local [hbm:s5], s20  }
0x9e: {  	_ =	swait.ge [sflag:s22], s20  }
0x9f: {  	s4 =	ssub.s32 $0x0, s20;
	[sflag:s22] =	ssyncset.done $0x0  }
0xa0: {  	[sflag:s22] =	ssyncadd.s32 s4;
	_ =	sdelay $0x1  }
0xa1: {  	s23 =	simm.s32 $0x1B8B  }
0xa2: {  	_ =	swait.ge [sflag:s23], $0x1  }
0xa3: {  	[sflag:s23] =	ssyncset.done $0x0  }
0xa4: {  	s25 =	simm.s32 $0x1B8E;
	s24 =	sld [smem:$0x3FFE];
	[sflag:s23] =	ssyncadd.s32 $0xFFFFFFFF  }
0xa5: {  	s26 =	simm.s32 $execute0_lowered;
	[smem:$0x3FD2] =	sst s25  }
0xa6: {  	s5 =	sshll.u32 s26, $0x1;
	_ =	strace $0x8000004C;
	[dreg:$0x1] =	wrdreg $0xFFFFFFFF  }
0xa7: {  	s28 =	simm.s32 $_size_execute0_lowered;
	s3 =	sadd.s32 s3, s5;
	[dreg:$0x0] =	wrdreg $0x0  }
0xa8: {  	s5 =	sshll.u32 s28, $0x1;
	[dreg:$0x2] =	wrdreg s3  }
0xa9: {  	[dreg:$0x3] =	wrdreg s5  }
0xaa: {  	[dreg:$0x4] =	wrdreg $0xC0  }
0xab: {  	_ =	task [dreg:s7], $0x5FFFF  }
0xac: {  	[dreg:$0x1] =	wrdreg $0xFFFFFFFF  }
0xad: {  	[dreg:$0x0] =	wrdreg $0x60  }
0xae: {  	[dreg:$0x2] =	wrdreg s24  }
0xaf: {  	[dreg:$0x3] =	wrdreg s2  }
0xb0: {  	[dreg:$0x4] =	wrdreg $0x9  }
0xb1: {  	_ =	task.clear_ibuf [dreg:s7], $0x5FFFF;
	_ =	strace $0x9000004C  }
0xb2: {  	s29 =	simm.s32 $0x9;
	_ =	strace $0x8000004E  }
0xb3: {  	_ =	swait.ge [sflag:s29], $0x1  }
0xb4: {  	[sflag:s29] =	ssyncadd.s32 $0xFFFFFFFF  }
0xb5: {  	_ =	strace $0x9000004E  }
0xb6: {  	_ =	sfence  }
0xb7: {  	s30 =	sld [smem:$0x0];
	_ =	sdelay $0x2  }
0xb8: {  	s31 =	sshll.u32 s1, $0xD;
	s1 =	sshrl.u32 s1, $0x2  }
0xb9: {  	s3 =	sand.u32 $0x4000, s31;
	s1 =	sadd.s32 s1, s30  }
0xba: {  	s0 =	sor.u32 s3, s0;
	s1 =	sshll.u32 s1, $0x11  }
0xbb: {  	s0 =	sor.u32 s1, s0  }
0xbc: {  	s0 =	sadd.s32 $0x8F2B, s0  }
0xbd: {  	[sflag:s0] =	ssyncadd.remote.s32 $0x1  }
0xbe: {  	_ =	sfence.sel $0xFFFF  }
0xbf: {  	[dreg:$0x0] =	wrdreg $0xFFFFFFFF;
	(pc) =	sbr.abs _section_cstart, $3  }
0xc0: {  	[dreg:$0x1] =	wrdreg $0xFFFFFFFF  }
0xc1: {  	_ =	task.clear_ibuf [dreg:s7], $0x2FFFF;
	_ =	strace $0x9FFFFFFF  }
0xc2: {  	(tm) =	ssettm $0x7FFFFFFF  }
0xc3: {  	_ =	shalt  }
tec
execute0_lowered:
.L_overlay_start_1:
0x0: {  	(tag) =	ssettag $0x1  }
0x1: {  	s4 =	rddreg [dreg:$0x0]  }
0x2: {  	s1 =	rddreg [dreg:$0x1]  }
0x3: {  	s0 =	rddreg [dreg:$0x2];
	s2 =	simm.s32 $0x0;
	s5 =	srdreg.scid  }
0x4: {  	s13 =	simm.s32 $0x2080;
	s14 =	simm.s32 $0x4080;
	s15 =	simm.s32 $0x6080  }
0x5: {  	s16 =	simm.s32 $0x8080;
	s17 =	simm.s32 $0xA080;
	s18 =	simm.s32 $0xC080  }
0x6: {  	s19 =	simm.s32 $0xE080;
	s20 =	simm.s32 $0x10080;
	s21 =	simm.s32 $0x1  }
0x7: {  	s22 =	simm.s32 $0x400;
	s23 =	simm.s32 $0x2400;
	s24 =	simm.s32 $0x0  }
0x8: {  	[smem:$0x7FF] =	sst s2;
	s3 =	sadd.s32 $0x2000, s4;
	s5 =	sand.u32 $0x1, s5  }
0x9: {  	s6 =	sadd.s32 $0x8DC00, s4;
	_ =	strace $0x8000004D;
	[dreg:$0x3] =	wrdreg s3  }
0xa: {  	s9 =	sadd.s32 $0x106400, s4;
	s26 =	sadd.s32 $0x2A000, s4;
	[dreg:$0x4] =	wrdreg s6  }
0xb: {  	s28 =	sadd.s32 $0x52000, s4;
	s29 =	sadd.s32 $0xB5C00, s4;
	[dreg:$0x5] =	wrdreg s26  }
0xc: {  	s3 =	stileid.u32;
	s8 =	ssub.s32 $0x2, s5;
	[dreg:$0x6] =	wrdreg s28  }
0xd: {  	s11 =	smul.u32 $0x90000, s5;
	s12 =	sshll.u32 s5, $0x6;
	[dreg:$0x7] =	wrdreg s29  }
0xe: {  	s5 =	sadd.s32 $0x50000, s1;
	s7 =	sshll.u32 s3, $0x7;
	s25 =	sshrl.u32 s8, $0x1  }
0xf: {  	s10 =	smul.u32 $0x120000, s3;
	s7 =	sadd.s32 s7, s4;
	s4 =	sadd.s32 $0xDDC00, s4  }
0x10: {  	s6 =	ssub.s32 s8, s25;
	[dreg:$0x8] =	wrdreg s4;
	s4 =	sadd.s32 $0x28000, s1  }
0x11: {  	s30 =	sadd.s32 s11, s10;
	s6 =	smax.u32 s6, $0x1;
	s31 =	sadd.s32 s12, s7  }
0x12: {  	s11 =	simm.s32 $0x40;
	s10 =	sor.u32 $0x2000, s30;
	s8 =	sshrl.u32 s30, $0x3  }
0x13: {  	s12 =	simm.s32 $0x80;
	s10 =	sshrl.u32 s10, $0x3;
	s7 =	sadd.s32 s8, s9  }
0x14: {  	s8 =	sadd.s32 s10, s9;
	s9 =	sadd.s32 $0x105C00, s31;
	s10 =	simm.s32 $0x2  }
.LBB2_1:
0x15: {  	[tilespmem:s2], [sflag:$0x2] =	stream.linear.gather [hbm4b:s9+s2], $0x40, $0x38;
	[tilespmem:$0x12080] =	vst v63  }
0x16: {  	_ =	swait.ge [sflag:s10], $0x40  }
0x17: {  	[sflag:s10] =	ssyncset.done $0x0  }
0x18: {  	s25 =	rddreg [dreg:$0x3];
	[sflag:s10] =	ssyncadd.s32 $0xFFFFFFC0  }
0x19: {  	[tilespmem:s12], [sflag:$0x1] =	stream.indirect.gather [hbm4b:s25+s11], $0x80, s2, s11, $0xb8;
	[tilespmem:$0x12080] =	vst v63  }
0x1a: {  	s26 =	rddreg [dreg:$0x5]  }
0x1b: {  	[tilespmem:s13], [sflag:$0x1] =	stream.indirect.gather [hbm4b:s26+s11], $0x80, s2, s11, $0xb8;
	[tilespmem:$0x12080] =	vst v63  }
0x1c: {  	s29 =	rddreg [dreg:$0x6]  }
0x1d: {  	[tilespmem:s14], [sflag:$0x1] =	stream.indirect.gather [hbm4b:s29+s11], $0x80, s2, s11, $0xb8;
	[tilespmem:$0x12080] =	vst v63  }
0x1e: {  	s30 =	rddreg [dreg:$0x4]  }
0x1f: {  	[tilespmem:s15], [sflag:$0x1] =	stream.indirect.gather [hbm4b:s30+s11], $0x80, s2, s11, $0xb8;
	[tilespmem:$0x12080] =	vst v63  }
0x20: {  	s31 =	rddreg [dreg:$0x7]  }
0x21: {  	[tilespmem:s16], [sflag:$0x1] =	stream.indirect.gather [hbm4b:s31+s11], $0x80, s2, s11, $0xb8;
	[tilespmem:$0x12080] =	vst v63  }
0x22: {  	s28 =	rddreg [dreg:$0x8]  }
0x23: {  	[tilespmem:s17], [sflag:$0x1] =	stream.indirect.gather [hbm4b:s28+s11], $0x80, s2, s11, $0xb8;
	[tilespmem:$0x12080] =	vst v63  }
0x24: {  	_ = 	snop  }
0x25: {  	[tilespmem:s18], [sflag:$0x1] =	stream.indirect.gather [hbm4b:s1+s11], $0x80, s2, s11, $0xb8;
	[tilespmem:$0x12080] =	vst v63  }
0x26: {  	_ = 	snop  }
0x27: {  	[tilespmem:s19], [sflag:$0x1] =	stream.indirect.gather [hbm4b:s4+s11], $0x80, s2, s11, $0xb8;
	[tilespmem:$0x12080] =	vst v63  }
0x28: {  	_ = 	snop  }
0x29: {  	[tilespmem:s20], [sflag:$0x1] =	stream.indirect.gather [hbm4b:s5+s11], $0x80, s2, s11, $0xb8;
	[tilespmem:$0x12080] =	vst v63  }
0x2a: {  	_ =	swait.ge [sflag:s21], $0x2000  }
0x2b: {  	[sflag:s21] =	ssyncset.done $0x0  }
0x2c: {  	[sflag:s21] =	ssyncadd.s32 $0xFFFFE000  }
0x2d: {  	_ =	swait.ge [sflag:s21], $0x2000  }
0x2e: {  	[sflag:s21] =	ssyncset.done $0x0  }
0x2f: {  	[sflag:s21] =	ssyncadd.s32 $0xFFFFE000  }
0x30: {  	_ =	swait.ge [sflag:s21], $0x2000  }
0x31: {  	[sflag:s21] =	ssyncset.done $0x0  }
0x32: {  	[sflag:s21] =	ssyncadd.s32 $0xFFFFE000  }
0x33: {  	_ =	swait.ge [sflag:s21], $0x2000  }
0x34: {  	[sflag:s21] =	ssyncset.done $0x0  }
0x35: {  	[sflag:s21] =	ssyncadd.s32 $0xFFFFE000  }
0x36: {  	_ =	swait.ge [sflag:s21], $0x2000  }
0x37: {  	[sflag:s21] =	ssyncset.done $0x0  }
0x38: {  	[sflag:s21] =	ssyncadd.s32 $0xFFFFE000  }
0x39: {  	_ =	swait.ge [sflag:s21], $0x2000  }
0x3a: {  	[sflag:s21] =	ssyncset.done $0x0  }
0x3b: {  	[sflag:s21] =	ssyncadd.s32 $0xFFFFE000  }
0x3c: {  	_ =	swait.ge [sflag:s21], $0x2000  }
0x3d: {  	[sflag:s21] =	ssyncset.done $0x0  }
0x3e: {  	[sflag:s21] =	ssyncadd.s32 $0xFFFFE000  }
0x3f: {  	_ =	swait.ge [sflag:s21], $0x2000  }
0x40: {  	[sflag:s21] =	ssyncset.done $0x0  }
0x41: {  	[sflag:s21] =	ssyncadd.s32 $0xFFFFE000  }
0x42: {  	_ =	swait.ge [sflag:s21], $0x2000  }
0x43: {  	[sflag:s21] =	ssyncset.done $0x0  }
0x44: {  	s25 =	sadd.s32 $0x0, s7;
	[sflag:s21] =	ssyncadd.s32 $0xFFFFE000  }
0x45: {  	[hbm4b:s25+s22] =	stream.strided.scatter [tilespmem:s12], [sflag:$0x2], $0x2000, s23, s22, $0x38;
	[tilespmem:$0x12080] =	vst v63  }
0x46: {  	_ =	swait.ge [sflag:s10], $0x2000  }
0x47: {  	[sflag:s10] =	ssyncset.done $0x0  }
0x48: {  	s29 =	sadd.s32 $0x80, s25;
	[sflag:s10] =	ssyncadd.s32 $0xFFFFE000  }
0x49: {  	[hbm4b:s29+s22] =	stream.strided.scatter [tilespmem:s13], [sflag:$0x2], $0x2000, s23, s22, $0x38;
	[tilespmem:$0x12080] =	vst v63  }
0x4a: {  	_ =	swait.ge [sflag:s10], $0x2000  }
0x4b: {  	[sflag:s10] =	ssyncset.done $0x0  }
0x4c: {  	s30 =	sadd.s32 $0x100, s25;
	[sflag:s10] =	ssyncadd.s32 $0xFFFFE000  }
0x4d: {  	[hbm4b:s30+s22] =	stream.strided.scatter [tilespmem:s14], [sflag:$0x2], $0x2000, s23, s22, $0x38;
	[tilespmem:$0x12080] =	vst v63  }
0x4e: {  	_ =	swait.ge [sflag:s10], $0x2000  }
0x4f: {  	[sflag:s10] =	ssyncset.done $0x0  }
0x50: {  	s31 =	sadd.s32 $0x180, s25;
	[sflag:s10] =	ssyncadd.s32 $0xFFFFE000  }
0x51: {  	[hbm4b:s31+s22] =	stream.strided.scatter [tilespmem:s15], [sflag:$0x2], $0x2000, s23, s22, $0x38;
	[tilespmem:$0x12080] =	vst v63  }
0x52: {  	_ =	swait.ge [sflag:s10], $0x2000  }
0x53: {  	[sflag:s10] =	ssyncset.done $0x0  }
0x54: {  	s28 =	sadd.s32 $0x200, s25;
	[sflag:s10] =	ssyncadd.s32 $0xFFFFE000  }
0x55: {  	[hbm4b:s28+s22] =	stream.strided.scatter [tilespmem:s16], [sflag:$0x2], $0x2000, s23, s22, $0x38;
	[tilespmem:$0x12080] =	vst v63  }
0x56: {  	_ =	swait.ge [sflag:s10], $0x2000  }
0x57: {  	[sflag:s10] =	ssyncset.done $0x0  }
0x58: {  	s29 =	sadd.s32 $0x280, s25;
	[sflag:s10] =	ssyncadd.s32 $0xFFFFE000  }
0x59: {  	[hbm4b:s29+s22] =	stream.strided.scatter [tilespmem:s17], [sflag:$0x2], $0x2000, s23, s22, $0x38;
	[tilespmem:$0x12080] =	vst v63  }
0x5a: {  	_ =	swait.ge [sflag:s10], $0x2000  }
0x5b: {  	[sflag:s10] =	ssyncset.done $0x0  }
0x5c: {  	s30 =	sadd.s32 $0x300, s25;
	[sflag:s10] =	ssyncadd.s32 $0xFFFFE000  }
0x5d: {  	[hbm4b:s30+s22] =	stream.strided.scatter [tilespmem:s18], [sflag:$0x2], $0x2000, s23, s22, $0x38;
	[tilespmem:$0x12080] =	vst v63  }
0x5e: {  	_ =	swait.ge [sflag:s10], $0x2000  }
0x5f: {  	[sflag:s10] =	ssyncset.done $0x0  }
0x60: {  	s25 =	sadd.s32 $0x380, s25;
	[sflag:s10] =	ssyncadd.s32 $0xFFFFE000  }
0x61: {  	[hbm4b:s25+s22] =	stream.strided.scatter [tilespmem:s19], [sflag:$0x2], $0x2000, s23, s22, $0x38;
	[tilespmem:$0x12080] =	vst v63  }
0x62: {  	_ =	swait.ge [sflag:s10], $0x2000  }
0x63: {  	[sflag:s10] =	ssyncset.done $0x0  }
0x64: {  	s31 =	sadd.s32 $0x0, s8;
	[sflag:s10] =	ssyncadd.s32 $0xFFFFE000  }
0x65: {  	[hbm4b:s31+s22] =	stream.strided.scatter [tilespmem:s20], [sflag:$0x2], $0x2000, s23, s22, $0x38;
	[tilespmem:$0x12080] =	vst v63  }
0x66: {  	_ =	swait.ge [sflag:s10], $0x2000  }
0x67: {  	s26 =	smov.u32 s9;
	s25 =	simm.s32 $0x2400;
	[sflag:s10] =	ssyncset.done $0x0  }
.LBB2_2:
0x68: {  	[sflag:s10] =	ssyncadd.s32 $0xFFFFE000;
	s26 =	sadd.s32 $0x8, s26  }
0x69: {  	[tilespmem:s2], [sflag:$0x2] =	stream.linear.gather [hbm4b:s26+s2], $0x40, $0x38;
	[tilespmem:$0x12080] =	vst v63  }
0x6a: {  	_ =	swait.ge [sflag:s10], $0x40  }
0x6b: {  	[sflag:s10] =	ssyncset.done $0x0  }
0x6c: {  	s29 =	rddreg [dreg:$0x3];
	[sflag:s10] =	ssyncadd.s32 $0xFFFFFFC0  }
0x6d: {  	[tilespmem:s12], [sflag:$0x1] =	stream.indirect.gather [hbm4b:s29+s11], $0x80, s2, s11, $0xb8;
	[tilespmem:$0x12080] =	vst v63  }
0x6e: {  	s30 =	rddreg [dreg:$0x5]  }
0x6f: {  	[tilespmem:s13], [sflag:$0x1] =	stream.indirect.gather [hbm4b:s30+s11], $0x80, s2, s11, $0xb8;
	[tilespmem:$0x12080] =	vst v63  }
0x70: {  	s29 =	rddreg [dreg:$0x6]  }
0x71: {  	[tilespmem:s14], [sflag:$0x1] =	stream.indirect.gather [hbm4b:s29+s11], $0x80, s2, s11, $0xb8;
	[tilespmem:$0x12080] =	vst v63  }
0x72: {  	s31 =	rddreg [dreg:$0x4]  }
0x73: {  	[tilespmem:s15], [sflag:$0x1] =	stream.indirect.gather [hbm4b:s31+s11], $0x80, s2, s11, $0xb8;
	[tilespmem:$0x12080] =	vst v63  }
0x74: {  	s29 =	rddreg [dreg:$0x7]  }
0x75: {  	[tilespmem:s16], [sflag:$0x1] =	stream.indirect.gather [hbm4b:s29+s11], $0x80, s2, s11, $0xb8;
	[tilespmem:$0x12080] =	vst v63  }
0x76: {  	s31 =	rddreg [dreg:$0x8]  }
0x77: {  	[tilespmem:s17], [sflag:$0x1] =	stream.indirect.gather [hbm4b:s31+s11], $0x80, s2, s11, $0xb8;
	[tilespmem:$0x12080] =	vst v63  }
0x78: {  	_ = 	snop  }
0x79: {  	[tilespmem:s18], [sflag:$0x1] =	stream.indirect.gather [hbm4b:s1+s11], $0x80, s2, s11, $0xb8;
	[tilespmem:$0x12080] =	vst v63  }
0x7a: {  	_ = 	snop  }
0x7b: {  	[tilespmem:s19], [sflag:$0x1] =	stream.indirect.gather [hbm4b:s4+s11], $0x80, s2, s11, $0xb8;
	[tilespmem:$0x12080] =	vst v63  }
0x7c: {  	_ = 	snop  }
0x7d: {  	[tilespmem:s20], [sflag:$0x1] =	stream.indirect.gather [hbm4b:s5+s11], $0x80, s2, s11, $0xb8;
	[tilespmem:$0x12080] =	vst v63  }
0x7e: {  	_ =	swait.ge [sflag:s21], $0x2000  }
0x7f: {  	[sflag:s21] =	ssyncset.done $0x0  }
0x80: {  	[sflag:s21] =	ssyncadd.s32 $0xFFFFE000  }
0x81: {  	_ =	swait.ge [sflag:s21], $0x2000  }
0x82: {  	[sflag:s21] =	ssyncset.done $0x0  }
0x83: {  	[sflag:s21] =	ssyncadd.s32 $0xFFFFE000  }
0x84: {  	_ =	swait.ge [sflag:s21], $0x2000  }
0x85: {  	[sflag:s21] =	ssyncset.done $0x0  }
0x86: {  	[sflag:s21] =	ssyncadd.s32 $0xFFFFE000  }
0x87: {  	_ =	swait.ge [sflag:s21], $0x2000  }
0x88: {  	[sflag:s21] =	ssyncset.done $0x0  }
0x89: {  	[sflag:s21] =	ssyncadd.s32 $0xFFFFE000  }
0x8a: {  	_ =	swait.ge [sflag:s21], $0x2000  }
0x8b: {  	[sflag:s21] =	ssyncset.done $0x0  }
0x8c: {  	[sflag:s21] =	ssyncadd.s32 $0xFFFFE000  }
0x8d: {  	_ =	swait.ge [sflag:s21], $0x2000  }
0x8e: {  	[sflag:s21] =	ssyncset.done $0x0  }
0x8f: {  	[sflag:s21] =	ssyncadd.s32 $0xFFFFE000  }
0x90: {  	_ =	swait.ge [sflag:s21], $0x2000  }
0x91: {  	[sflag:s21] =	ssyncset.done $0x0  }
0x92: {  	[sflag:s21] =	ssyncadd.s32 $0xFFFFE000  }
0x93: {  	_ =	swait.ge [sflag:s21], $0x2000  }
0x94: {  	[sflag:s21] =	ssyncset.done $0x0  }
0x95: {  	[sflag:s21] =	ssyncadd.s32 $0xFFFFE000  }
0x96: {  	_ =	swait.ge [sflag:s21], $0x2000  }
0x97: {  	s28 =	smov.u32 s25;
	[sflag:s21] =	ssyncset.done $0x0  }
0x98: {  	s29 =	sadd.s32 s28, s7;
	[sflag:s21] =	ssyncadd.s32 $0xFFFFE000  }
0x99: {  	[hbm4b:s29+s22] =	stream.strided.scatter [tilespmem:s12], [sflag:$0x2], $0x2000, s23, s22, $0x38;
	[tilespmem:$0x12080] =	vst v63  }
0x9a: {  	_ =	swait.ge [sflag:s10], $0x2000  }
0x9b: {  	[sflag:s10] =	ssyncset.done $0x0  }
0x9c: {  	s31 =	sadd.s32 $0x80, s29;
	[sflag:s10] =	ssyncadd.s32 $0xFFFFE000  }
0x9d: {  	[hbm4b:s31+s22] =	stream.strided.scatter [tilespmem:s13], [sflag:$0x2], $0x2000, s23, s22, $0x38;
	[tilespmem:$0x12080] =	vst v63  }
0x9e: {  	_ =	swait.ge [sflag:s10], $0x2000  }
0x9f: {  	[sflag:s10] =	ssyncset.done $0x0  }
0xa0: {  	s31 =	sadd.s32 $0x100, s29;
	[sflag:s10] =	ssyncadd.s32 $0xFFFFE000  }
0xa1: {  	[hbm4b:s31+s22] =	stream.strided.scatter [tilespmem:s14], [sflag:$0x2], $0x2000, s23, s22, $0x38;
	[tilespmem:$0x12080] =	vst v63  }
0xa2: {  	_ =	swait.ge [sflag:s10], $0x2000  }
0xa3: {  	[sflag:s10] =	ssyncset.done $0x0  }
0xa4: {  	s31 =	sadd.s32 $0x180, s29;
	[sflag:s10] =	ssyncadd.s32 $0xFFFFE000  }
0xa5: {  	[hbm4b:s31+s22] =	stream.strided.scatter [tilespmem:s15], [sflag:$0x2], $0x2000, s23, s22, $0x38;
	[tilespmem:$0x12080] =	vst v63  }
0xa6: {  	_ =	swait.ge [sflag:s10], $0x2000  }
0xa7: {  	[sflag:s10] =	ssyncset.done $0x0  }
0xa8: {  	s31 =	sadd.s32 $0x200, s29;
	[sflag:s10] =	ssyncadd.s32 $0xFFFFE000  }
0xa9: {  	[hbm4b:s31+s22] =	stream.strided.scatter [tilespmem:s16], [sflag:$0x2], $0x2000, s23, s22, $0x38;
	[tilespmem:$0x12080] =	vst v63  }
0xaa: {  	_ =	swait.ge [sflag:s10], $0x2000  }
0xab: {  	[sflag:s10] =	ssyncset.done $0x0  }
0xac: {  	s31 =	sadd.s32 $0x280, s29;
	[sflag:s10] =	ssyncadd.s32 $0xFFFFE000  }
0xad: {  	[hbm4b:s31+s22] =	stream.strided.scatter [tilespmem:s17], [sflag:$0x2], $0x2000, s23, s22, $0x38;
	[tilespmem:$0x12080] =	vst v63  }
0xae: {  	_ =	swait.ge [sflag:s10], $0x2000  }
0xaf: {  	[sflag:s10] =	ssyncset.done $0x0  }
0xb0: {  	s31 =	sadd.s32 $0x300, s29;
	[sflag:s10] =	ssyncadd.s32 $0xFFFFE000  }
0xb1: {  	[hbm4b:s31+s22] =	stream.strided.scatter [tilespmem:s18], [sflag:$0x2], $0x2000, s23, s22, $0x38;
	[tilespmem:$0x12080] =	vst v63  }
0xb2: {  	_ =	swait.ge [sflag:s10], $0x2000  }
0xb3: {  	[sflag:s10] =	ssyncset.done $0x0  }
0xb4: {  	s29 =	sadd.s32 $0x380, s29;
	[sflag:s10] =	ssyncadd.s32 $0xFFFFE000  }
0xb5: {  	[hbm4b:s29+s22] =	stream.strided.scatter [tilespmem:s19], [sflag:$0x2], $0x2000, s23, s22, $0x38;
	[tilespmem:$0x12080] =	vst v63  }
0xb6: {  	p0 =	sne.s32 s25, $0xFC00;
	_ =	swait.ge [sflag:s10], $0x2000  }
.Ltmp0:
0xb7: {  	[sflag:s10] =	ssyncset.done $0x0;
	(pc) =	sbr.rel @p0 .LBB2_2-.Ltmp0, $4  }
0xb8: {  	s28 =	sadd.s32 s28, s8;
	[sflag:s10] =	ssyncadd.s32 $0xFFFFE000  }
0xb9: {  	[hbm4b:s28+s22] =	stream.strided.scatter [tilespmem:s20], [sflag:$0x2], $0x2000, s23, s22, $0x38;
	[tilespmem:$0x12080] =	vst v63  }
0xba: {  	_ =	swait.ge [sflag:s10], $0x2000  }
0xbb: {  	s25 =	sadd.s32 $0x2400, s25;
	[sflag:s10] =	ssyncset.done $0x0  }
0xbc: {  	s24 =	sadd.s32 $0x1, s24  }
0xbd: {  	p0 =	sne.s32 s24, s6  }
.Ltmp1:
0xbe: {  	_ = 	snop;
	(pc) =	sbr.rel @p0 .LBB2_1-.Ltmp1, $2  }
0xbf: {  	_ =	sdelay $0x2  }
0xc0: {  	[sflag:s10] =	ssyncadd.s32 $0xFFFFE000  }
0xc1: {  	_ =	sfence.sel $0x180000  }
0xc2: {  	[bflag:$0x0] =	sbarrier.arrive $0xFFFF  }
0xc3: {  	p0 =	sne.s32 s3, $0x0;
	_ =	strace $0x9000004D  }
0xc4: {  	s0 =	sadd.s32 @!p0 $0x100000, s0;
	[bflag:$0x2] =	sbarrier.arrive $0xFFFF  }
0xc5: {  	[sflag:s0] =	ssyncadd.tile.s32 @!p0 $0x1;
	_ =	shalt  }
.Lfunc_end2:
_tile_overlayer_lowered:
.L_overlay_start_2:
0xc6: {  	(tag) =	ssettag $0x2  }
0xc7: {  	s0 =	rddreg [dreg:$0x0];
	s2 =	stileid.u32  }
0xc8: {  	s1 =	rddreg [dreg:$0x1];
	p0 =	sne.s32 s2, $0x0  }
0xc9: {  	s3 =	rddreg [dreg:$0x2];
	[bflag:$0x3] =	sbarrier.arrive $0xFFFF;
	s2 =	simm.s32 @!p0 $0x1C02  }
0xca: {  	[timem:s3], [sflag:s2] =	dma.local @!p0 [hbm:s0], s1  }
0xcb: {  	s0 =	simm.s32 @!p0 $0x2  }
0xcc: {  	_ =	swait.ge @!p0 [sflag:s0], s1  }
0xcd: {  	s1 =	ssub.s32 @!p0 $0x0, s1;
	[sflag:s0] =	ssyncset.done @!p0 $0x0  }
0xce: {  	[sflag:s0] =	ssyncadd.s32 @!p0 s1  }
0xcf: {  	[bflag:$0x3] =	sbarrier.arrive $0xFFFF  }
0xd0: {  	_ =	shalt  }

// kernel: kernel.8.cloned.1.call-start
scs
__scs_entry_jumppad:
0x0: {  	(pc) =	sbr.rel $0x88, $3  }
0x1: {  	(tag) =	ssettag $0x0;
	lr =	simm.s32 $0x1  }
0x2: {  	[smem:$0x3F9D] =	sst lr;
	_ =	strace $0xD0000000  }
0x3: {  	_ = 	snop  }
0x4: {  	_ = 	snop  }
0x5: {  	_ = 	snop  }
0x6: {  	_ = 	snop  }
0x7: {  	_ = 	snop  }
__scs_overlays_trampoline_lowered:
0x8: {  	[smem:$0x3FAC] =	sst s0  }
0x9: {  	[smem:$0x3FAD] =	sst s1  }
0xa: {  	[smem:$0x3FAE] =	sst s2  }
0xb: {  	[smem:$0x3FAF] =	sst s3  }
0xc: {  	[smem:$0x3FB0] =	sst s4  }
0xd: {  	[smem:$0x3FB1] =	sst s5  }
0xe: {  	[smem:$0x3FB2] =	sst s6  }
0xf: {  	[smem:$0x3FB3] =	sst s7  }
0x10: {  	[smem:$0x3FB4] =	sst s8  }
0x11: {  	[smem:$0x3FB5] =	sst s9;
	s0 =	simm.s32 @!p0 $0x0  }
0x12: {  	s1 =	sld [smem:$0x3F9B];
	s0 =	simm.s32 @p0 $0x1  }
0x13: {  	[smem:$0x3FB6] =	sst s0;
	s0 =	simm.s32 @!p1 $0x0  }
0x14: {  	s2 =	sld [smem:$0x3F9A];
	s0 =	simm.s32 @p1 $0x1  }
0x15: {  	[smem:$0x3FB7] =	sst s0;
	s0 =	simm.s32 @!p2 $0x0  }
0x16: {  	s3 =	sld [smem:$0x3FDB];
	s0 =	simm.s32 @p2 $0x1  }
0x17: {  	s4 =	simm.s32 $0x1BF5;
	[smem:$0x3FB9] =	sst s0  }
0x18: {  	s0 =	sld [smem:$0x3F9C];
	_ =	swait.ge [sflag:s4], $0x0  }
0x19: {  	s7 =	sld [smem:$0x3F9D]  }
0x1a: {  	s8 =	sadd.s32 $0xFFFFE003, lr  }
0x1b: {  	s9 =	sadd.s32 $0xFFFFFEF7, lr;
	s5 =	simm.s32 $0xFFFFFFFF;
	p2 =	slt.u32 s8, $0xFFFFF086  }
0x1c: {  	p1 =	slt.u32 s9, $0xF7A;
	s5 =	simm.s32 @!p2 $0x0  }
0x1d: {  	s5 =	simm.s32 @p1 $0x1;
	p0 =	seq.s32 s7, s2  }
0x1e: {  	s7 =	smul.u32 @!p0 $0xF7A, s2;
	p2 =	seq.s32 @!p0 s5, $0x0  }
0x1f: {  	s9 =	smul.u32 $0xF7A, s1;
	s8 =	simm.s32 @!p0 $0x1BF5;
	p2 =	por !p2, p0  }
0x20: {  	[sflag:s8] =	ssyncset.s32 @!p0 $0xFFFFF086;
	s6 =	sadd.s32 @!p0 s3, s7;
	s7 =	simm.s32 @!p0 $0x108  }
0x21: {  	s3 =	sadd.s32 s3, s9;
	s6 =	sadd.s32 @!p0 $0x88, s6;
	s7 =	simm.s32 @p2 $0x1082  }
0x22: {  	[simem:s7], [sflag:s8] =	dma.local @!p0 [hbm:s6], $0xF7A  }
0x23: {  	s9 =	sor.u32 $0xD0000000, s2;
	s6 =	simm.s32 $0x108;
	_ =	swait.ge @!p0 [sflag:s8], $0x0  }
0x24: {  	s3 =	sadd.s32 $0x88, s3;
	s6 =	simm.s32 @!p1 $0x1082;
	[sflag:s4] =	ssyncset.s32 $0xFFFFF086  }
0x25: {  	[simem:s6], [sflag:s4] =	dma.local [hbm:s3], $0xF7A  }
0x26: {  	[smem:$0x3F9D] =	sst s1;
	(tag) =	ssettag s2;
	_ =	strace s9  }
0x27: {  	s1 =	sld [smem:$0x3FAD]  }
0x28: {  	s2 =	sld [smem:$0x3FAE]  }
0x29: {  	s4 =	sld [smem:$0x3FB0]  }
0x2a: {  	p0 =	seq.s32 s5, $0x0;
	s5 =	sld [smem:$0x3FB1]  }
0x2b: {  	s6 =	sld [smem:$0x3FB2]  }
0x2c: {  	s7 =	sld [smem:$0x3FB3]  }
0x2d: {  	s3 =	simm.s32 $0x108;
	s8 =	sld [smem:$0x3FB4]  }
0x2e: {  	s3 =	simm.s32 @!p0 $0x1082;
	s9 =	sld [smem:$0x3FB5]  }
0x2f: {  	lr =	sadd.s32 s0, s3;
	s0 =	sld [smem:$0x3FAC]  }
0x30: {  	s3 =	sld [smem:$0x3FAF]  }
0x31: {  	[smem:$0x3FB8] =	sst s10  }
0x32: {  	s10 =	sld [smem:$0x3FB6];
	_ =	sdelay $0x3  }
0x33: {  	p0 =	seq.s32 s10, $0x1;
	s10 =	sld [smem:$0x3FB8];
	_ =	sdelay $0x3  }
0x34: {  	[smem:$0x3FB8] =	sst s10  }
0x35: {  	s10 =	sld [smem:$0x3FB7];
	_ =	sdelay $0x3  }
0x36: {  	p1 =	seq.s32 s10, $0x1;
	s10 =	sld [smem:$0x3FB8];
	_ =	sdelay $0x3  }
0x37: {  	[smem:$0x3FB8] =	sst s10  }
0x38: {  	s10 =	sld [smem:$0x3FB9]  }
0x39: {  	_ = 	snop;
	(pc) =	sbr.ind lr, $3  }
0x3a: {  	_ = 	snop  }
0x3b: {  	_ = 	snop  }
0x3c: {  	p2 =	seq.s32 s10, $0x1;
	s10 =	sld [smem:$0x3FB8]  }
0x3d: {  	_ =	shalt  }
0x3e: {  	_ =	shalt  }
0x3f: {  	_ =	shalt  }
0x40: {  	_ =	shalt  }
0x41: {  	_ =	shalt  }
0x42: {  	_ =	shalt  }
0x43: {  	_ =	shalt  }
0x44: {  	_ =	shalt  }
0x45: {  	_ =	shalt  }
0x46: {  	_ =	shalt  }
0x47: {  	_ =	shalt  }
0x48: {  	_ =	shalt  }
0x49: {  	_ =	shalt  }
0x4a: {  	_ =	shalt  }
0x4b: {  	_ =	shalt  }
0x4c: {  	_ =	shalt  }
0x4d: {  	_ =	shalt  }
0x4e: {  	_ =	shalt  }
0x4f: {  	_ =	shalt  }
0x50: {  	_ =	shalt  }
0x51: {  	_ =	shalt  }
0x52: {  	_ =	shalt  }
0x53: {  	_ =	shalt  }
0x54: {  	_ =	shalt  }
0x55: {  	_ =	shalt  }
0x56: {  	_ =	shalt  }
0x57: {  	_ =	shalt  }
0x58: {  	_ =	shalt  }
0x59: {  	_ =	shalt  }
0x5a: {  	_ =	shalt  }
0x5b: {  	_ =	shalt  }
0x5c: {  	_ =	shalt  }
0x5d: {  	_ =	shalt  }
0x5e: {  	_ =	shalt  }
0x5f: {  	_ =	shalt  }
0x60: {  	_ =	shalt  }
0x61: {  	_ =	shalt  }
0x62: {  	_ =	shalt  }
0x63: {  	_ =	shalt  }
0x64: {  	_ =	shalt  }
0x65: {  	_ =	shalt  }
0x66: {  	_ =	shalt  }
0x67: {  	_ =	shalt  }
0x68: {  	_ =	shalt  }
0x69: {  	_ =	shalt  }
0x6a: {  	_ =	shalt  }
0x6b: {  	_ =	shalt  }
0x6c: {  	_ =	shalt  }
0x6d: {  	_ =	shalt  }
0x6e: {  	_ =	shalt  }
0x6f: {  	_ =	shalt  }
0x70: {  	_ =	shalt  }
0x71: {  	_ =	shalt  }
0x72: {  	_ =	shalt  }
0x73: {  	_ =	shalt  }
0x74: {  	_ =	shalt  }
0x75: {  	_ =	shalt  }
0x76: {  	_ =	shalt  }
0x77: {  	_ =	shalt  }
0x78: {  	_ =	shalt  }
0x79: {  	_ =	shalt  }
0x7a: {  	_ =	shalt  }
0x7b: {  	_ =	shalt  }
0x7c: {  	_ =	shalt  }
0x7d: {  	_ =	shalt  }
0x7e: {  	_ =	shalt  }
0x7f: {  	_ =	shalt  }
0x80: {  	_ =	shalt  }
0x81: {  	_ =	shalt  }
0x82: {  	_ =	shalt  }
0x83: {  	_ =	shalt  }
0x84: {  	_ =	shalt  }
0x85: {  	_ =	shalt  }
0x86: {  	_ =	shalt  }
0x87: {  	_ =	shalt  }
.Lfunc_end0:
.L_simem_size_0:
called_computation.2_lowered:
.L_overlay_start_0:
0x88: {  	s2 =	sld [smem:$0x3FD9]  }
0x89: {  	s3 =	sld [smem:$0x3FFE];
	_ =	sdelay $0x1  }
0x8a: {  	s1 =	srdreg.scid  }
0x8b: {  	s0 =	sand.u32 $0x1, s1  }
0x8c: {  	s17 =	sshll.u32 s0, $0xA;
	s2 =	sadd.s32 s3, s2  }
0x8d: {  	s2 =	sadd.s32 s2, s17  }
0x8e: {  	[smem:$0x3FC4] =	sst s2  }
0x8f: {  	_ = 	snop  }
0x90: {  	s2 =	sld [smem:$0x3FD0];
	(tm) =	ssettm $0x1  }
0x91: {  	s18 =	sld [smem:$0x3FFB];
	_ =	sdelay $0x3  }
0x92: {  	_ =	strace s18  }
0x93: {  	s3 =	sld [smem:$0x3FFC];
	_ =	sdelay $0x3  }
0x94: {  	_ =	strace s3  }
0x95: {  	s3 =	sld [smem:$0x3FFD];
	_ =	sdelay $0x3  }
0x96: {  	_ =	strace s3  }
0x97: {  	_ =	strace $0x8FFFFFFF  }
0x98: {  	s19 =	sld [smem:$0x3FDB];
	_ =	sdelay $0x1  }
0x99: {  	s4 =	simm.s32 $_scs_section_size  }
0x9a: {  	s5 =	simm.s32 $_size__tile_overlayer_lowered;
	s6 =	simm.s32 $_tile_overlayer_lowered  }
0x9b: {  	s22 =	simm.s32 $0x1BFF;
	s21 =	sshll.u32 s6, $0x1;
	s3 =	sadd.s32 s4, s19  }
0x9c: {  	s7 =	simm.s32 $0x0;
	s20 =	sshll.u32 s5, $0x1;
	s5 =	sadd.s32 s21, s3  }
0x9d: {  	[timem:s7], [sflag:s22] =	dma.local [hbm:s5], s20  }
0x9e: {  	_ =	swait.ge [sflag:s22], s20  }
0x9f: {  	s4 =	ssub.s32 $0x0, s20;
	[sflag:s22] =	ssyncset.done $0x0  }
0xa0: {  	[sflag:s22] =	ssyncadd.s32 s4;
	_ =	sdelay $0x1  }
0xa1: {  	s23 =	simm.s32 $0x1B8B  }
0xa2: {  	_ =	swait.ge [sflag:s23], $0x1  }
0xa3: {  	[sflag:s23] =	ssyncset.done $0x0  }
0xa4: {  	s25 =	simm.s32 $0x1B8E;
	s24 =	sld [smem:$0x3FFE];
	[sflag:s23] =	ssyncadd.s32 $0xFFFFFFFF  }
0xa5: {  	s26 =	simm.s32 $execute0_lowered;
	[smem:$0x3FD2] =	sst s25  }
0xa6: {  	s5 =	sshll.u32 s26, $0x1;
	_ =	strace $0x80000046;
	[dreg:$0x1] =	wrdreg $0xFFFFFFFF  }
0xa7: {  	s28 =	simm.s32 $_size_execute0_lowered;
	s3 =	sadd.s32 s3, s5;
	[dreg:$0x0] =	wrdreg $0x0  }
0xa8: {  	s5 =	sshll.u32 s28, $0x1;
	[dreg:$0x2] =	wrdreg s3  }
0xa9: {  	[dreg:$0x3] =	wrdreg s5  }
0xaa: {  	[dreg:$0x4] =	wrdreg $0xC0  }
0xab: {  	_ =	task [dreg:s7], $0x5FFFF  }
0xac: {  	[dreg:$0x1] =	wrdreg $0xFFFFFFFF  }
0xad: {  	[dreg:$0x0] =	wrdreg $0x60  }
0xae: {  	[dreg:$0x2] =	wrdreg s24  }
0xaf: {  	[dreg:$0x3] =	wrdreg s2  }
0xb0: {  	[dreg:$0x4] =	wrdreg $0x61000  }
0xb1: {  	[dreg:$0x5] =	wrdreg $0x9  }
0xb2: {  	_ =	task.clear_ibuf [dreg:s7], $0x6FFFF;
	_ =	strace $0x90000046  }
0xb3: {  	s29 =	simm.s32 $0x9;
	_ =	strace $0x80000048  }
0xb4: {  	_ =	swait.ge [sflag:s29], $0x1  }
0xb5: {  	[sflag:s29] =	ssyncadd.s32 $0xFFFFFFFF  }
0xb6: {  	_ =	strace $0x90000048  }
0xb7: {  	_ =	sfence  }
0xb8: {  	s30 =	sld [smem:$0x0];
	_ =	sdelay $0x2  }
0xb9: {  	s31 =	sshll.u32 s1, $0xD;
	s1 =	sshrl.u32 s1, $0x2  }
0xba: {  	s3 =	sand.u32 $0x4000, s31;
	s1 =	sadd.s32 s1, s30  }
0xbb: {  	s0 =	sor.u32 s3, s0;
	s1 =	sshll.u32 s1, $0x11  }
0xbc: {  	s0 =	sor.u32 s1, s0  }
0xbd: {  	s0 =	sadd.s32 $0x8F2B, s0  }
0xbe: {  	[sflag:s0] =	ssyncadd.remote.s32 $0x1  }
0xbf: {  	_ =	sfence.sel $0xFFFF  }
0xc0: {  	[dreg:$0x0] =	wrdreg $0xFFFFFFFF;
	(pc) =	sbr.abs _section_cstart, $3  }
0xc1: {  	[dreg:$0x1] =	wrdreg $0xFFFFFFFF  }
0xc2: {  	_ =	task.clear_ibuf [dreg:s7], $0x2FFFF;
	_ =	strace $0x9FFFFFFF  }
0xc3: {  	(tm) =	ssettm $0x7FFFFFFF  }
tec
execute0_lowered:
.L_overlay_start_1:
0x0: {  	(tag) =	ssettag $0x1  }
0x1: {  	s0 =	rddreg [dreg:$0x0]  }
0x2: {  	s2 =	rddreg [dreg:$0x1]  }
0x3: {  	s1 =	rddreg [dreg:$0x2];
	s9 =	stileid.u32  }
0x4: {  	s3 =	srdreg.scid;
	s7 =	smul.u32 $0x2780, s9  }
0x5: {  	s28 =	simm.s32 $0x1;
	s29 =	simm.s32 $0x0;
	s23 =	smul.u32 $0x14000, s9  }
0x6: {  	s5 =	sand.u32 $0x1, s3;
	s3 =	simm.s32 $0x0;
	s9 =	smul.u32 $0x50000, s9  }
0x7: {  	s4 =	sadd.s32 $0x2000, s0;
	s6 =	smul.u32 $0x27800, s5;
	[smem:$0x7FF] =	sst s3  }
0x8: {  	s8 =	smul.u32 $0x140000, s5;
	s5 =	ssub.s32 $0x2, s5;
	_ =	strace $0x80000047  }
0x9: {  	s24 =	sshrl.u32 s5, $0x1;
	s25 =	sshrl.u32 s9, $0x2;
	s9 =	sadd.s32 $0x52000, s0  }
0xa: {  	s6 =	sadd.s32 s7, s6;
	s7 =	sadd.s32 s23, s8;
	s11 =	ssub.s32 s5, s24  }
0xb: {  	s5 =	sadd.s32 s25, s1;
	s23 =	simm.s32 $0x4100;
	s24 =	simm.s32 $0x2  }
0xc: {  	s25 =	simm.s32 $0x80;
	s6 =	sshrl.u32 s6, $0x3;
	s26 =	sshrl.u32 s7, $0x3  }
0xd: {  	s7 =	sadd.s32 $0x2A000, s0;
	s31 =	smax.u32 s11, $0x1;
	s12 =	sadd.s32 $0x2000, s5  }
0xe: {  	s13 =	sadd.s32 $0x4000, s5;
	s14 =	sadd.s32 $0x6000, s5;
	s15 =	sadd.s32 $0x8000, s5  }
0xf: {  	s16 =	sadd.s32 $0xA000, s5;
	s17 =	sadd.s32 $0xC000, s5;
	s18 =	sadd.s32 $0xE000, s5  }
0x10: {  	s19 =	sadd.s32 $0x10000, s5;
	s22 =	sadd.s32 s6, s0;
	s6 =	sadd.s32 s2, s26  }
0x11: {  	s20 =	sadd.s32 $0x12000, s5;
	[dreg:$0x6] =	wrdreg s31;
	s2 =	sadd.s32 $0x50000, s6  }
0x12: {  	s26 =	simm.s32 $0x100;
	s30 =	sadd.s32 $0xA0000, s6;
	[dreg:$0x4] =	wrdreg s2  }
0x13: {  	v0 =	vimm.f32 $0.0e+00;
	s21 =	sadd.s32 $0x7A000, s22;
	s22 =	sadd.s32 $0x83E00, s22;
	[dreg:$0x5] =	wrdreg s30  }
.LBB2_1:
0x14: {  	s0 =	simm.s32 $0x0;
	s30 =	simm.s32 $0x200  }
.LBB2_2:
0x15: {  	p0 =	sne.s32 s30, $0x7E00;
	[tilespmem:s0+$0x4170] =	vst v0  }
0x16: {  	[tilespmem:s0+$0x4100] =	vst v0  }
0x17: {  	[tilespmem:s0+$0x4110] =	vst v0  }
.Ltmp0:
0x18: {  	[tilespmem:s0+$0x4120] =	vst v0;
	(pc) =	sbr.rel @p0 .LBB2_2-.Ltmp0, $4  }
0x19: {  	[tilespmem:s0+$0x4130] =	vst v0  }
0x1a: {  	[tilespmem:s0+$0x4140] =	vst v0  }
0x1b: {  	[tilespmem:s0+$0x4150] =	vst v0  }
0x1c: {  	[tilespmem:s0+$0x4160] =	vst v0;
	s0 =	sshra.s32 s30, $0x2;
	s30 =	sadd.s32 $0x200, s30  }
0x1d: {  	[tilespmem:s0+$0x4170] =	vst v0  }
0x1e: {  	[tilespmem:s0+$0x4100] =	vst v0  }
0x1f: {  	[tilespmem:s0+$0x4110] =	vst v0  }
0x20: {  	[tilespmem:s0+$0x4120] =	vst v0  }
0x21: {  	[tilespmem:s0+$0x4130] =	vst v0  }
0x22: {  	[tilespmem:s0+$0x4140] =	vst v0  }
0x23: {  	[tilespmem:s0+$0x4150] =	vst v0  }
0x24: {  	[tilespmem:s0+$0x4160] =	vst v0  }
0x25: {  	[spmem:s5] =	stream.linear.scatter [tilespmem:s23], [sflag:$0x2], $0x2000, $0x38;
	[tilespmem:$0x1A100] =	vst v63  }
0x26: {  	_ =	swait.ge [sflag:s24], $0x2000  }
0x27: {  	[sflag:s24] =	ssyncset.done $0x0  }
0x28: {  	[sflag:s24] =	ssyncadd.s32 $0xFFFFE000  }
0x29: {  	[spmem:s12] =	stream.linear.scatter [tilespmem:s23], [sflag:$0x2], $0x2000, $0x38;
	[tilespmem:$0x1A100] =	vst v63  }
0x2a: {  	_ =	swait.ge [sflag:s24], $0x2000  }
0x2b: {  	[sflag:s24] =	ssyncset.done $0x0  }
0x2c: {  	[sflag:s24] =	ssyncadd.s32 $0xFFFFE000  }
0x2d: {  	[spmem:s13] =	stream.linear.scatter [tilespmem:s23], [sflag:$0x2], $0x2000, $0x38;
	[tilespmem:$0x1A100] =	vst v63  }
0x2e: {  	_ =	swait.ge [sflag:s24], $0x2000  }
0x2f: {  	[sflag:s24] =	ssyncset.done $0x0  }
0x30: {  	[sflag:s24] =	ssyncadd.s32 $0xFFFFE000  }
0x31: {  	[spmem:s14] =	stream.linear.scatter [tilespmem:s23], [sflag:$0x2], $0x2000, $0x38;
	[tilespmem:$0x1A100] =	vst v63  }
0x32: {  	_ =	swait.ge [sflag:s24], $0x2000  }
0x33: {  	[sflag:s24] =	ssyncset.done $0x0  }
0x34: {  	[sflag:s24] =	ssyncadd.s32 $0xFFFFE000  }
0x35: {  	[spmem:s15] =	stream.linear.scatter [tilespmem:s23], [sflag:$0x2], $0x2000, $0x38;
	[tilespmem:$0x1A100] =	vst v63  }
0x36: {  	_ =	swait.ge [sflag:s24], $0x2000  }
0x37: {  	[sflag:s24] =	ssyncset.done $0x0  }
0x38: {  	[sflag:s24] =	ssyncadd.s32 $0xFFFFE000  }
0x39: {  	[spmem:s16] =	stream.linear.scatter [tilespmem:s23], [sflag:$0x2], $0x2000, $0x38;
	[tilespmem:$0x1A100] =	vst v63  }
0x3a: {  	_ =	swait.ge [sflag:s24], $0x2000  }
0x3b: {  	[sflag:s24] =	ssyncset.done $0x0  }
0x3c: {  	[sflag:s24] =	ssyncadd.s32 $0xFFFFE000  }
0x3d: {  	[spmem:s17] =	stream.linear.scatter [tilespmem:s23], [sflag:$0x2], $0x2000, $0x38;
	[tilespmem:$0x1A100] =	vst v63  }
0x3e: {  	_ =	swait.ge [sflag:s24], $0x2000  }
0x3f: {  	[sflag:s24] =	ssyncset.done $0x0  }
0x40: {  	[sflag:s24] =	ssyncadd.s32 $0xFFFFE000  }
0x41: {  	[spmem:s18] =	stream.linear.scatter [tilespmem:s23], [sflag:$0x2], $0x2000, $0x38;
	[tilespmem:$0x1A100] =	vst v63  }
0x42: {  	_ =	swait.ge [sflag:s24], $0x2000  }
0x43: {  	[sflag:s24] =	ssyncset.done $0x0  }
0x44: {  	[sflag:s24] =	ssyncadd.s32 $0xFFFFE000  }
0x45: {  	[spmem:s19] =	stream.linear.scatter [tilespmem:s23], [sflag:$0x2], $0x2000, $0x38;
	[tilespmem:$0x1A100] =	vst v63  }
0x46: {  	_ =	swait.ge [sflag:s24], $0x2000  }
0x47: {  	[sflag:s24] =	ssyncset.done $0x0  }
0x48: {  	[sflag:s24] =	ssyncadd.s32 $0xFFFFE000  }
0x49: {  	[spmem:s20] =	stream.linear.scatter [tilespmem:s23], [sflag:$0x2], $0x2000, $0x38;
	[tilespmem:$0x1A100] =	vst v63  }
0x4a: {  	_ =	swait.ge [sflag:s24], $0x2000  }
0x4b: {  	[sflag:s24] =	ssyncset.done $0x0  }
0x4c: {  	[sflag:s24] =	ssyncadd.s32 $0xFFFFE000  }
0x4d: {  	s11 =	sadd.s32 $0x0, s22;
	[bflag:$0x0] =	sbarrier.arrive $0xFFFF  }
0x4e: {  	[tilespmem:s3], [sflag:$0x2] =	stream.linear.gather [hbm4b:s11+s3], $0x80, $0x38;
	[tilespmem:$0x1A100] =	vst v63  }
0x4f: {  	_ =	swait.ge [sflag:s24], $0x80  }
0x50: {  	[sflag:s24] =	ssyncset.done $0x0  }
0x51: {  	s31 =	sadd.s32 $0x0, s21;
	[sflag:s24] =	ssyncadd.s32 $0xFFFFFF80  }
0x52: {  	[tilespmem:s25], [sflag:$0x2] =	stream.linear.gather [hbm4b:s31+s3], $0x80, $0x38;
	[tilespmem:$0x1A100] =	vst v63  }
0x53: {  	_ =	swait.ge [sflag:s24], $0x80  }
0x54: {  	[sflag:s24] =	ssyncset.done $0x0  }
0x55: {  	[sflag:s24] =	ssyncadd.s32 $0xFFFFFF80  }
0x56: {  	[tilespmem:s26], [sflag:$0x1] =	stream.indirect.gather [hbm4b:s4+s25], $0x80, s3, s25, $0xb8;
	[tilespmem:$0x1A100] =	vst v63  }
0x57: {  	_ =	swait.ge [sflag:s28], $0x4000  }
0x58: {  	[sflag:s28] =	ssyncset.done $0x0  }
0x59: {  	[sflag:s28] =	ssyncadd.s32 $0xFFFFC000  }
0x5a: {  	[spmem:s1] =	stream.indirect.scatter.add.f32 [tilespmem:s26], [sflag:$0x2], $0x80, s25, s25, $0xb8;
	[tilespmem:$0x1A100] =	vst v63  }
0x5b: {  	_ =	swait.ge [sflag:s24], $0x4000  }
0x5c: {  	s30 =	simm.s32 $0x10;
	s0 =	simm.s32 $0x20;
	[sflag:s24] =	ssyncset.done $0x0  }
.LBB2_4:
0x5d: {  	s2 =	sadd.s32 s30, s22  }
0x5e: {  	[sflag:s24] =	ssyncadd.s32 $0xFFFFC000;
	s31 =	smov.u32 s0;
	s8 =	sadd.s32 $0x10, s0  }
0x5f: {  	[tilespmem:s3], [sflag:$0x2] =	stream.linear.gather [hbm4b:s2+s3], $0x80, $0x38;
	[tilespmem:$0x1A100] =	vst v63  }
0x60: {  	p0 =	sne.s32 s0, $0x4E0;
	_ =	swait.ge [sflag:s24], $0x80  }
0x61: {  	[sflag:s24] =	ssyncset.done $0x0  }
0x62: {  	s0 =	sadd.s32 s30, s21;
	s30 =	smov.u32 s31;
	[sflag:s24] =	ssyncadd.s32 $0xFFFFFF80  }
0x63: {  	[tilespmem:s25], [sflag:$0x2] =	stream.linear.gather [hbm4b:s0+s3], $0x80, $0x38;
	[tilespmem:$0x1A100] =	vst v63  }
0x64: {  	_ =	swait.ge [sflag:s24], $0x80  }
0x65: {  	[sflag:s24] =	ssyncset.done $0x0  }
0x66: {  	[sflag:s24] =	ssyncadd.s32 $0xFFFFFF80  }
0x67: {  	[tilespmem:s26], [sflag:$0x1] =	stream.indirect.gather [hbm4b:s4+s25], $0x80, s3, s25, $0xb8;
	[tilespmem:$0x1A100] =	vst v63  }
0x68: {  	_ =	swait.ge [sflag:s28], $0x4000  }
.Ltmp1:
0x69: {  	[sflag:s28] =	ssyncset.done $0x0;
	(pc) =	sbr.rel @p0 .LBB2_4-.Ltmp1, $4  }
0x6a: {  	[sflag:s28] =	ssyncadd.s32 $0xFFFFC000  }
0x6b: {  	[spmem:s1] =	stream.indirect.scatter.add.f32 [tilespmem:s26], [sflag:$0x2], $0x80, s25, s25, $0xb8;
	[tilespmem:$0x1A100] =	vst v63  }
0x6c: {  	_ =	swait.ge [sflag:s24], $0x4000  }
0x6d: {  	s0 =	smov.u32 s8;
	[sflag:s24] =	ssyncset.done $0x0  }
0x6e: {  	s0 =	sadd.s32 s30, s22;
	[sflag:s24] =	ssyncadd.s32 $0xFFFFC000  }
0x6f: {  	[tilespmem:s3], [sflag:$0x2] =	stream.linear.gather [hbm4b:s0+s3], $0x80, $0x38;
	[tilespmem:$0x1A100] =	vst v63  }
0x70: {  	_ =	swait.ge [sflag:s24], $0x80  }
0x71: {  	[sflag:s24] =	ssyncset.done $0x0  }
0x72: {  	s2 =	sadd.s32 s30, s21;
	[sflag:s24] =	ssyncadd.s32 $0xFFFFFF80  }
0x73: {  	[tilespmem:s25], [sflag:$0x2] =	stream.linear.gather [hbm4b:s2+s3], $0x80, $0x38;
	[tilespmem:$0x1A100] =	vst v63  }
0x74: {  	_ =	swait.ge [sflag:s24], $0x80  }
0x75: {  	[sflag:s24] =	ssyncset.done $0x0  }
0x76: {  	[sflag:s24] =	ssyncadd.s32 $0xFFFFFF80  }
0x77: {  	[tilespmem:s26], [sflag:$0x1] =	stream.indirect.gather [hbm4b:s4+s25], $0x80, s3, s25, $0xb8;
	[tilespmem:$0x1A100] =	vst v63  }
0x78: {  	_ =	swait.ge [sflag:s28], $0x4000  }
0x79: {  	[sflag:s28] =	ssyncset.done $0x0  }
0x7a: {  	[sflag:s28] =	ssyncadd.s32 $0xFFFFC000  }
0x7b: {  	[spmem:s1] =	stream.indirect.scatter.add.f32 [tilespmem:s26], [sflag:$0x2], $0x80, s25, s25, $0xb8;
	[tilespmem:$0x1A100] =	vst v63  }
0x7c: {  	_ =	swait.ge [sflag:s24], $0x4000  }
0x7d: {  	s8 =	stileid.u32;
	[sflag:s24] =	ssyncset.done $0x0  }
0x7e: {  	s0 =	sshll.u32 s8, $0x6;
	[sflag:s24] =	ssyncadd.s32 $0xFFFFC000  }
0x7f: {  	s31 =	sshrl.u32 s5, $0x3;
	s30 =	sor.u32 $0x1C02, s0;
	[bflag:$0x0] =	sbarrier.arrive $0xFFFF  }
0x80: {  	[hbm:s6], [sflag:s30] =	dma.local [spmem:s31], $0x2800  }
0x81: {  	_ =	swait.ge [sflag:s24], $0x2800  }
0x82: {  	[sflag:s24] =	ssyncset.done $0x0  }
0x83: {  	[sflag:s24] =	ssyncadd.s32 $0xFFFFD800  }
0x84: {  	[bflag:$0x0] =	sbarrier.arrive $0xFFFF  }
0x85: {  	[spmem:s5] =	stream.linear.scatter [tilespmem:s23], [sflag:$0x2], $0x2000, $0x38;
	[tilespmem:$0x1A100] =	vst v63  }
0x86: {  	_ =	swait.ge [sflag:s24], $0x2000  }
0x87: {  	[sflag:s24] =	ssyncset.done $0x0  }
0x88: {  	[sflag:s24] =	ssyncadd.s32 $0xFFFFE000  }
0x89: {  	[spmem:s12] =	stream.linear.scatter [tilespmem:s23], [sflag:$0x2], $0x2000, $0x38;
	[tilespmem:$0x1A100] =	vst v63  }
0x8a: {  	_ =	swait.ge [sflag:s24], $0x2000  }
0x8b: {  	[sflag:s24] =	ssyncset.done $0x0  }
0x8c: {  	[sflag:s24] =	ssyncadd.s32 $0xFFFFE000  }
0x8d: {  	[spmem:s13] =	stream.linear.scatter [tilespmem:s23], [sflag:$0x2], $0x2000, $0x38;
	[tilespmem:$0x1A100] =	vst v63  }
0x8e: {  	_ =	swait.ge [sflag:s24], $0x2000  }
0x8f: {  	[sflag:s24] =	ssyncset.done $0x0  }
0x90: {  	[sflag:s24] =	ssyncadd.s32 $0xFFFFE000  }
0x91: {  	[spmem:s14] =	stream.linear.scatter [tilespmem:s23], [sflag:$0x2], $0x2000, $0x38;
	[tilespmem:$0x1A100] =	vst v63  }
0x92: {  	_ =	swait.ge [sflag:s24], $0x2000  }
0x93: {  	[sflag:s24] =	ssyncset.done $0x0  }
0x94: {  	[sflag:s24] =	ssyncadd.s32 $0xFFFFE000  }
0x95: {  	[spmem:s15] =	stream.linear.scatter [tilespmem:s23], [sflag:$0x2], $0x2000, $0x38;
	[tilespmem:$0x1A100] =	vst v63  }
0x96: {  	_ =	swait.ge [sflag:s24], $0x2000  }
0x97: {  	[sflag:s24] =	ssyncset.done $0x0  }
0x98: {  	[sflag:s24] =	ssyncadd.s32 $0xFFFFE000  }
0x99: {  	[spmem:s16] =	stream.linear.scatter [tilespmem:s23], [sflag:$0x2], $0x2000, $0x38;
	[tilespmem:$0x1A100] =	vst v63  }
0x9a: {  	_ =	swait.ge [sflag:s24], $0x2000  }
0x9b: {  	[sflag:s24] =	ssyncset.done $0x0  }
0x9c: {  	[sflag:s24] =	ssyncadd.s32 $0xFFFFE000  }
0x9d: {  	[spmem:s17] =	stream.linear.scatter [tilespmem:s23], [sflag:$0x2], $0x2000, $0x38;
	[tilespmem:$0x1A100] =	vst v63  }
0x9e: {  	_ =	swait.ge [sflag:s24], $0x2000  }
0x9f: {  	[sflag:s24] =	ssyncset.done $0x0  }
0xa0: {  	[sflag:s24] =	ssyncadd.s32 $0xFFFFE000  }
0xa1: {  	[spmem:s18] =	stream.linear.scatter [tilespmem:s23], [sflag:$0x2], $0x2000, $0x38;
	[tilespmem:$0x1A100] =	vst v63  }
0xa2: {  	_ =	swait.ge [sflag:s24], $0x2000  }
0xa3: {  	[sflag:s24] =	ssyncset.done $0x0  }
0xa4: {  	[sflag:s24] =	ssyncadd.s32 $0xFFFFE000  }
0xa5: {  	[spmem:s19] =	stream.linear.scatter [tilespmem:s23], [sflag:$0x2], $0x2000, $0x38;
	[tilespmem:$0x1A100] =	vst v63  }
0xa6: {  	_ =	swait.ge [sflag:s24], $0x2000  }
0xa7: {  	[sflag:s24] =	ssyncset.done $0x0  }
0xa8: {  	[sflag:s24] =	ssyncadd.s32 $0xFFFFE000  }
0xa9: {  	[spmem:s20] =	stream.linear.scatter [tilespmem:s23], [sflag:$0x2], $0x2000, $0x38;
	[tilespmem:$0x1A100] =	vst v63  }
0xaa: {  	_ =	swait.ge [sflag:s24], $0x2000  }
0xab: {  	[sflag:s24] =	ssyncset.done $0x0  }
0xac: {  	[sflag:s24] =	ssyncadd.s32 $0xFFFFE000  }
0xad: {  	s10 =	sadd.s32 $0x0, s22;
	[bflag:$0x0] =	sbarrier.arrive $0xFFFF  }
0xae: {  	[tilespmem:s3], [sflag:$0x2] =	stream.linear.gather [hbm4b:s10+s3], $0x80, $0x38;
	[tilespmem:$0x1A100] =	vst v63  }
0xaf: {  	_ =	swait.ge [sflag:s24], $0x80  }
0xb0: {  	[sflag:s24] =	ssyncset.done $0x0  }
0xb1: {  	s11 =	sadd.s32 $0x0, s21;
	[sflag:s24] =	ssyncadd.s32 $0xFFFFFF80  }
0xb2: {  	[tilespmem:s25], [sflag:$0x2] =	stream.linear.gather [hbm4b:s11+s3], $0x80, $0x38;
	[tilespmem:$0x1A100] =	vst v63  }
0xb3: {  	_ =	swait.ge [sflag:s24], $0x80  }
0xb4: {  	[sflag:s24] =	ssyncset.done $0x0  }
0xb5: {  	[sflag:s24] =	ssyncadd.s32 $0xFFFFFF80  }
0xb6: {  	[tilespmem:s26], [sflag:$0x1] =	stream.indirect.gather [hbm4b:s7+s25], $0x80, s3, s25, $0xb8;
	[tilespmem:$0x1A100] =	vst v63  }
0xb7: {  	_ =	swait.ge [sflag:s28], $0x4000  }
0xb8: {  	[sflag:s28] =	ssyncset.done $0x0  }
0xb9: {  	[sflag:s28] =	ssyncadd.s32 $0xFFFFC000  }
0xba: {  	[spmem:s1] =	stream.indirect.scatter.add.f32 [tilespmem:s26], [sflag:$0x2], $0x80, s25, s25, $0xb8;
	[tilespmem:$0x1A100] =	vst v63  }
0xbb: {  	_ =	swait.ge [sflag:s24], $0x4000  }
0xbc: {  	s0 =	simm.s32 $0x10;
	s2 =	simm.s32 $0x20;
	[sflag:s24] =	ssyncset.done $0x0  }
.LBB2_6:
0xbd: {  	s8 =	sadd.s32 s0, s22  }
0xbe: {  	[sflag:s24] =	ssyncadd.s32 $0xFFFFC000;
	s10 =	smov.u32 s2;
	s11 =	sadd.s32 $0x10, s2  }
0xbf: {  	[tilespmem:s3], [sflag:$0x2] =	stream.linear.gather [hbm4b:s8+s3], $0x80, $0x38;
	[tilespmem:$0x1A100] =	vst v63  }
0xc0: {  	p0 =	sne.s32 s2, $0x4E0;
	_ =	swait.ge [sflag:s24], $0x80  }
0xc1: {  	[sflag:s24] =	ssyncset.done $0x0  }
0xc2: {  	s2 =	sadd.s32 s0, s21;
	s0 =	smov.u32 s10;
	[sflag:s24] =	ssyncadd.s32 $0xFFFFFF80  }
0xc3: {  	[tilespmem:s25], [sflag:$0x2] =	stream.linear.gather [hbm4b:s2+s3], $0x80, $0x38;
	[tilespmem:$0x1A100] =	vst v63  }
0xc4: {  	_ =	swait.ge [sflag:s24], $0x80  }
0xc5: {  	[sflag:s24] =	ssyncset.done $0x0  }
0xc6: {  	[sflag:s24] =	ssyncadd.s32 $0xFFFFFF80  }
0xc7: {  	[tilespmem:s26], [sflag:$0x1] =	stream.indirect.gather [hbm4b:s7+s25], $0x80, s3, s25, $0xb8;
	[tilespmem:$0x1A100] =	vst v63  }
0xc8: {  	_ =	swait.ge [sflag:s28], $0x4000  }
.Ltmp2:
0xc9: {  	[sflag:s28] =	ssyncset.done $0x0;
	(pc) =	sbr.rel @p0 .LBB2_6-.Ltmp2, $4  }
0xca: {  	[sflag:s28] =	ssyncadd.s32 $0xFFFFC000  }
0xcb: {  	[spmem:s1] =	stream.indirect.scatter.add.f32 [tilespmem:s26], [sflag:$0x2], $0x80, s25, s25, $0xb8;
	[tilespmem:$0x1A100] =	vst v63  }
0xcc: {  	_ =	swait.ge [sflag:s24], $0x4000  }
0xcd: {  	s2 =	smov.u32 s11;
	[sflag:s24] =	ssyncset.done $0x0  }
0xce: {  	s2 =	sadd.s32 s0, s22;
	[sflag:s24] =	ssyncadd.s32 $0xFFFFC000  }
0xcf: {  	[tilespmem:s3], [sflag:$0x2] =	stream.linear.gather [hbm4b:s2+s3], $0x80, $0x38;
	[tilespmem:$0x1A100] =	vst v63  }
0xd0: {  	_ =	swait.ge [sflag:s24], $0x80  }
0xd1: {  	[sflag:s24] =	ssyncset.done $0x0  }
0xd2: {  	s2 =	sadd.s32 s0, s21;
	[sflag:s24] =	ssyncadd.s32 $0xFFFFFF80  }
0xd3: {  	[tilespmem:s25], [sflag:$0x2] =	stream.linear.gather [hbm4b:s2+s3], $0x80, $0x38;
	[tilespmem:$0x1A100] =	vst v63  }
0xd4: {  	_ =	swait.ge [sflag:s24], $0x80  }
0xd5: {  	[sflag:s24] =	ssyncset.done $0x0  }
0xd6: {  	[sflag:s24] =	ssyncadd.s32 $0xFFFFFF80  }
0xd7: {  	[tilespmem:s26], [sflag:$0x1] =	stream.indirect.gather [hbm4b:s7+s25], $0x80, s3, s25, $0xb8;
	[tilespmem:$0x1A100] =	vst v63  }
0xd8: {  	_ =	swait.ge [sflag:s28], $0x4000  }
0xd9: {  	[sflag:s28] =	ssyncset.done $0x0  }
0xda: {  	[sflag:s28] =	ssyncadd.s32 $0xFFFFC000  }
0xdb: {  	[spmem:s1] =	stream.indirect.scatter.add.f32 [tilespmem:s26], [sflag:$0x2], $0x80, s25, s25, $0xb8;
	[tilespmem:$0x1A100] =	vst v63  }
0xdc: {  	_ =	swait.ge [sflag:s24], $0x4000  }
0xdd: {  	[sflag:s24] =	ssyncset.done $0x0  }
0xde: {  	[sflag:s24] =	ssyncadd.s32 $0xFFFFC000  }
0xdf: {  	[bflag:$0x0] =	sbarrier.arrive $0xFFFF  }
0xe0: {  	s8 =	rddreg [dreg:$0x4]  }
0xe1: {  	[hbm:s8], [sflag:s30] =	dma.local [spmem:s31], $0x2800  }
0xe2: {  	_ =	swait.ge [sflag:s24], $0x2800  }
0xe3: {  	[sflag:s24] =	ssyncset.done $0x0  }
0xe4: {  	[sflag:s24] =	ssyncadd.s32 $0xFFFFD800  }
0xe5: {  	[bflag:$0x0] =	sbarrier.arrive $0xFFFF  }
0xe6: {  	[spmem:s5] =	stream.linear.scatter [tilespmem:s23], [sflag:$0x2], $0x2000, $0x38;
	[tilespmem:$0x1A100] =	vst v63  }
0xe7: {  	_ =	swait.ge [sflag:s24], $0x2000  }
0xe8: {  	[sflag:s24] =	ssyncset.done $0x0  }
0xe9: {  	[sflag:s24] =	ssyncadd.s32 $0xFFFFE000  }
0xea: {  	[spmem:s12] =	stream.linear.scatter [tilespmem:s23], [sflag:$0x2], $0x2000, $0x38;
	[tilespmem:$0x1A100] =	vst v63  }
0xeb: {  	_ =	swait.ge [sflag:s24], $0x2000  }
0xec: {  	[sflag:s24] =	ssyncset.done $0x0  }
0xed: {  	[sflag:s24] =	ssyncadd.s32 $0xFFFFE000  }
0xee: {  	[spmem:s13] =	stream.linear.scatter [tilespmem:s23], [sflag:$0x2], $0x2000, $0x38;
	[tilespmem:$0x1A100] =	vst v63  }
0xef: {  	_ =	swait.ge [sflag:s24], $0x2000  }
0xf0: {  	[sflag:s24] =	ssyncset.done $0x0  }
0xf1: {  	[sflag:s24] =	ssyncadd.s32 $0xFFFFE000  }
0xf2: {  	[spmem:s14] =	stream.linear.scatter [tilespmem:s23], [sflag:$0x2], $0x2000, $0x38;
	[tilespmem:$0x1A100] =	vst v63  }
0xf3: {  	_ =	swait.ge [sflag:s24], $0x2000  }
0xf4: {  	[sflag:s24] =	ssyncset.done $0x0  }
0xf5: {  	[sflag:s24] =	ssyncadd.s32 $0xFFFFE000  }
0xf6: {  	[spmem:s15] =	stream.linear.scatter [tilespmem:s23], [sflag:$0x2], $0x2000, $0x38;
	[tilespmem:$0x1A100] =	vst v63  }
0xf7: {  	_ =	swait.ge [sflag:s24], $0x2000  }
0xf8: {  	[sflag:s24] =	ssyncset.done $0x0  }
0xf9: {  	[sflag:s24] =	ssyncadd.s32 $0xFFFFE000  }
0xfa: {  	[spmem:s16] =	stream.linear.scatter [tilespmem:s23], [sflag:$0x2], $0x2000, $0x38;
	[tilespmem:$0x1A100] =	vst v63  }
0xfb: {  	_ =	swait.ge [sflag:s24], $0x2000  }
0xfc: {  	[sflag:s24] =	ssyncset.done $0x0  }
0xfd: {  	[sflag:s24] =	ssyncadd.s32 $0xFFFFE000  }
0xfe: {  	[spmem:s17] =	stream.linear.scatter [tilespmem:s23], [sflag:$0x2], $0x2000, $0x38;
	[tilespmem:$0x1A100] =	vst v63  }
0xff: {  	_ =	swait.ge [sflag:s24], $0x2000  }
0x100: {  	[sflag:s24] =	ssyncset.done $0x0  }
0x101: {  	[sflag:s24] =	ssyncadd.s32 $0xFFFFE000  }
0x102: {  	[spmem:s18] =	stream.linear.scatter [tilespmem:s23], [sflag:$0x2], $0x2000, $0x38;
	[tilespmem:$0x1A100] =	vst v63  }
0x103: {  	_ =	swait.ge [sflag:s24], $0x2000  }
0x104: {  	[sflag:s24] =	ssyncset.done $0x0  }
0x105: {  	[sflag:s24] =	ssyncadd.s32 $0xFFFFE000  }
0x106: {  	[spmem:s19] =	stream.linear.scatter [tilespmem:s23], [sflag:$0x2], $0x2000, $0x38;
	[tilespmem:$0x1A100] =	vst v63  }
0x107: {  	_ =	swait.ge [sflag:s24], $0x2000  }
0x108: {  	[sflag:s24] =	ssyncset.done $0x0  }
0x109: {  	[sflag:s24] =	ssyncadd.s32 $0xFFFFE000  }
0x10a: {  	[spmem:s20] =	stream.linear.scatter [tilespmem:s23], [sflag:$0x2], $0x2000, $0x38;
	[tilespmem:$0x1A100] =	vst v63  }
0x10b: {  	_ =	swait.ge [sflag:s24], $0x2000  }
0x10c: {  	[sflag:s24] =	ssyncset.done $0x0  }
0x10d: {  	[sflag:s24] =	ssyncadd.s32 $0xFFFFE000  }
0x10e: {  	s10 =	sadd.s32 $0x0, s22;
	[bflag:$0x0] =	sbarrier.arrive $0xFFFF  }
0x10f: {  	[tilespmem:s3], [sflag:$0x2] =	stream.linear.gather [hbm4b:s10+s3], $0x80, $0x38;
	[tilespmem:$0x1A100] =	vst v63  }
0x110: {  	_ =	swait.ge [sflag:s24], $0x80  }
0x111: {  	[sflag:s24] =	ssyncset.done $0x0  }
0x112: {  	s11 =	sadd.s32 $0x0, s21;
	[sflag:s24] =	ssyncadd.s32 $0xFFFFFF80  }
0x113: {  	[tilespmem:s25], [sflag:$0x2] =	stream.linear.gather [hbm4b:s11+s3], $0x80, $0x38;
	[tilespmem:$0x1A100] =	vst v63  }
0x114: {  	_ =	swait.ge [sflag:s24], $0x80  }
0x115: {  	[sflag:s24] =	ssyncset.done $0x0  }
0x116: {  	[sflag:s24] =	ssyncadd.s32 $0xFFFFFF80  }
0x117: {  	[tilespmem:s26], [sflag:$0x1] =	stream.indirect.gather [hbm4b:s9+s25], $0x80, s3, s25, $0xb8;
	[tilespmem:$0x1A100] =	vst v63  }
0x118: {  	_ =	swait.ge [sflag:s28], $0x4000  }
0x119: {  	[sflag:s28] =	ssyncset.done $0x0  }
0x11a: {  	[sflag:s28] =	ssyncadd.s32 $0xFFFFC000  }
0x11b: {  	[spmem:s1] =	stream.indirect.scatter.add.f32 [tilespmem:s26], [sflag:$0x2], $0x80, s25, s25, $0xb8;
	[tilespmem:$0x1A100] =	vst v63  }
0x11c: {  	_ =	swait.ge [sflag:s24], $0x4000  }
0x11d: {  	s0 =	simm.s32 $0x10;
	s2 =	simm.s32 $0x20;
	[sflag:s24] =	ssyncset.done $0x0  }
.LBB2_8:
0x11e: {  	s8 =	sadd.s32 s0, s22  }
0x11f: {  	[sflag:s24] =	ssyncadd.s32 $0xFFFFC000;
	s10 =	smov.u32 s2;
	s11 =	sadd.s32 $0x10, s2  }
0x120: {  	[tilespmem:s3], [sflag:$0x2] =	stream.linear.gather [hbm4b:s8+s3], $0x80, $0x38;
	[tilespmem:$0x1A100] =	vst v63  }
0x121: {  	p0 =	sne.s32 s2, $0x4E0;
	_ =	swait.ge [sflag:s24], $0x80  }
0x122: {  	[sflag:s24] =	ssyncset.done $0x0  }
0x123: {  	s2 =	sadd.s32 s0, s21;
	s0 =	smov.u32 s10;
	[sflag:s24] =	ssyncadd.s32 $0xFFFFFF80  }
0x124: {  	[tilespmem:s25], [sflag:$0x2] =	stream.linear.gather [hbm4b:s2+s3], $0x80, $0x38;
	[tilespmem:$0x1A100] =	vst v63  }
0x125: {  	_ =	swait.ge [sflag:s24], $0x80  }
0x126: {  	[sflag:s24] =	ssyncset.done $0x0  }
0x127: {  	[sflag:s24] =	ssyncadd.s32 $0xFFFFFF80  }
0x128: {  	[tilespmem:s26], [sflag:$0x1] =	stream.indirect.gather [hbm4b:s9+s25], $0x80, s3, s25, $0xb8;
	[tilespmem:$0x1A100] =	vst v63  }
0x129: {  	_ =	swait.ge [sflag:s28], $0x4000  }
.Ltmp3:
0x12a: {  	[sflag:s28] =	ssyncset.done $0x0;
	(pc) =	sbr.rel @p0 .LBB2_8-.Ltmp3, $4  }
0x12b: {  	[sflag:s28] =	ssyncadd.s32 $0xFFFFC000  }
0x12c: {  	[spmem:s1] =	stream.indirect.scatter.add.f32 [tilespmem:s26], [sflag:$0x2], $0x80, s25, s25, $0xb8;
	[tilespmem:$0x1A100] =	vst v63  }
0x12d: {  	_ =	swait.ge [sflag:s24], $0x4000  }
0x12e: {  	s2 =	smov.u32 s11;
	[sflag:s24] =	ssyncset.done $0x0  }
0x12f: {  	s2 =	sadd.s32 s0, s22;
	[sflag:s24] =	ssyncadd.s32 $0xFFFFC000  }
0x130: {  	[tilespmem:s3], [sflag:$0x2] =	stream.linear.gather [hbm4b:s2+s3], $0x80, $0x38;
	[tilespmem:$0x1A100] =	vst v63  }
0x131: {  	_ =	swait.ge [sflag:s24], $0x80  }
0x132: {  	[sflag:s24] =	ssyncset.done $0x0  }
0x133: {  	s10 =	sadd.s32 s0, s21;
	[sflag:s24] =	ssyncadd.s32 $0xFFFFFF80  }
0x134: {  	[tilespmem:s25], [sflag:$0x2] =	stream.linear.gather [hbm4b:s10+s3], $0x80, $0x38;
	[tilespmem:$0x1A100] =	vst v63  }
0x135: {  	_ =	swait.ge [sflag:s24], $0x80  }
0x136: {  	[sflag:s24] =	ssyncset.done $0x0  }
0x137: {  	[sflag:s24] =	ssyncadd.s32 $0xFFFFFF80  }
0x138: {  	[tilespmem:s26], [sflag:$0x1] =	stream.indirect.gather [hbm4b:s9+s25], $0x80, s3, s25, $0xb8;
	[tilespmem:$0x1A100] =	vst v63  }
0x139: {  	_ =	swait.ge [sflag:s28], $0x4000  }
0x13a: {  	[sflag:s28] =	ssyncset.done $0x0  }
0x13b: {  	[sflag:s28] =	ssyncadd.s32 $0xFFFFC000  }
0x13c: {  	[spmem:s1] =	stream.indirect.scatter.add.f32 [tilespmem:s26], [sflag:$0x2], $0x80, s25, s25, $0xb8;
	[tilespmem:$0x1A100] =	vst v63  }
0x13d: {  	_ =	swait.ge [sflag:s24], $0x4000  }
0x13e: {  	[sflag:s24] =	ssyncset.done $0x0  }
0x13f: {  	[sflag:s24] =	ssyncadd.s32 $0xFFFFC000  }
0x140: {  	[bflag:$0x0] =	sbarrier.arrive $0xFFFF  }
0x141: {  	s11 =	rddreg [dreg:$0x5]  }
0x142: {  	[hbm:s11], [sflag:s30] =	dma.local [spmem:s31], $0x2800  }
0x143: {  	_ =	swait.ge [sflag:s24], $0x2800  }
0x144: {  	s29 =	sadd.s32 $0x1, s29;
	s31 =	rddreg [dreg:$0x6]  }
0x145: {  	p0 =	sne.s32 s29, s31  }
.Ltmp4:
0x146: {  	_ = 	snop;
	(pc) =	sbr.rel @p0 .LBB2_1-.Ltmp4, $3  }
0x147: {  	[sflag:s24] =	ssyncset.done $0x0  }
0x148: {  	[sflag:s24] =	ssyncadd.s32 $0xFFFFD800  }
0x149: {  	[bflag:$0x0] =	sbarrier.arrive $0xFFFF;
	_ =	sdelay $0x1  }
0x14a: {  	_ =	sfence.sel $0x180000  }
0x14b: {  	[bflag:$0x0] =	sbarrier.arrive $0xFFFF  }
0x14c: {  	_ =	strace $0x90000047  }
0x14d: {  	s0 =	stileid.u32;
	[bflag:$0x2] =	sbarrier.arrive $0xFFFF  }
0x14e: {  	p0 =	sne.s32 s0, $0x0;
	s0 =	rddreg [dreg:$0x3]  }
0x14f: {  	s0 =	sadd.s32 @!p0 $0x100000, s0  }
0x150: {  	[sflag:s0] =	ssyncadd.tile.s32 @!p0 $0x1;
	_ =	shalt  }
.Lfunc_end2:
_tile_overlayer_lowered:
.L_overlay_start_2:
0x151: {  	(tag) =	ssettag $0x2  }
0x152: {  	s0 =	rddreg [dreg:$0x0];
	s2 =	stileid.u32  }
0x153: {  	s1 =	rddreg [dreg:$0x1];
	p0 =	sne.s32 s2, $0x0  }
0x154: {  	s3 =	rddreg [dreg:$0x2];
	[bflag:$0x3] =	sbarrier.arrive $0xFFFF;
	s2 =	simm.s32 @!p0 $0x1C02  }
0x155: {  	[timem:s3], [sflag:s2] =	dma.local @!p0 [hbm:s0], s1  }
0x156: {  	s0 =	simm.s32 @!p0 $0x2  }
0x157: {  	_ =	swait.ge @!p0 [sflag:s0], s1  }
0x158: {  	s1 =	ssub.s32 @!p0 $0x0, s1;
	[sflag:s0] =	ssyncset.done @!p0 $0x0  }
0x159: {  	[sflag:s0] =	ssyncadd.s32 @!p0 s1  }
0x15a: {  	[bflag:$0x3] =	sbarrier.arrive $0xFFFF  }
0x15b: {  	_ =	shalt  }

// kernel: sparse-core-data-format-call.1.cloned.1.call-start
scs
called_computation.1_lowered:
.L_overlay_start_0:
0x0: {  	s2 =	sld [smem:$0x3FD9]  }
0x1: {  	s3 =	sld [smem:$0x3FFE];
	_ =	sdelay $0x1  }
0x2: {  	s1 =	srdreg.scid  }
0x3: {  	s0 =	sand.u32 $0x1, s1  }
0x4: {  	s18 =	sshll.u32 s0, $0xA;
	s2 =	sadd.s32 s3, s2  }
0x5: {  	s2 =	sadd.s32 s2, s18  }
0x6: {  	[smem:$0x3FC4] =	sst s2  }
0x7: {  	_ = 	snop  }
0x8: {  	s2 =	sld [smem:$0x3FD0];
	(tm) =	ssettm $0x1  }
0x9: {  	s19 =	sld [smem:$0x3FFB];
	_ =	sdelay $0x3  }
0xa: {  	_ =	strace s19  }
0xb: {  	s3 =	sld [smem:$0x3FFC];
	_ =	sdelay $0x3  }
0xc: {  	_ =	strace s3  }
0xd: {  	s3 =	sld [smem:$0x3FFD];
	_ =	sdelay $0x3  }
0xe: {  	_ =	strace s3  }
0xf: {  	_ =	strace $0x8FFFFFFF  }
0x10: {  	s20 =	sld [smem:$0x3FDB];
	_ =	sdelay $0x1  }
0x11: {  	s4 =	simm.s32 $_scs_section_size  }
0x12: {  	s5 =	simm.s32 $_size__tile_overlayer_lowered;
	s6 =	simm.s32 $_tile_overlayer_lowered  }
0x13: {  	s23 =	simm.s32 $0x1BFF;
	s22 =	sshll.u32 s6, $0x1;
	s3 =	sadd.s32 s4, s20  }
0x14: {  	s7 =	simm.s32 $0x0;
	s21 =	sshll.u32 s5, $0x1;
	s5 =	sadd.s32 s22, s3  }
0x15: {  	[timem:s7], [sflag:s23] =	dma.local [hbm:s5], s21  }
0x16: {  	_ =	swait.ge [sflag:s23], s21  }
0x17: {  	s4 =	ssub.s32 $0x0, s21;
	[sflag:s23] =	ssyncset.done $0x0  }
0x18: {  	[sflag:s23] =	ssyncadd.s32 s4;
	_ =	sdelay $0x1  }
0x19: {  	s24 =	simm.s32 $0x1B8B  }
0x1a: {  	_ =	swait.ge [sflag:s24], $0x1  }
0x1b: {  	[sflag:s24] =	ssyncset.done $0x0  }
0x1c: {  	s26 =	simm.s32 $0x1B8E;
	s25 =	sld [smem:$0x3FFE];
	[sflag:s24] =	ssyncadd.s32 $0xFFFFFFFF  }
0x1d: {  	s27 =	simm.s32 $execute0_lowered;
	[smem:$0x3FD2] =	sst s26  }
0x1e: {  	s5 =	sshll.u32 s27, $0x1;
	_ =	strace $0x8000004F;
	[dreg:$0x1] =	wrdreg $0xFFFFFFFF  }
0x1f: {  	s28 =	simm.s32 $_size_execute0_lowered;
	s3 =	sadd.s32 s3, s5;
	[dreg:$0x0] =	wrdreg $0x0  }
0x20: {  	s5 =	sshll.u32 s28, $0x1;
	[dreg:$0x2] =	wrdreg s3  }
0x21: {  	[dreg:$0x3] =	wrdreg s5  }
0x22: {  	[dreg:$0x4] =	wrdreg $0xC0  }
0x23: {  	_ =	task [dreg:s7], $0x5FFFF  }
0x24: {  	[dreg:$0x1] =	wrdreg $0xFFFFFFFF  }
0x25: {  	[dreg:$0x0] =	wrdreg $0x60  }
0x26: {  	[dreg:$0x2] =	wrdreg s2  }
0x27: {  	[dreg:$0x3] =	wrdreg s25  }
0x28: {  	[dreg:$0x4] =	wrdreg $0x9  }
0x29: {  	_ =	task.clear_ibuf [dreg:s7], $0x5FFFF;
	_ =	strace $0x9000004F  }
0x2a: {  	s29 =	simm.s32 $0x9;
	_ =	strace $0x80000051  }
0x2b: {  	_ =	swait.ge [sflag:s29], $0x1  }
0x2c: {  	[sflag:s29] =	ssyncadd.s32 $0xFFFFFFFF  }
0x2d: {  	_ =	strace $0x90000051  }
0x2e: {  	_ =	sfence  }
0x2f: {  	s30 =	sld [smem:$0x0];
	_ =	sdelay $0x2  }
0x30: {  	s31 =	sshll.u32 s1, $0xD;
	s1 =	sshrl.u32 s1, $0x2  }
0x31: {  	s3 =	sand.u32 $0x4000, s31;
	s1 =	sadd.s32 s1, s30  }
0x32: {  	s0 =	sor.u32 s3, s0;
	s1 =	sshll.u32 s1, $0x11  }
0x33: {  	s0 =	sor.u32 s1, s0  }
0x34: {  	s0 =	sadd.s32 $0x8F2B, s0  }
0x35: {  	[sflag:s0] =	ssyncadd.remote.s32 $0x1  }
0x36: {  	_ =	sfence.sel $0xFFFF  }
0x37: {  	[dreg:$0x0] =	wrdreg $0xFFFFFFFF;
	(pc) =	sbr.abs _section_cstart, $3  }
0x38: {  	[dreg:$0x1] =	wrdreg $0xFFFFFFFF  }
0x39: {  	_ =	task.clear_ibuf [dreg:s7], $0x2FFFF;
	_ =	strace $0x9FFFFFFF  }
0x3a: {  	(tm) =	ssettm $0x7FFFFFFF  }
0x3b: {  	_ =	shalt  }
tec
execute0_lowered:
.L_overlay_start_1:
0x0: {  	(tag) =	ssettag $0x1  }
0x1: {  	s0 =	srdreg.scid  }
0x2: {  	s1 =	sshll.u32 s0, $0x4  }
0x3: {  	s0 =	stileid.u32;
	s1 =	sand.u32 $0x10, s1  }
0x4: {  	s3 =	rddreg [dreg:$0x0];
	s1 =	sor.u32 s0, s1  }
0x5: {  	s6 =	rddreg [dreg:$0x1];
	s7 =	simm.s32 $0x2;
	s2 =	sshll.u32 s1, $0x7  }
0x6: {  	s14 =	simm.s32 $0x0;
	s12 =	simm.s32 $0x0;
	s1 =	ssub.s32 $0x4000, s2  }
0x7: {  	s13 =	simm.s32 $0x0;
	s9 =	simm.s32 $0x0;
	s4 =	sand.u32 $0xF80, s1  }
0x8: {  	s10 =	simm.s32 $0x0;
	p0 =	sne.s32 s4, $0x0;
	s4 =	simm.s32 $0x1  }
.Ltmp0:
0x9: {  	s5 =	sshrl.u32 s1, $0xC;
	s4 =	simm.s32 @!p0 $0x0;
	(pc) =	sbr.rel .LBB1_1-.Ltmp0, $4  }
0xa: {  	s11 =	simm.s32 $0x0;
	s1 =	rddreg [dreg:$0x2];
	s5 =	sadd.s32 s4, s5  }
0xb: {  	_ =	strace $0x80000050;
	s4 =	simm.s32 $0x1;
	s5 =	smul.u32 $0x9, s5  }
0xc: {  	s6 =	sadd.s32 $0x2000, s6;
	s8 =	smov.u32 s2;
	[sflag:s4] =	ssyncpa.u1 $0x0  }
0xd: {  	p0 =	por $0x0, $0x0;
	[sflag:s7] =	ssyncpa.u1 $0x0;
	s7 =	sadd.s32 $0x1, s5  }
.LBB1_4:
0xe: {  	v5 =	vld [tilespmem:s18+$0xFFFFFFD0];
	[tilespmem:s17+$0x2040 ss:$0x81] =	vst.msk $0xffff, v1  }
0xf: {  	v58 =	vld [tilespmem:s18+$0xFFFFFFE0];
	[tilespmem:s17+$0x2850 ss:$0x81] =	vst.msk $0xffff, v2  }
0x10: {  	s19 =	sshra.s32 s19, $0x2;
	v59 =	vld [tilespmem:s18+$0xFFFFFFF0];
	[tilespmem:s17+$0x3060 ss:$0x81] =	vst.msk $0xffff, v3  }
0x11: {  	v60 =	vld [tilespmem:s18+$0x0];
	[tilespmem:s17+$0x0 ss:$0x81] =	vst.msk $0xffff, v0;
	s16 =	sadd.s32 s19, s16  }
0x12: {  	v61 =	vld [tilespmem:s18+$0x10];
	[tilespmem:s16+$0x3870 ss:$0x81] =	vst.msk $0xffff, v4  }
0x13: {  	v62 =	vld [tilespmem:s18+$0x20];
	s14 =	sshll.u32 s14, $0x7;
	s28 =	sshll.u32 s12, $0x3;
	[tilespmem:s16+$0x810 ss:$0x81] =	vst.msk $0xffff, v5  }
0x14: {  	v63 =	vld [tilespmem:s18+$0xFFFFFFC0];
	s29 =	sand.u32 $0x1FFC00, s14;
	s17 =	sand.u32 $0x1FFC00, s28;
	[tilespmem:s16+$0x1020 ss:$0x81] =	vst.msk $0xffff, v58  }
0x15: {  	s14 =	sand.u32 $0x380, s14;
	s17 =	sadd.s32 s17, s29;
	[tilespmem:s16+$0x1830 ss:$0x81] =	vst.msk $0xffff, v59  }
0x16: {  	s13 =	sshll.u32 s13, $0x12;
	s30 =	sshrl.u32 s12, $0x3;
	s14 =	sor.u32 s14, s17;
	[tilespmem:s16+$0x2040 ss:$0x81] =	vst.msk $0xffff, v60  }
0x17: {  	s13 =	sadd.s32 s6, s13;
	s17 =	sand.u32 $0xF, s30;
	s14 =	sshrl.u32 s14, $0x3;
	[tilespmem:s16+$0x2850 ss:$0x81] =	vst.msk $0xffff, v61  }
0x18: {  	s13 =	sadd.s32 s17, s13;
	[tilespmem:s16+$0x3060 ss:$0x81] =	vst.msk $0xffff, v62;
	s14 =	sand.u32 $0x3FFF0, s14  }
0x19: {  	s31 =	sand.u32 $0x7, s12;
	[tilespmem:s16+$0x0 ss:$0x81] =	vst.msk $0xffff, v63;
	s13 =	sadd.s32 s14, s13  }
0x1a: {  	[hbm4b:s13+s31] =	stream.linear.scatter [tilespmem:s15], [sflag:$0x2], $0x4000, $0x20;
	[tilespmem:$0x10100] =	vst v63  }
.LBB1_5:
0x1b: {  	s15 =	sadd.s32 $0x1000, s8  }
0x1c: {  	s12 =	sadd.s32 $0x80, s9;
	s16 =	smov.u32 s9;
	p2 =	sgt.s32 s15, $0x3FFF  }
0x1d: {  	s16 =	smov.u32 @p2 s12  }
0x1e: {  	s12 =	simm.s32 $0x1;
	p3 =	sgt.s32 s16, $0x7F  }
0x1f: {  	s12 =	simm.s32 @!p3 $0x0  }
0x20: {  	s18 =	sadd.s32 s12, s10  }
0x21: {  	s15 =	smov.u32 @p2 s2;
	p2 =	sgt.s32 s18, $0x8  }
0x22: {  	p1 =	slt.u32 s11, $0x2;
	s18 =	simm.s32 @p2 $0x0;
	p2 =	sne.s32 s11, s7  }
.Ltmp1:
0x23: {  	s17 =	simm.s32 @!p1 $0x2;
	(pc) =	sbr.rel @!p2 .LBB1_6-.Ltmp1, $4  }
0x24: {  	s14 =	smov.u32 s8;
	s13 =	smov.u32 s10;
	_ =	swait.ge @!p1 [sflag:s17], $0x4000  }
0x25: {  	p0 =	por !p0, !p0;
	[sflag:s17] =	ssyncset.done @!p1 $0x0;
	s8 =	smov.u32 s15  }
0x26: {  	s16 =	simm.s32 @p3 $0x0;
	[sflag:s17] =	ssyncadd.s32 @!p1 $0xFFFFC000;
	s12 =	smov.u32 s9  }
0x27: {  	s9 =	smov.u32 s16;
	s11 =	sadd.s32 $0x1, s11;
	s10 =	smov.u32 s18  }
.LBB1_1:
0x28: {  	p1 =	sge.u32 s11, s5;
	s31 =	sadd.s32 $0xFFFFFFFF, s11  }
0x29: {  	s15 =	sxor.u32 @!p1 $0xFFFFFFFF, s11;
	s16 =	sand.u32 @!p1 $0x78, s8;
	s17 =	sshll.u32 @!p1 s9, $0xE  }
0x2a: {  	s18 =	sshll.u32 @!p1 s9, $0x7;
	s19 =	sshll.u32 @!p1 s8, $0x3;
	s15 =	sshll.u32 @!p1 s15, $0xE  }
0x2b: {  	s17 =	sand.u32 @!p1 $0x1E0000, s17;
	s18 =	sand.u32 @!p1 $0x380, s18;
	s15 =	sand.u32 @!p1 $0x4000, s15  }
0x2c: {  	s17 =	sadd.s32 @!p1 s17, s19;
	s19 =	sand.u32 @!p1 $0x3C00, s19;
	s16 =	sor.u32 @!p1 s18, s16  }
0x2d: {  	s18 =	sshll.u32 @!p1 s10, $0x12;
	s16 =	sor.u32 @!p1 s19, s16;
	s17 =	sshrl.u32 @!p1 s17, $0x3  }
0x2e: {  	s18 =	sadd.s32 @!p1 s3, s18;
	s19 =	sand.u32 @!p1 $0x7, s8;
	s17 =	sand.u32 @!p1 $0x3F800, s17  }
0x2f: {  	s16 =	sshrl.u32 @!p1 s16, $0x3;
	s17 =	sadd.s32 @!p1 s17, s18;
	s18 =	sshll.u32 @!p1 s19, $0x12  }
0x30: {  	s16 =	sadd.s32 @!p1 s16, s17;
	s17 =	sor.u32 @!p1 $0x400, s18;
	s18 =	simm.s32 @!p1 $0x20000  }
0x31: {  	[tilespmem:s15], [sflag:$0x1] =	stream.strided.gather @!p1 [hbm4b:s16+s17], $0x4000, s18, s17, $0x38;
	[tilespmem:$0x10100] =	vst v63  }
0x32: {  	p1 =	sge.u32 s31, s5  }
.Ltmp2:
0x33: {  	_ = 	snop;
	(pc) =	sbr.rel @p1 .LBB1_5-.Ltmp2, $1  }
0x34: {  	_ =	sdelay $0x3  }
0x35: {  	s15 =	simm.s32 $0x1  }
0x36: {  	_ =	swait.ge [sflag:s4], $0x4000;
	s15 =	simm.s32 @!p0 $0x0  }
0x37: {  	[sflag:s4] =	ssyncset.done $0x0;
	s16 =	sshll.u32 s15, $0xE  }
0x38: {  	[sflag:s4] =	ssyncadd.s32 $0xFFFFC000;
	s18 =	sor.u32 $0x40, s16  }
0x39: {  	s15 =	smul.u32 $0x10200, s15;
	v0 =	vld [tilespmem:s18+$0x30]  }
0x3a: {  	v3 =	vld [tilespmem:s18+$0xFFFFFFD0]  }
0x3b: {  	s15 =	sshrl.u32 s15, $0x2;
	v4 =	vld [tilespmem:s18+$0xFFFFFFE0]  }
0x3c: {  	v5 =	vld [tilespmem:s18+$0xFFFFFFF0];
	s16 =	sor.u32 $0x8000, s15  }
0x3d: {  	s31 =	sand.u32 $0x1, s11;
	v1 =	vld [tilespmem:s18+$0x0];
	s17 =	sadd.s32 $0x0, s16  }
0x3e: {  	v2 =	vld [tilespmem:s18+$0x10];
	s15 =	smul.u32 $0x10200, s31;
	[tilespmem:s17+$0x3870 ss:$0x81] =	vst.msk $0xffff, v0  }
0x3f: {  	[tilespmem:s17+$0x810 ss:$0x81] =	vst.msk $0xffff, v3;
	v3 =	vld [tilespmem:s18+$0x20]  }
0x40: {  	s15 =	sshrl.u32 s15, $0x2;
	v0 =	vld [tilespmem:s18+$0xFFFFFFC0];
	[tilespmem:s17+$0x1020 ss:$0x81] =	vst.msk $0xffff, v4;
	s18 =	sadd.s32 $0x80, s18  }
0x41: {  	s19 =	simm.s32 $0x4;
	s20 =	simm.s32 $0x8;
	s15 =	sor.u32 $0x8000, s15;
	[tilespmem:s17+$0x1830 ss:$0x81] =	vst.msk $0xffff, v5;
	v4 =	vld [tilespmem:s18+$0x30]  }
.LBB1_3:
0x42: {  	p1 =	sne.s32 s20, $0x1FC;
	v5 =	vld [tilespmem:s18+$0xFFFFFFD0];
	[tilespmem:s17+$0x2040 ss:$0x81] =	vst.msk $0xffff, v1  }
0x43: {  	v6 =	vld [tilespmem:s18+$0xFFFFFFE0];
	[tilespmem:s17+$0x2850 ss:$0x81] =	vst.msk $0xffff, v2  }
0x44: {  	s21 =	sshra.s32 s19, $0x2;
	s19 =	smov.u32 s20;
	v7 =	vld [tilespmem:s18+$0xFFFFFFF0];
	[tilespmem:s17+$0x3060 ss:$0x81] =	vst.msk $0xffff, v3  }
.Ltmp3:
0x45: {  	v1 =	vld [tilespmem:s18+$0x0];
	[tilespmem:s17+$0x0 ss:$0x81] =	vst.msk $0xffff, v0;
	s17 =	sadd.s32 s21, s16;
	(pc) =	sbr.rel @p1 .LBB1_3-.Ltmp3, $4  }
0x46: {  	v2 =	vld [tilespmem:s18+$0x10];
	[tilespmem:s17+$0x3870 ss:$0x81] =	vst.msk $0xffff, v4  }
0x47: {  	[tilespmem:s17+$0x810 ss:$0x81] =	vst.msk $0xffff, v5;
	v3 =	vld [tilespmem:s18+$0x20]  }
0x48: {  	v0 =	vld [tilespmem:s18+$0xFFFFFFC0];
	[tilespmem:s17+$0x1020 ss:$0x81] =	vst.msk $0xffff, v6;
	s18 =	sadd.s32 $0x80, s18  }
0x49: {  	s20 =	sadd.s32 $0x4, s20;
	v4 =	vld [tilespmem:s18+$0x30];
	[tilespmem:s17+$0x1830 ss:$0x81] =	vst.msk $0xffff, v7  }
.Ltmp4:
0x4a: {  	_ = 	snop;
	(pc) =	sbr.rel .LBB1_4-.Ltmp4, $1  }
0x4b: {  	_ =	sdelay $0x3  }
.LBB1_6:
0x4c: {  	_ =	sfence.sel $0x180000  }
0x4d: {  	s2 =	simm.s32 $0x1;
	[bflag:$0x0] =	sbarrier.arrive $0xFFFF  }
0x4e: {  	s31 =	simm.s32 $0x2;
	[sflag:s2] =	ssyncpa.u1 $0x1  }
0x4f: {  	[sflag:s31] =	ssyncpa.u1 $0x1  }
0x50: {  	p0 =	sne.s32 s0, $0x0;
	_ =	strace $0x90000050  }
0x51: {  	s0 =	sadd.s32 @!p0 $0x100000, s1;
	[bflag:$0x2] =	sbarrier.arrive $0xFFFF  }
0x52: {  	[sflag:s0] =	ssyncadd.tile.s32 @!p0 $0x1;
	_ =	shalt  }
.Lfunc_end1:
_tile_overlayer_lowered:
.L_overlay_start_2:
0x53: {  	(tag) =	ssettag $0x2  }
0x54: {  	s0 =	rddreg [dreg:$0x0];
	s2 =	stileid.u32  }
0x55: {  	s1 =	rddreg [dreg:$0x1];
	p0 =	sne.s32 s2, $0x0  }
0x56: {  	s3 =	rddreg [dreg:$0x2];
	[bflag:$0x3] =	sbarrier.arrive $0xFFFF;
	s2 =	simm.s32 @!p0 $0x1C01  }
0x57: {  	[timem:s3], [sflag:s2] =	dma.local @!p0 [hbm:s0], s1  }
0x58: {  	s0 =	simm.s32 @!p0 $0x1  }
0x59: {  	_ =	swait.ge @!p0 [sflag:s0], s1  }
0x5a: {  	s1 =	ssub.s32 @!p0 $0x0, s1;
	[sflag:s0] =	ssyncset.done @!p0 $0x0  }
0x5b: {  	[sflag:s0] =	ssyncadd.s32 @!p0 s1  }
0x5c: {  	[bflag:$0x3] =	sbarrier.arrive $0xFFFF  }
0x5d: {  	_ =	shalt  }

// kernel: sparse-core-data-format-call.cloned.1.call-start
scs
called_computation_lowered:
.L_overlay_start_0:
0x0: {  	s2 =	sld [smem:$0x3FD9]  }
0x1: {  	s3 =	sld [smem:$0x3FFE];
	_ =	sdelay $0x1  }
0x2: {  	s1 =	srdreg.scid  }
0x3: {  	s0 =	sand.u32 $0x1, s1  }
0x4: {  	s18 =	sshll.u32 s0, $0xA;
	s2 =	sadd.s32 s3, s2  }
0x5: {  	s2 =	sadd.s32 s2, s18  }
0x6: {  	[smem:$0x3FC4] =	sst s2  }
0x7: {  	_ = 	snop  }
0x8: {  	s2 =	sld [smem:$0x3FD0];
	(tm) =	ssettm $0x1  }
0x9: {  	s19 =	sld [smem:$0x3FFB];
	_ =	sdelay $0x3  }
0xa: {  	_ =	strace s19  }
0xb: {  	s3 =	sld [smem:$0x3FFC];
	_ =	sdelay $0x3  }
0xc: {  	_ =	strace s3  }
0xd: {  	s3 =	sld [smem:$0x3FFD];
	_ =	sdelay $0x3  }
0xe: {  	_ =	strace s3  }
0xf: {  	_ =	strace $0x8FFFFFFF  }
0x10: {  	s20 =	sld [smem:$0x3FDB];
	_ =	sdelay $0x1  }
0x11: {  	s4 =	simm.s32 $_scs_section_size  }
0x12: {  	s5 =	simm.s32 $_size__tile_overlayer_lowered;
	s6 =	simm.s32 $_tile_overlayer_lowered  }
0x13: {  	s23 =	simm.s32 $0x1BFF;
	s22 =	sshll.u32 s6, $0x1;
	s3 =	sadd.s32 s4, s20  }
0x14: {  	s7 =	simm.s32 $0x0;
	s21 =	sshll.u32 s5, $0x1;
	s5 =	sadd.s32 s22, s3  }
0x15: {  	[timem:s7], [sflag:s23] =	dma.local [hbm:s5], s21  }
0x16: {  	_ =	swait.ge [sflag:s23], s21  }
0x17: {  	s4 =	ssub.s32 $0x0, s21;
	[sflag:s23] =	ssyncset.done $0x0  }
0x18: {  	[sflag:s23] =	ssyncadd.s32 s4;
	_ =	sdelay $0x1  }
0x19: {  	s24 =	simm.s32 $0x1B8B  }
0x1a: {  	_ =	swait.ge [sflag:s24], $0x1  }
0x1b: {  	[sflag:s24] =	ssyncset.done $0x0  }
0x1c: {  	s26 =	simm.s32 $0x1B8E;
	s25 =	sld [smem:$0x3FFE];
	[sflag:s24] =	ssyncadd.s32 $0xFFFFFFFF  }
0x1d: {  	s27 =	simm.s32 $execute0_lowered;
	[smem:$0x3FD2] =	sst s26  }
0x1e: {  	s5 =	sshll.u32 s27, $0x1;
	_ =	strace $0x80000052;
	[dreg:$0x1] =	wrdreg $0xFFFFFFFF  }
0x1f: {  	s28 =	simm.s32 $_size_execute0_lowered;
	s3 =	sadd.s32 s3, s5;
	[dreg:$0x0] =	wrdreg $0x0  }
0x20: {  	s5 =	sshll.u32 s28, $0x1;
	[dreg:$0x2] =	wrdreg s3  }
0x21: {  	[dreg:$0x3] =	wrdreg s5  }
0x22: {  	[dreg:$0x4] =	wrdreg $0xC0  }
0x23: {  	_ =	task [dreg:s7], $0x5FFFF  }
0x24: {  	[dreg:$0x1] =	wrdreg $0xFFFFFFFF  }
0x25: {  	[dreg:$0x0] =	wrdreg $0x60  }
0x26: {  	[dreg:$0x2] =	wrdreg s25  }
0x27: {  	[dreg:$0x3] =	wrdreg s2  }
0x28: {  	[dreg:$0x4] =	wrdreg $0x9  }
0x29: {  	_ =	task.clear_ibuf [dreg:s7], $0x5FFFF;
	_ =	strace $0x90000052  }
0x2a: {  	s29 =	simm.s32 $0x9;
	_ =	strace $0x80000054  }
0x2b: {  	_ =	swait.ge [sflag:s29], $0x1  }
0x2c: {  	[sflag:s29] =	ssyncadd.s32 $0xFFFFFFFF  }
0x2d: {  	_ =	strace $0x90000054  }
0x2e: {  	_ =	sfence  }
0x2f: {  	s30 =	sld [smem:$0x0];
	_ =	sdelay $0x2  }
0x30: {  	s31 =	sshll.u32 s1, $0xD;
	s1 =	sshrl.u32 s1, $0x2  }
0x31: {  	s3 =	sand.u32 $0x4000, s31;
	s1 =	sadd.s32 s1, s30  }
0x32: {  	s0 =	sor.u32 s3, s0;
	s1 =	sshll.u32 s1, $0x11  }
0x33: {  	s0 =	sor.u32 s1, s0  }
0x34: {  	s0 =	sadd.s32 $0x8F2B, s0  }
0x35: {  	[sflag:s0] =	ssyncadd.remote.s32 $0x1  }
0x36: {  	_ =	sfence.sel $0xFFFF  }
0x37: {  	[dreg:$0x0] =	wrdreg $0xFFFFFFFF;
	(pc) =	sbr.abs _section_cstart, $3  }
0x38: {  	[dreg:$0x1] =	wrdreg $0xFFFFFFFF  }
0x39: {  	_ =	task.clear_ibuf [dreg:s7], $0x2FFFF;
	_ =	strace $0x9FFFFFFF  }
0x3a: {  	(tm) =	ssettm $0x7FFFFFFF  }
0x3b: {  	_ =	shalt  }
tec
execute0_lowered:
.L_overlay_start_1:
0x0: {  	(tag) =	ssettag $0x1  }
0x1: {  	s0 =	stileid.u32;
	s1 =	srdreg.scid  }
0x2: {  	s2 =	sshll.u32 s0, $0x6;
	s1 =	sshll.u32 s1, $0xA  }
0x3: {  	s1 =	sor.u32 s2, s1  }
0x4: {  	s7 =	rddreg [dreg:$0x0];
	s1 =	sand.u32 $0x780, s1  }
0x5: {  	s8 =	simm.s32 $0x2;
	s2 =	sand.u32 $0x1, s0;
	s3 =	ssub.s32 $0x2000, s1  }
0x6: {  	s9 =	simm.s32 $0x0;
	s4 =	ssub.s32 $0x2, s2;
	s5 =	sand.u32 $0x780, s3  }
0x7: {  	s6 =	sshrl.u32 s4, $0x1;
	p0 =	sne.s32 s5, $0x0;
	s5 =	simm.s32 $0x1  }
0x8: {  	s4 =	sand.u32 $0x1, s4;
	s3 =	sshrl.u32 s3, $0xB;
	s5 =	simm.s32 @!p0 $0x0  }
0x9: {  	s10 =	simm.s32 $0x0;
	s6 =	sadd.s32 s4, s6;
	s3 =	sadd.s32 s5, s3  }
0xa: {  	s15 =	simm.s32 $0x0;
	s16 =	simm.s32 $0x0;
	s6 =	smul.u32 s3, s6  }
.Ltmp0:
0xb: {  	s17 =	simm.s32 $0x0;
	s13 =	simm.s32 $0x0;
	(pc) =	sbr.rel .LBB1_1-.Ltmp0, $4  }
0xc: {  	s14 =	simm.s32 $0x0;
	s4 =	rddreg [dreg:$0x1];
	s5 =	simm.s32 $0x1  }
0xd: {  	s3 =	rddreg [dreg:$0x2];
	_ =	strace $0x80000053;
	s6 =	smul.u32 $0x9, s6  }
0xe: {  	s7 =	sadd.s32 $0x2000, s7;
	s12 =	smov.u32 s2;
	[sflag:s5] =	ssyncpa.u1 $0x0  }
0xf: {  	s11 =	smov.u32 s1;
	[sflag:s8] =	ssyncpa.u1 $0x0;
	s8 =	sadd.s32 $0x1, s6  }
.LBB1_4:
0x10: {  	_ =	sdelay $0x3  }
0x11: {  	[tilespmem:v0+s19+$0xFFFFFFA0 ss:$0x1] =	vst.idx.msk $0xffff, v6  }
0x12: {  	v56 =	vld.idx.msk [tilespmem:v1+s20+$0x30 ss:$0x1], $0xffff;
	[tilespmem:v0+s19+$0xFFFFFFB0 ss:$0x1] =	vst.idx.msk $0xffff, v4  }
0x13: {  	v57 =	vld.idx.msk [tilespmem:v1+s20+$0xFFFFFFC0 ss:$0x1], $0xffff;
	[tilespmem:v0+s19+$0xFFFFFFC0 ss:$0x1] =	vst.idx.msk $0xffff, v2  }
0x14: {  	v58 =	vld.idx.msk [tilespmem:v1+s20+$0xFFFFFFD0 ss:$0x1], $0xffff;
	[tilespmem:v0+s19+$0xFFFFFFD0 ss:$0x1] =	vst.idx.msk $0xffff, v3  }
0x15: {  	v59 =	vld.idx.msk [tilespmem:v1+s20+$0xFFFFFFE0 ss:$0x1], $0xffff;
	[tilespmem:v0+s19+$0xFFFFFFE0 ss:$0x1] =	vst.idx.msk $0xffff, v5  }
0x16: {  	v60 =	vld.idx.msk [tilespmem:v1+s20+$0xFFFFFFF0 ss:$0x1], $0xffff;
	[tilespmem:v0+s19+$0xFFFFFFF0 ss:$0x1] =	vst.idx.msk $0xffff, v7  }
0x17: {  	v61 =	vld.idx.msk [tilespmem:v1+s20+$0x0 ss:$0x1], $0xffff;
	[tilespmem:v0+s20+$0x0 ss:$0x1] =	vst.idx.msk $0xffff, v56  }
0x18: {  	v62 =	vld.idx.msk [tilespmem:v1+s20+$0x10 ss:$0x1], $0xffff;
	[tilespmem:v0+s20+$0xFFFFFF90 ss:$0x1] =	vst.idx.msk $0xffff, v57  }
0x19: {  	v63 =	vld.idx.msk [tilespmem:v1+s20+$0x20 ss:$0x1], $0xffff;
	[tilespmem:v0+s20+$0xFFFFFFA0 ss:$0x1] =	vst.idx.msk $0xffff, v58  }
0x1a: {  	[tilespmem:v0+s20+$0xFFFFFFB0 ss:$0x1] =	vst.idx.msk $0xffff, v59  }
0x1b: {  	s16 =	smul.u32 $0x120000, s16;
	s17 =	sshll.u32 s17, $0x11;
	[tilespmem:v0+s20+$0xFFFFFFC0 ss:$0x1] =	vst.idx.msk $0xffff, v60  }
0x1c: {  	s15 =	sshll.u32 s15, $0x4;
	s17 =	sadd.s32 s4, s17;
	[tilespmem:v0+s20+$0xFFFFFFD0 ss:$0x1] =	vst.idx.msk $0xffff, v61  }
0x1d: {  	s15 =	sand.u32 $0x1FFF0, s15;
	s16 =	sadd.s32 s16, s17;
	[tilespmem:v0+s20+$0xFFFFFFE0 ss:$0x1] =	vst.idx.msk $0xffff, v62  }
0x1e: {  	s15 =	sadd.s32 s15, s16;
	[tilespmem:v0+s20+$0xFFFFFFF0 ss:$0x1] =	vst.idx.msk $0xffff, v63  }
0x1f: {  	[hbm4b:s15+s9] =	stream.linear.scatter [tilespmem:s18], [sflag:$0x2], $0x4000, $0x38;
	[tilespmem:$0x10000] =	vst v63  }
.LBB1_5:
0x20: {  	s18 =	sadd.s32 $0x800, s11  }
0x21: {  	s15 =	sadd.s32 $0x2, s12;
	s19 =	smov.u32 s12;
	p1 =	sgt.s32 s18, $0x1FFF  }
0x22: {  	s19 =	smov.u32 @p1 s15  }
0x23: {  	s15 =	simm.s32 $0x1;
	p2 =	sgt.s32 s19, $0x1  }
0x24: {  	s15 =	simm.s32 @!p2 $0x0  }
0x25: {  	s21 =	sadd.s32 s15, s13  }
0x26: {  	s18 =	smov.u32 @p1 s1;
	p1 =	sgt.s32 s21, $0x8  }
0x27: {  	p0 =	slt.u32 s14, $0x2;
	s21 =	simm.s32 @p1 $0x0;
	p1 =	sne.s32 s14, s8  }
.Ltmp1:
0x28: {  	s20 =	simm.s32 @!p0 $0x2;
	(pc) =	sbr.rel @!p1 .LBB1_6-.Ltmp1, $4  }
0x29: {  	s16 =	smov.u32 s12;
	s17 =	smov.u32 s13;
	_ =	swait.ge @!p0 [sflag:s20], $0x4000  }
0x2a: {  	s10 =	sadd.s32 $0x4000, s10;
	[sflag:s20] =	ssyncset.done @!p0 $0x0;
	s19 =	smov.u32 @p2 s2  }
0x2b: {  	[sflag:s20] =	ssyncadd.s32 @!p0 $0xFFFFC000;
	s15 =	smov.u32 s11;
	s11 =	smov.u32 s18  }
0x2c: {  	s12 =	smov.u32 s19;
	s14 =	sadd.s32 $0x1, s14;
	s13 =	smov.u32 s21  }
.LBB1_1:
0x2d: {  	p0 =	sge.u32 s14, s6  }
0x2e: {  	s31 =	sadd.s32 $0xFFFFFFFF, s14;
	s18 =	sxor.u32 @!p0 $0xFFFFFFFF, s14;
	s19 =	sshll.u32 @!p0 s13, $0x12  }
0x2f: {  	s20 =	sshll.u32 @!p0 s12, $0x11;
	s21 =	sshll.u32 @!p0 s11, $0x4;
	s19 =	sadd.s32 @!p0 s7, s19  }
0x30: {  	s18 =	sshll.u32 @!p0 s18, $0xE;
	s21 =	sand.u32 @!p0 $0x1FFF0, s21;
	s19 =	sadd.s32 @!p0 s20, s19  }
0x31: {  	s18 =	sand.u32 @!p0 $0x4000, s18;
	s20 =	simm.s32 @!p0 $0x0;
	s19 =	sadd.s32 @!p0 s21, s19  }
0x32: {  	[tilespmem:s18], [sflag:$0x1] =	stream.linear.gather @!p0 [hbm4b:s19+s20], $0x4000, $0x38;
	[tilespmem:$0x10000] =	vst v63  }
0x33: {  	p0 =	sge.u32 s31, s6  }
.Ltmp2:
0x34: {  	_ = 	snop;
	(pc) =	sbr.rel @p0 .LBB1_5-.Ltmp2, $1  }
0x35: {  	_ =	sdelay $0x3  }
0x36: {  	s18 =	sand.u32 $0x4000, s10  }
0x37: {  	s19 =	sor.u32 $0x40, s18  }
0x38: {  	v1 =	vmov s19;
	_ =	sdelay $0x1  }
0x39: {  	_ =	swait.ge [sflag:s5], $0x4000  }
0x3a: {  	[sflag:s5] =	ssyncset.done $0x0  }
0x3b: {  	[sflag:s5] =	ssyncadd.s32 $0xFFFFC000;
	s19 =	simm.s32 $0x0  }
0x3c: {  	s18 =	sor.u32 $0x8070, s18;
	v7 =	vld.idx.msk [tilespmem:v1+s19+$0x30 ss:$0x1], $0xffff  }
0x3d: {  	v0 =	vmov s18;
	v8 =	vld.idx.msk [tilespmem:v1+s19+$0xFFFFFFC0 ss:$0x1], $0xffff  }
0x3e: {  	v6 =	vld.idx.msk [tilespmem:v1+s19+$0xFFFFFFD0 ss:$0x1], $0xffff  }
0x3f: {  	v4 =	vld.idx.msk [tilespmem:v1+s19+$0xFFFFFFE0 ss:$0x1], $0xffff  }
0x40: {  	v2 =	vld.idx.msk [tilespmem:v1+s19+$0xFFFFFFF0 ss:$0x1], $0xffff  }
0x41: {  	s31 =	sshll.u32 s14, $0xE;
	v3 =	vld.idx.msk [tilespmem:v1+s19+$0x0 ss:$0x1], $0xffff  }
0x42: {  	s18 =	sand.u32 $0x4000, s31;
	v5 =	vld.idx.msk [tilespmem:v1+s19+$0x10 ss:$0x1], $0xffff;
	[tilespmem:v0+s19+$0x0 ss:$0x1] =	vst.idx.msk $0xffff, v7  }
0x43: {  	s20 =	simm.s32 $0x80;
	s21 =	simm.s32 $0x400;
	s18 =	sor.u32 $0x8000, s18;
	[tilespmem:v0+s19+$0xFFFFFF90 ss:$0x1] =	vst.idx.msk $0xffff, v8;
	v7 =	vld.idx.msk [tilespmem:v1+s19+$0x20 ss:$0x1], $0xffff  }
.LBB1_3:
0x44: {  	p0 =	sne.s32 s21, $0xFE00;
	v8 =	vld.idx.msk [tilespmem:v1+s20+$0x30 ss:$0x1], $0xffff;
	[tilespmem:v0+s19+$0xFFFFFFA0 ss:$0x1] =	vst.idx.msk $0xffff, v6  }
0x45: {  	v9 =	vld.idx.msk [tilespmem:v1+s20+$0xFFFFFFC0 ss:$0x1], $0xffff;
	[tilespmem:v0+s19+$0xFFFFFFB0 ss:$0x1] =	vst.idx.msk $0xffff, v4  }
0x46: {  	v6 =	vld.idx.msk [tilespmem:v1+s20+$0xFFFFFFD0 ss:$0x1], $0xffff;
	[tilespmem:v0+s19+$0xFFFFFFC0 ss:$0x1] =	vst.idx.msk $0xffff, v2  }
.Ltmp3:
0x47: {  	v4 =	vld.idx.msk [tilespmem:v1+s20+$0xFFFFFFE0 ss:$0x1], $0xffff;
	[tilespmem:v0+s19+$0xFFFFFFD0 ss:$0x1] =	vst.idx.msk $0xffff, v3;
	(pc) =	sbr.rel @p0 .LBB1_3-.Ltmp3, $4  }
0x48: {  	v2 =	vld.idx.msk [tilespmem:v1+s20+$0xFFFFFFF0 ss:$0x1], $0xffff;
	[tilespmem:v0+s19+$0xFFFFFFE0 ss:$0x1] =	vst.idx.msk $0xffff, v5  }
0x49: {  	v3 =	vld.idx.msk [tilespmem:v1+s20+$0x0 ss:$0x1], $0xffff;
	[tilespmem:v0+s19+$0xFFFFFFF0 ss:$0x1] =	vst.idx.msk $0xffff, v7;
	s19 =	smov.u32 s20  }
0x4a: {  	v5 =	vld.idx.msk [tilespmem:v1+s19+$0x10 ss:$0x1], $0xffff;
	[tilespmem:v0+s19+$0x0 ss:$0x1] =	vst.idx.msk $0xffff, v8  }
0x4b: {  	s20 =	sshra.s32 s21, $0x2;
	s21 =	sadd.s32 $0x200, s21;
	[tilespmem:v0+s19+$0xFFFFFF90 ss:$0x1] =	vst.idx.msk $0xffff, v9;
	v7 =	vld.idx.msk [tilespmem:v1+s19+$0x20 ss:$0x1], $0xffff  }
.Ltmp4:
0x4c: {  	_ = 	snop;
	(pc) =	sbr.rel .LBB1_4-.Ltmp4, $1  }
0x4d: {  	_ =	sdelay $0x3  }
.LBB1_6:
0x4e: {  	_ =	sfence.sel $0x180000  }
0x4f: {  	s1 =	simm.s32 $0x1;
	[bflag:$0x0] =	sbarrier.arrive $0xFFFF  }
0x50: {  	s31 =	simm.s32 $0x2;
	[sflag:s1] =	ssyncpa.u1 $0x1  }
0x51: {  	[sflag:s31] =	ssyncpa.u1 $0x1  }
0x52: {  	p0 =	sne.s32 s0, $0x0;
	_ =	strace $0x90000053  }
0x53: {  	s0 =	sadd.s32 @!p0 $0x100000, s3;
	[bflag:$0x2] =	sbarrier.arrive $0xFFFF  }
0x54: {  	[sflag:s0] =	ssyncadd.tile.s32 @!p0 $0x1;
	_ =	shalt  }
.Lfunc_end1:
_tile_overlayer_lowered:
.L_overlay_start_2:
0x55: {  	(tag) =	ssettag $0x2  }
0x56: {  	s0 =	rddreg [dreg:$0x0];
	s2 =	stileid.u32  }
0x57: {  	s1 =	rddreg [dreg:$0x1];
	p0 =	sne.s32 s2, $0x0  }
0x58: {  	s3 =	rddreg [dreg:$0x2];
	[bflag:$0x3] =	sbarrier.arrive $0xFFFF;
	s2 =	simm.s32 @!p0 $0x1C01  }
0x59: {  	[timem:s3], [sflag:s2] =	dma.local @!p0 [hbm:s0], s1  }
0x5a: {  	s0 =	simm.s32 @!p0 $0x1  }
0x5b: {  	_ =	swait.ge @!p0 [sflag:s0], s1  }
0x5c: {  	s1 =	ssub.s32 @!p0 $0x0, s1;
	[sflag:s0] =	ssyncset.done @!p0 $0x0  }
0x5d: {  	[sflag:s0] =	ssyncadd.s32 @!p0 s1  }
0x5e: {  	[bflag:$0x3] =	sbarrier.arrive $0xFFFF  }
0x5f: {  	_ =	shalt  }

</sc_bundles>
